<compile_context>
chip_gen: v7x
topology: tpu7x:2x2x1
jax: 0.10.2.dev20260603
libtpu: 0.0.44.dev20260713+nightly
codegen_flags: <defaults>
</compile_context>

<pallas_src>
import numpy as np
import jax
import jax.numpy as jnp
from jax import lax
from jax.experimental import pallas as pl
from jax.experimental.pallas import tpu as pltpu
from jax.experimental.pallas import tpu_sc as plsc

HID = 256
NH = 8
HD = 32
CUTOFF = 5.0
F32 = jnp.float32


def _silu(x):
    return x * jax.nn.sigmoid(x)


def _pack_bf16_pair(a, b):
    ia = lax.bitcast_convert_type(a, jnp.int32)
    ib = lax.bitcast_convert_type(b, jnp.int32)
    ra = (ia + 0x7FFF + ((ia >> 16) & 1)) >> 16
    rb = (ib + 0x7FFF + ((ib >> 16) & 1)) & jnp.int32(-65536)
    return (ra & 0xFFFF) | rb


def _unpack_bf16_pair(x):
    lo = lax.bitcast_convert_type(x << 16, F32)
    hi = lax.bitcast_convert_type(x & jnp.int32(-65536), F32)
    return lo, hi



def _node_pre_body(x_ref, vecf_ref, lnw_ref, lnb_ref, wq_ref, bq_ref,
                   wk_ref, bk_ref, wv_ref, bv_ref, w1_ref, w2_ref, w3_ref,
                   qd_ref, kvv_ref, vec3_ref, vdot_ref):
    xb = x_ref[...]
    mu = jnp.mean(xb, axis=1, keepdims=True)
    xc = xb - mu
    var = jnp.mean(xc * xc, axis=1, keepdims=True)
    xn = xc * lax.rsqrt(var + 1e-5) * lnw_ref[...] + lnb_ref[...]
    HH = HID // 2
    q = jnp.dot(xn, wq_ref[...], preferred_element_type=F32) + bq_ref[...]
    qd_ref[...] = _pack_bf16_pair(q[:, 0:HH], q[:, HH:HID])
    k = jnp.dot(xn, wk_ref[...], preferred_element_type=F32) + bk_ref[...]
    kvv_ref[:, 0:HH] = _pack_bf16_pair(k[:, 0:HH], k[:, HH:HID])
    v = jnp.dot(xn, wv_ref[...], preferred_element_type=F32) + bv_ref[...]
    for p in range(3):
        kvv_ref[:, HH + p * HH:HH + (p + 1) * HH] = _pack_bf16_pair(
            v[:, p * HID:p * HID + HH], v[:, p * HID + HH:(p + 1) * HID])
    rowi = lax.broadcasted_iota(jnp.int32, (HID, HID), 0)
    coli = lax.broadcasted_iota(jnp.int32, (HID, HID), 1)
    s_eo = (rowi == 2 * coli - 255 * (coli >= HH)).astype(F32)
    vecf = vecf_ref[...]
    vdot = jnp.zeros_like(xb)
    for c in range(3):
        vc = vecf[:, c * HID:(c + 1) * HID]
        v1 = jnp.dot(vc, w1_ref[...], preferred_element_type=F32)
        v2 = jnp.dot(vc, w2_ref[...], preferred_element_type=F32)
        v3 = jnp.dot(vc, w3_ref[...], preferred_element_type=F32)
        vdot = vdot + v1 * v2
        vec3_ref[:, c * HID:(c + 1) * HID] = v3
        vc_eo = jnp.dot(vc, s_eo, preferred_element_type=F32)
        kvv_ref[:, 4 * HH + c * HH:4 * HH + (c + 1) * HH] = _pack_bf16_pair(
            vc_eo[:, 0:HH], vc_eo[:, HH:HID])
    vdot_ref[...] = vdot


def _node_pre(x, vecf, ln_w, ln_b, Wq, bq, Wk, bk, Wv, bv, W1, W2, W3):
    n = x.shape[0]
    BN = 400
    assert n % BN == 0
    grid = n // BN
    row = lambda i: (i, 0)
    full = lambda i: (0, 0)
    return pl.pallas_call(
        _node_pre_body,
        grid=(grid,),
        in_specs=[
            pl.BlockSpec((BN, HID), row),
            pl.BlockSpec((BN, 3 * HID), row),
            pl.BlockSpec((1, HID), full),
            pl.BlockSpec((1, HID), full),
            pl.BlockSpec((HID, HID), full),
            pl.BlockSpec((1, HID), full),
            pl.BlockSpec((HID, HID), full),
            pl.BlockSpec((1, HID), full),
            pl.BlockSpec((HID, 3 * HID), full),
            pl.BlockSpec((1, 3 * HID), full),
            pl.BlockSpec((HID, HID), full),
            pl.BlockSpec((HID, HID), full),
            pl.BlockSpec((HID, HID), full),
        ],
        out_specs=[
            pl.BlockSpec((BN, HID // 2), row),
            pl.BlockSpec((BN, 7 * HID // 2), row),
            pl.BlockSpec((BN, 3 * HID), row),
            pl.BlockSpec((BN, HID), row),
        ],
        out_shape=[
            jax.ShapeDtypeStruct((n, HID // 2), jnp.int32),
            jax.ShapeDtypeStruct((n, 7 * HID // 2), jnp.int32),
            jax.ShapeDtypeStruct((n, 3 * HID), F32),
            jax.ShapeDtypeStruct((n, HID), F32),
        ],
    )(x, vecf, ln_w, ln_b, Wq, bq, Wk, bk, Wv, bv, W1, W2, W3)



def _sc_gather_body_factory(E, EPW, CG, NCHUNK, NC):
    def body(qd_hbm, kvv_hbm, src_hbm, dst_hbm, qi_hbm, kvvj_hbm,
             idxs, idxd, bufq, bufk, sem):
        cid = lax.axis_index("c")
        sid = lax.axis_index("s")
        wid = sid * NC + cid
        base = pl.multiple_of(wid * EPW, 8)
        pltpu.sync_copy(src_hbm.at[pl.ds(base, EPW)], idxs)
        pltpu.sync_copy(dst_hbm.at[pl.ds(base, EPW)], idxd)

        def chunk(i, carry):
            off = pl.multiple_of(i * CG, 8)
            pltpu.async_copy(qd_hbm.at[idxd.at[pl.ds(off, CG)]], bufq, sem).wait()
            pltpu.sync_copy(bufq, qi_hbm.at[pl.ds(base + off, CG)])
            pltpu.async_copy(kvv_hbm.at[idxs.at[pl.ds(off, CG)]], bufk, sem).wait()
            pltpu.sync_copy(bufk, kvvj_hbm.at[pl.ds(base + off, CG)])
            return carry

        lax.fori_loop(0, NCHUNK, chunk, 0)
    return body


def _sc_gather(qd, kvv, src, dst):
    E = src.shape[0]
    NW = 32
    NC = 2
    EPW = E // NW
    CG = 40
    assert E % NW == 0 and EPW % CG == 0
    NCHUNK = EPW // CG
    mesh = plsc.VectorSubcoreMesh(core_axis_name="c", subcore_axis_name="s")
    fn = pl.kernel(
        _sc_gather_body_factory(E, EPW, CG, NCHUNK, NC),
        out_type=[
            jax.ShapeDtypeStruct((E, HID // 2), jnp.int32),
            jax.ShapeDtypeStruct((E, 7 * HID // 2), jnp.int32),
        ],
        mesh=mesh,
        scratch_types=[
            pltpu.VMEM((EPW,), jnp.int32),
            pltpu.VMEM((EPW,), jnp.int32),
            pltpu.VMEM((CG, HID // 2), jnp.int32),
            pltpu.VMEM((CG, 7 * HID // 2), jnp.int32),
            pltpu.SemaphoreType.DMA,
        ],
    )
    return fn(qd, kvv, src, dst)



def _edge_body(f_ref, r_ref, dij_ref, qi_ref, kvv_ref,
               wdk_ref, bdk_ref, wdv_ref, bdv_ref, msg_ref):
    HH = HID // 2
    f = f_ref[...].astype(jnp.bfloat16)
    dk = _silu(jnp.dot(f, wdk_ref[...], preferred_element_type=F32) + bdk_ref[...])
    dv = _silu(jnp.dot(f, wdv_ref[...], preferred_element_type=F32) + bdv_ref[...])
    klo, khi = _unpack_bf16_pair(kvv_ref[...])
    qlo, qhi = _unpack_bf16_pair(qi_ref[...])
    t = (qlo * klo[:, 0:HH] * dk[:, 0:HH]
         + qhi * khi[:, 0:HH] * dk[:, HH:HID])
    rowi = lax.broadcasted_iota(jnp.int32, (HH, HH), 0) // (HD // 2)
    coli = lax.broadcasted_iota(jnp.int32, (HH, HH), 1) // (HD // 2)
    P2 = (rowi == coli).astype(jnp.bfloat16)
    a = jnp.dot(t.astype(jnp.bfloat16), P2, preferred_element_type=F32)
    r = r_ref[...]
    cut = 0.5 * (jnp.cos(r * (np.pi / CUTOFF)) + 1.0) * (r < CUTOFF).astype(F32)
    attn = _silu(a) * cut
    msg_ref[0, :, :] = klo[:, HH:2 * HH] * dv[:, 0:HH] * attn
    msg_ref[1, :, :] = khi[:, HH:2 * HH] * dv[:, HH:HID] * attn
    m1_ev = klo[:, 2 * HH:3 * HH] * dv[:, HID:HID + HH]
    m1_od = khi[:, 2 * HH:3 * HH] * dv[:, HID + HH:2 * HID]
    m2_ev = klo[:, 3 * HH:4 * HH] * dv[:, 2 * HID:2 * HID + HH]
    m2_od = khi[:, 3 * HH:4 * HH] * dv[:, 2 * HID + HH:3 * HID]
    dij = dij_ref[...]
    for c in range(3):
        dc = dij[:, c:c + 1]
        msg_ref[2 + 2 * c, :, :] = klo[:, (4 + c) * HH:(5 + c) * HH] * m1_ev + dc * m2_ev
        msg_ref[3 + 2 * c, :, :] = khi[:, (4 + c) * HH:(5 + c) * HH] * m1_od + dc * m2_od


def _edge_msgs(f_ij, r2, d_ij, qi, kvvj, Wdk, bdk, Wdv, bdv, e0, ne):
    NRBF = f_ij.shape[1]
    BE = 640
    assert ne % BE == 0 and e0 % BE == 0
    grid = ne // BE
    ob = e0 // BE
    row = lambda i: (i + ob, 0)
    full = lambda i: (0, 0)
    return pl.pallas_call(
        _edge_body,
        grid=(grid,),
        in_specs=[
            pl.BlockSpec((BE, NRBF), row),
            pl.BlockSpec((BE, 1), row),
            pl.BlockSpec((BE, 3), row),
            pl.BlockSpec((BE, HID // 2), row),
            pl.BlockSpec((BE, 7 * HID // 2), row),
            pl.BlockSpec((NRBF, HID), full),
            pl.BlockSpec((1, HID), full),
            pl.BlockSpec((NRBF, 3 * HID), full),
            pl.BlockSpec((1, 3 * HID), full),
        ],
        out_specs=[pl.BlockSpec((8, BE, HID // 2), lambda i: (0, i, 0))],
        out_shape=[jax.ShapeDtypeStruct((8, ne, HID // 2), F32)],
    )(f_ij, r2, d_ij, qi, kvvj, Wdk, bdk, Wdv, bdv)[0]



def _sc_scatter_body_factory(NP, E, EPT, CS, NCH, ZROWS, NPASS, preload):
    def body(msg_hbm, dst3_hbm, *rest):
        if preload:
            prev_hbm, agg_hbm, idx2, mbuf, zbuf, acc = rest
        else:
            agg_hbm, idx2, mbuf, zbuf, acc = rest
        cid = lax.axis_index("c")
        sid = lax.axis_index("s")
        r0 = pl.multiple_of(sid * ZROWS, 8)

        def zbody(i, carry):
            zbuf[i // 8, pl.ds((i % 8) * 16, 16)] = jnp.zeros((16,), F32)
            return carry
        lax.fori_loop(0, CS * 8, zbody, 0)

        pltpu.sync_copy(dst3_hbm.at[sid], idx2)
        for p in range(NPASS):
            slab = cid * NPASS + p

            if preload:
                pltpu.sync_copy(prev_hbm.at[slab, pl.ds(r0, ZROWS)],
                                acc.at[pl.ds(r0, ZROWS)])
            else:
                def zcopy(j, carry):
                    pltpu.sync_copy(zbuf, acc.at[pl.ds(r0 + j * CS, CS)])
                    return carry
                lax.fori_loop(0, ZROWS // CS, zcopy, 0)
            plsc.subcore_barrier()

            def sbody(i, carry):
                e0 = pl.multiple_of(sid * EPT + i * CS, 8)
                pltpu.sync_copy(msg_hbm.at[slab, pl.ds(e0, CS)], mbuf)
                pltpu.sync_copy(mbuf, acc.at[idx2.at[i]], add=True)
                return carry
            lax.fori_loop(0, NCH, sbody, 0)
            plsc.subcore_barrier()
            pltpu.sync_copy(acc.at[pl.ds(r0, ZROWS)],
                            agg_hbm.at[slab, pl.ds(r0, ZROWS)])
    return body


def _sc_scatter(msg, dst3, NP, prev=None):
    E = msg.shape[1]
    NT = 16
    CS = dst3.shape[2]
    EPT = E // NT
    NCH = EPT // CS
    ZROWS = NP // NT
    NPASS = 4
    assert E % NT == 0 and EPT % CS == 0 and NP % NT == 0 and ZROWS % 8 == 0
    mesh = plsc.VectorSubcoreMesh(core_axis_name="c", subcore_axis_name="s")
    fn = pl.kernel(
        _sc_scatter_body_factory(NP, E, EPT, CS, NCH, ZROWS, NPASS, prev is not None),
        out_type=[jax.ShapeDtypeStruct((8, NP, HID // 2), F32)],
        mesh=mesh,
        scratch_types=[
            pltpu.VMEM((NCH, CS), jnp.int32),
            pltpu.VMEM((CS, 128), F32),
            pltpu.VMEM((CS, 128), F32),
            pltpu.VMEM_SHARED((NP, 128), F32),
        ],
    )
    if prev is not None:
        return fn(msg, dst3, prev)[0]
    return fn(msg, dst3)[0]



def _node_post_body(agg_ref, vdot_ref, vec3_ref, wo_ref, bo_ref,
                    dx_ref, dvec_ref):
    agg = agg_ref[...]
    x_agg = jnp.concatenate([agg[0], agg[1]], axis=1)
    o = jnp.dot(x_agg, wo_ref[...], preferred_element_type=F32) + bo_ref[...]
    o1 = o[:, 0:HID]
    o2 = o[:, HID:2 * HID]
    o3 = o[:, 2 * HID:3 * HID]
    dx_ref[...] = vdot_ref[...] * o2 + o3
    HH = HID // 2
    rowi = lax.broadcasted_iota(jnp.int32, (HID, HID), 0)
    coli = lax.broadcasted_iota(jnp.int32, (HID, HID), 1)
    p_il = (coli == 2 * rowi - 255 * (rowi >= HH)).astype(F32)
    vec3 = vec3_ref[...]
    for c in range(3):
        vag = jnp.concatenate([agg[2 + 2 * c], agg[3 + 2 * c]], axis=1)
        vag = jnp.dot(vag, p_il, preferred_element_type=F32)
        dvec_ref[:, c * HID:(c + 1) * HID] = (
            vec3[:, c * HID:(c + 1) * HID] * o1 + vag)


def _node_post(agg, vdot, vec3, Wo, bo):
    n = vdot.shape[0]
    BN = 400
    assert n % BN == 0
    grid = n // BN
    row = lambda i: (i, 0)
    full = lambda i: (0, 0)
    return pl.pallas_call(
        _node_post_body,
        grid=(grid,),
        in_specs=[
            pl.BlockSpec((8, BN, HID // 2), lambda i: (0, i, 0)),
            pl.BlockSpec((BN, HID), row),
            pl.BlockSpec((BN, 3 * HID), row),
            pl.BlockSpec((HID, 3 * HID), full),
            pl.BlockSpec((1, 3 * HID), full),
        ],
        out_specs=[
            pl.BlockSpec((BN, HID), row),
            pl.BlockSpec((BN, 3 * HID), row),
        ],
        out_shape=[
            jax.ShapeDtypeStruct((n, HID), F32),
            jax.ShapeDtypeStruct((n, 3 * HID), F32),
        ],
    )(agg, vdot, vec3, Wo, bo)



def kernel(x, vec, edge_index, r_ij, f_ij, d_ij, ln_w, ln_b, Wq, bq, Wk, bk,
           Wv, bv, Wo, bo, Wvec, Wdk, bdk, Wdv, bdv):
    n = x.shape[0]
    E = edge_index.shape[1]
    perm = np.array([h * (3 * HD) + p * HD + dd
                     for p in range(3) for h in range(NH) for dd in range(HD)],
                    dtype=np.int32)
    eo = np.concatenate([np.arange(0, HID, 2), np.arange(1, HID, 2)]).astype(np.int32)
    perm2 = perm.reshape(3, HID)[:, eo].reshape(3 * HID)
    Wv = Wv[:, perm2]
    bv = bv[perm2]
    Wdv = Wdv[:, perm2]
    bdv = bdv[perm2]
    Wq = Wq[:, eo]
    bq = bq[eo]
    Wk = Wk[:, eo]
    bk = bk[eo]
    Wdk = Wdk[:, eo]
    bdk = bdk[eo]
    Wo = Wo[eo, :]
    vecf = vec.reshape(n, 3 * HID)
    src = edge_index[0]
    dst = edge_index[1]
    r2 = r_ij.reshape(E, 1)
    row1 = lambda a: a.reshape(1, -1)

    qd, kvv, vec3, vdot = _node_pre(
        x, vecf, row1(ln_w), row1(ln_b), Wq, row1(bq), Wk, row1(bk),
        Wv, row1(bv), Wvec[:, 0:HID], Wvec[:, HID:2 * HID], Wvec[:, 2 * HID:3 * HID])

    qi, kvvj = _sc_gather(qd, kvv, src, dst)

    EH = E // 2
    wdkb = Wdk.astype(jnp.bfloat16)
    wdvb = Wdv.astype(jnp.bfloat16)
    msgA = _edge_msgs(f_ij, r2, d_ij, qi, kvvj, wdkb, row1(bdk), wdvb, row1(bdv), 0, EH)
    msgB = _edge_msgs(f_ij, r2, d_ij, qi, kvvj, wdkb, row1(bdk), wdvb, row1(bdv), EH, EH)

    NP = 10240
    dstA3 = dst[:EH].reshape(16, EH // (16 * 40), 40)
    dstB3 = dst[EH:].reshape(16, EH // (16 * 40), 40)
    aggA = _sc_scatter(msgA, dstA3, NP)
    agg = _sc_scatter(msgB, dstB3, NP, prev=aggA)

    dx, dvecf = _node_post(agg, vdot, vec3, Wo, row1(bo))
    return (dx, dvecf.reshape(n, 3, HID))

# --- scband reference (transcript-rebuilt; emitter-appended) ---
"""Pipeline reference for scband-torch-md-etf2-d-15479062134809 (READ-ONLY COPY).

The authoritative reference and input builder live on the scoring server;
editing this copy changes nothing except your own understanding.
"""

import jax, jax.numpy as jnp
import numpy as np

N = 10000
E = 160000
HIDDEN = 256
NUM_RBF = 64
H = 8
D = HIDDEN // H
CUTOFF_UPPER = 5.0


def cosine_cutoff(r):
    return 0.5 * (jnp.cos(r * jnp.pi / CUTOFF_UPPER) + 1.0) * (r < CUTOFF_UPPER).astype(r.dtype)


def layernorm(x, w, b, eps=1e-5):
    mu = x.mean(-1, keepdims=True)
    var = ((x - mu) ** 2).mean(-1, keepdims=True)
    return (x - mu) / jnp.sqrt(var + eps) * w + b


def setup_inputs(seed: int = 0):
    key = jax.random.key(seed)
    ks = jax.random.split(key, 24)
    s_h = 1.0 / np.sqrt(HIDDEN)
    s_r = 1.0 / np.sqrt(NUM_RBF)
    inp = {}
    inp["x"] = jax.random.normal(ks[0], (N, HIDDEN), dtype=jnp.float32)
    inp["vec"] = jax.random.normal(ks[1], (N, 3, HIDDEN), dtype=jnp.float32)
    inp["edge_index"] = jax.random.randint(ks[2], (2, E), 0, N, dtype=jnp.int32)
    inp["r_ij"] = jax.random.uniform(ks[3], (E,), dtype=jnp.float32)
    inp["f_ij"] = jax.random.normal(ks[4], (E, NUM_RBF), dtype=jnp.float32)
    inp["d_ij"] = jax.random.normal(ks[5], (E, 3), dtype=jnp.float32)
    inp["ln_w"] = jnp.ones((HIDDEN,), jnp.float32)
    inp["ln_b"] = jnp.zeros((HIDDEN,), jnp.float32)
    inp["Wq"] = jax.random.normal(ks[6], (HIDDEN, HIDDEN), dtype=jnp.float32) * s_h
    inp["bq"] = jnp.zeros((HIDDEN,), jnp.float32)
    inp["Wk"] = jax.random.normal(ks[7], (HIDDEN, HIDDEN), dtype=jnp.float32) * s_h
    inp["bk"] = jnp.zeros((HIDDEN,), jnp.float32)
    inp["Wv"] = jax.random.normal(ks[8], (HIDDEN, 3 * HIDDEN), dtype=jnp.float32) * s_h
    inp["bv"] = jnp.zeros((3 * HIDDEN,), jnp.float32)
    inp["Wo"] = jax.random.normal(ks[9], (HIDDEN, 3 * HIDDEN), dtype=jnp.float32) * s_h
    inp["bo"] = jnp.zeros((3 * HIDDEN,), jnp.float32)
    inp["Wvec"] = jax.random.normal(ks[10], (HIDDEN, 3 * HIDDEN), dtype=jnp.float32) * s_h
    inp["Wdk"] = jax.random.normal(ks[11], (NUM_RBF, HIDDEN), dtype=jnp.float32) * s_r
    inp["bdk"] = jnp.zeros((HIDDEN,), jnp.float32)
    inp["Wdv"] = jax.random.normal(ks[12], (NUM_RBF, 3 * HIDDEN), dtype=jnp.float32) * s_r
    inp["bdv"] = jnp.zeros((3 * HIDDEN,), jnp.float32)
    return inp


def reference(x, vec, edge_index, r_ij, f_ij, d_ij, ln_w, ln_b, Wq, bq, Wk, bk, Wv, bv, Wo, bo, Wvec, Wdk, bdk, Wdv, bdv):
    act = jax.nn.silu
    xn = layernorm(x, ln_w, ln_b)
    q = (xn @ Wq + bq).reshape(-1, H, D)
    k = (xn @ Wk + bk).reshape(-1, H, D)
    v = (xn @ Wv + bv).reshape(-1, H, 3 * D)
    vecp = vec @ Wvec
    vec1, vec2, vec3 = jnp.split(vecp, 3, axis=-1)
    vec_r = vec.reshape(-1, 3, H, D)
    vec_dot = (vec1 * vec2).sum(axis=1)
    dk = act(f_ij @ Wdk + bdk).reshape(-1, H, D)
    dv = act(f_ij @ Wdv + bdv).reshape(-1, H, 3 * D)
    src = edge_index[0]
    dst = edge_index[1]
    q_i = q[dst]
    k_j = k[src]
    v_j = v[src] * dv
    vec_j = vec_r[src]
    attn = (q_i * k_j * dk).sum(axis=-1)
    attn = act(attn) * cosine_cutoff(r_ij)[:, None]
    xm, m1, m2 = jnp.split(v_j, 3, axis=2)
    xm = xm * attn[:, :, None]
    vecm = vec_j * m1[:, None, :, :] + m2[:, None, :, :] * d_ij[:, :, None, None]
    n = x.shape[0]
    x_agg = jnp.zeros((n, H, D), xm.dtype).at[dst].add(xm).reshape(n, HIDDEN)
    vec_agg = jnp.zeros((n, 3, H, D), vecm.dtype).at[dst].add(vecm).reshape(n, 3, HIDDEN)
    o1, o2, o3 = jnp.split(x_agg @ Wo + bo, 3, axis=1)
    dx = vec_dot * o2 + o3
    dvec = vec3 * o1[:, None, :] + vec_agg
    return (dx, dvec)

if __name__ == "__main__":
    import jax
    _d = setup_inputs()
    print(jax.jit(kernel)(*tuple(_d.values())))

</pallas_src>

<mosaic_0001>
#map = affine_map<(d0, d1) -> (0, 0, 0)>
module attributes {stable_mosaic.version = 14 : i64} {
  func.func @body(%arg0: i32, %arg1: i32, %arg2: memref<8x80000x128xf32, #tpu.memory_space<hbm>>, %arg3: memref<16x125x40xi32, #tpu.memory_space<hbm>>, %arg4: memref<8x10240x128xf32, #tpu.memory_space<hbm>>, %arg5: memref<125x40xi32, #tpu.memory_space<vmem>>, %arg6: memref<40x128xf32, #tpu.memory_space<vmem>>, %arg7: memref<40x128xf32, #tpu.memory_space<vmem>>, %arg8: memref<10240x128xf32, #tpu.memory_space<vmem_shared>>) attributes {dimension_semantics = [#tpu.dimension_semantics<core_parallel>, #tpu.dimension_semantics<subcore_parallel>], iteration_bounds = array<i64: 2, 16>, scalar_prefetch = 0 : i64, scratch_operands = 4 : i64, tpu.core_type = #tpu.core_type<sc_vector_subcore>, window_params = [{transform_indices = #map}, {transform_indices = #map}, {transform_indices = #map}]} {
    %mul3A = arith.constant 640 : i32
    %mul3A_0 = arith.muli %arg1, %mul3A : i32
    %multiple_of3A = tpu.assume_multiple %mul3A_0, 8 : i32
    %scan3A = arith.constant 0 : i32
    %scan3A_1 = arith.constant 0 : i32
    %scan3A_2 = arith.constant 320 : i32
    %scan3A_3 = arith.addi %scan3A_1, %scan3A_2 : i32
    %scan3A_4 = arith.constant 1 : i32
    scf.for %scan3A_76 = %scan3A_1 to %scan3A_3 step %scan3A_4  : i32 {
      %broadcast_in_dim3A = arith.constant 0.000000e+00 : f32
      %broadcast_in_dim3A_77 = vector.broadcast %broadcast_in_dim3A : f32 to vector<16xf32>
      %jit3A = arith.constant 8 : i32
      %div3A = arith.divsi %scan3A_76, %jit3A : i32
      %sign3A = arith.constant 0 : i32
      %sign3A_78 = arith.cmpi sgt, %scan3A_76, %sign3A : i32
      %sign3A_79 = arith.extui %sign3A_78 : i1 to i32
      %sign3A_80 = arith.constant 0 : i32
      %sign3A_81 = arith.cmpi slt, %scan3A_76, %sign3A_80 : i32
      %sign3A_82 = arith.extui %sign3A_81 : i1 to i32
      %sign3A_83 = arith.subi %sign3A_79, %sign3A_82 : i32
      %sign3A_84 = arith.constant 0 : i32
      %sign3A_85 = arith.cmpi sgt, %jit3A, %sign3A_84 : i32
      %sign3A_86 = arith.extui %sign3A_85 : i1 to i32
      %sign3A_87 = arith.constant 0 : i32
      %sign3A_88 = arith.cmpi slt, %jit3A, %sign3A_87 : i32
      %sign3A_89 = arith.extui %sign3A_88 : i1 to i32
      %sign3A_90 = arith.subi %sign3A_86, %sign3A_89 : i32
      %ne3A = arith.cmpi ne, %sign3A_83, %sign3A_90 : i32
      %rem3A = arith.remsi %scan3A_76, %jit3A : i32
      %ne3A_91 = arith.constant 0 : i32
      %ne3A_92 = arith.cmpi ne, %rem3A, %ne3A_91 : i32
      %and3A = arith.andi %ne3A, %ne3A_92 : i1
      %sub3A = arith.constant 1 : i32
      %sub3A_93 = arith.subi %div3A, %sub3A : i32
      %select_n3A = arith.select %and3A, %sub3A_93, %div3A : i32
      %jit3A_94 = arith.constant 8 : i32
      %eq3A = arith.constant 0 : i32
      %eq3A_95 = arith.cmpi eq, %jit3A_94, %eq3A : i32
      %jit3A_96 = arith.constant 1 : i32
      %select_n3A_97 = arith.select %eq3A_95, %jit3A_96, %jit3A_94 : i32
      %rem3A_98 = arith.remsi %scan3A_76, %select_n3A_97 : i32
      %ne3A_99 = arith.constant 0 : i32
      %ne3A_100 = arith.cmpi ne, %rem3A_98, %ne3A_99 : i32
      %lt3A = arith.constant 0 : i32
      %lt3A_101 = arith.cmpi slt, %rem3A_98, %lt3A : i32
      %lt3A_102 = arith.constant 0 : i32
      %lt3A_103 = arith.cmpi slt, %select_n3A_97, %lt3A_102 : i32
      %ne3A_104 = arith.xori %lt3A_101, %lt3A_103 : i1
      %and3A_105 = arith.andi %ne3A_104, %ne3A_100 : i1
      %add3A_106 = arith.addi %rem3A_98, %select_n3A_97 : i32
      %select_n3A_107 = arith.select %and3A_105, %add3A_106, %rem3A_98 : i32
      %mul3A_108 = arith.constant 16 : i32
      %mul3A_109 = arith.muli %select_n3A_107, %mul3A_108 : i32
      %swap3A = arith.index_cast %select_n3A : i32 to index
      %swap3A_110 = arith.index_cast %mul3A_109 : i32 to index
      %swap3A_111 = tpu.vector_load %arg7[%swap3A, %swap3A_110] {strides = array<i32>} : memref<40x128xf32, #tpu.memory_space<vmem>>, vector<1x16xf32>,
      %swap3A_112 = vector.shape_cast %swap3A_111 : vector<1x16xf32> to vector<16xf32>
      %swap3A_113 = vector.shape_cast %broadcast_in_dim3A_77 : vector<16xf32> to vector<1x16xf32>
      tpu.vector_store %arg7[%swap3A, %swap3A_110], %swap3A_113 {strides = array<i32>} : memref<40x128xf32, #tpu.memory_space<vmem>>, vector<1x16xf32>,
    }
    %scan3A_5 = arith.constant 320 : i32
    "tpu.region"() ({
      %run_scoped3A = tpu.sem_alloc : memref<!tpu.dma_semaphore, #tpu.memory_space<semaphore_mem>>
      %dma_start3A = arith.constant 0 : i32
      %dma_start3A_76 = arith.constant 0 : i32
      %dma_start3A_77 = tpu.memref_slice %arg3[%arg1, %dma_start3A, %dma_start3A_76] : memref<16x125x40xi32, #tpu.memory_space<hbm>> -> memref<1x125x40xi32, #tpu.memory_space<hbm>>
      %dma_start3A_78 = tpu.memref_squeeze %dma_start3A_77 : memref<1x125x40xi32, #tpu.memory_space<hbm>> -> memref<125x40xi32, #tpu.memory_space<hbm>>
      %dma_start3A_79 = arith.constant 0 : i32
      %dma_start3A_80 = arith.constant 0 : i32
      %dma_start3A_81 = tpu.memref_slice %arg3[%arg1, %dma_start3A_79, %dma_start3A_80] : memref<16x125x40xi32, #tpu.memory_space<hbm>> -> memref<1x125x40xi32, #tpu.memory_space<hbm>>
      %dma_start3A_82 = tpu.memref_squeeze %dma_start3A_81 : memref<1x125x40xi32, #tpu.memory_space<hbm>> -> memref<125x40xi32, #tpu.memory_space<hbm>>
      tpu.enqueue_dma source(%dma_start3A_82 : memref<125x40xi32, #tpu.memory_space<hbm>>) target(%arg5 : memref<125x40xi32, #tpu.memory_space<vmem>>) target_semaphore(%run_scoped3A : memref<!tpu.dma_semaphore, #tpu.memory_space<semaphore_mem>>)
      %dma_wait3A = arith.constant 0 : i32
      %dma_wait3A_83 = arith.constant 0 : i32
      %dma_wait3A_84 = tpu.memref_slice %arg3[%arg1, %dma_wait3A, %dma_wait3A_83] : memref<16x125x40xi32, #tpu.memory_space<hbm>> -> memref<1x125x40xi32, #tpu.memory_space<hbm>>
      %dma_wait3A_85 = tpu.memref_squeeze %dma_wait3A_84 : memref<1x125x40xi32, #tpu.memory_space<hbm>> -> memref<125x40xi32, #tpu.memory_space<hbm>>
      %dma_wait3A_86 = arith.constant 0 : i32
      %dma_wait3A_87 = arith.constant 0 : i32
      %dma_wait3A_88 = tpu.memref_slice %arg3[%arg1, %dma_wait3A_86, %dma_wait3A_87] : memref<16x125x40xi32, #tpu.memory_space<hbm>> -> memref<1x125x40xi32, #tpu.memory_space<hbm>>
      %dma_wait3A_89 = tpu.memref_squeeze %dma_wait3A_88 : memref<1x125x40xi32, #tpu.memory_space<hbm>> -> memref<125x40xi32, #tpu.memory_space<hbm>>
      tpu.wait_dma2 semaphore(%run_scoped3A : memref<!tpu.dma_semaphore, #tpu.memory_space<semaphore_mem>>) src(%dma_wait3A_89 : memref<125x40xi32, #tpu.memory_space<hbm>>) dst(%arg5 : memref<125x40xi32, #tpu.memory_space<vmem>>)
      tpu.yield
    }) : () -> ()
    %mul3A_6 = arith.constant 4 : i32
    %mul3A_7 = arith.muli %arg0, %mul3A_6 : i32
    %add3A = arith.constant 0 : i32
    %add3A_8 = arith.addi %mul3A_7, %add3A : i32
    %scan3A_9 = arith.constant 0 : i32
    %scan3A_10 = arith.constant 0 : i32
    %scan3A_11 = arith.constant 16 : i32
    %scan3A_12 = arith.addi %scan3A_10, %scan3A_11 : i32
    %scan3A_13 = arith.constant 1 : i32
    scf.for %scan3A_76 = %scan3A_10 to %scan3A_12 step %scan3A_13  : i32 {
      %mul3A_77 = arith.constant 40 : i32
      %mul3A_78 = arith.muli %scan3A_76, %mul3A_77 : i32
      %add3A_79 = arith.addi %multiple_of3A, %mul3A_78 : i32
      "tpu.region"() ({
        %run_scoped3A = tpu.sem_alloc : memref<!tpu.dma_semaphore, #tpu.memory_space<semaphore_mem>>
        %dma_start3A = arith.constant 0 : i32
        %dma_start3A_80 = tpu.memref_slice %arg8[%add3A_79, %dma_start3A] : memref<10240x128xf32, #tpu.memory_space<vmem_shared>> -> memref<40x128xf32, #tpu.memory_space<vmem_shared>>
        %dma_start3A_81 = arith.constant 0 : i32
        %dma_start3A_82 = tpu.memref_slice %arg8[%add3A_79, %dma_start3A_81] : memref<10240x128xf32, #tpu.memory_space<vmem_shared>> -> memref<40x128xf32, #tpu.memory_space<vmem_shared>>
        tpu.enqueue_dma source(%arg7 : memref<40x128xf32, #tpu.memory_space<vmem>>) target(%dma_start3A_82 : memref<40x128xf32, #tpu.memory_space<vmem_shared>>) target_semaphore(%run_scoped3A : memref<!tpu.dma_semaphore, #tpu.memory_space<semaphore_mem>>)
        %dma_wait3A = arith.constant 0 : i32
        %dma_wait3A_83 = tpu.memref_slice %arg8[%add3A_79, %dma_wait3A] : memref<10240x128xf32, #tpu.memory_space<vmem_shared>> -> memref<40x128xf32, #tpu.memory_space<vmem_shared>>
        %dma_wait3A_84 = arith.constant 0 : i32
        %dma_wait3A_85 = tpu.memref_slice %arg8[%add3A_79, %dma_wait3A_84] : memref<10240x128xf32, #tpu.memory_space<vmem_shared>> -> memref<40x128xf32, #tpu.memory_space<vmem_shared>>
        tpu.wait_dma2 semaphore(%run_scoped3A : memref<!tpu.dma_semaphore, #tpu.memory_space<semaphore_mem>>) src(%arg7 : memref<40x128xf32, #tpu.memory_space<vmem>>) dst(%dma_wait3A_85 : memref<40x128xf32, #tpu.memory_space<vmem_shared>>)
        tpu.yield
      }) : () -> ()
    }
    %scan3A_14 = arith.constant 16 : i32
    %barrier3A = arith.constant 0 : index
    tpu.barrier barrier_id(%barrier3A)
    %scan3A_15 = arith.constant 0 : i32
    %scan3A_16 = arith.constant 0 : i32
    %scan3A_17 = arith.constant 125 : i32
    %scan3A_18 = arith.addi %scan3A_16, %scan3A_17 : i32
    %scan3A_19 = arith.constant 1 : i32
    scf.for %scan3A_76 = %scan3A_16 to %scan3A_18 step %scan3A_19  : i32 {
      %mul3A_77 = arith.constant 5000 : i32
      %mul3A_78 = arith.muli %arg1, %mul3A_77 : i32
      %mul3A_79 = arith.constant 40 : i32
      %mul3A_80 = arith.muli %scan3A_76, %mul3A_79 : i32
      %add3A_81 = arith.addi %mul3A_78, %mul3A_80 : i32
      %multiple_of3A_82 = tpu.assume_multiple %add3A_81, 8 : i32
      "tpu.region"() ({
        %run_scoped3A = tpu.sem_alloc : memref<!tpu.dma_semaphore, #tpu.memory_space<semaphore_mem>>
        %dma_start3A = arith.constant 0 : i32
        %dma_start3A_83 = tpu.memref_slice %arg2[%add3A_8, %multiple_of3A_82, %dma_start3A] : memref<8x80000x128xf32, #tpu.memory_space<hbm>> -> memref<1x40x128xf32, #tpu.memory_space<hbm>>
        %dma_start3A_84 = tpu.memref_squeeze %dma_start3A_83 : memref<1x40x128xf32, #tpu.memory_space<hbm>> -> memref<40x128xf32, #tpu.memory_space<hbm>>
        %dma_start3A_85 = arith.constant 0 : i32
        %dma_start3A_86 = tpu.memref_slice %arg2[%add3A_8, %multiple_of3A_82, %dma_start3A_85] : memref<8x80000x128xf32, #tpu.memory_space<hbm>> -> memref<1x40x128xf32, #tpu.memory_space<hbm>>
        %dma_start3A_87 = tpu.memref_squeeze %dma_start3A_86 : memref<1x40x128xf32, #tpu.memory_space<hbm>> -> memref<40x128xf32, #tpu.memory_space<hbm>>
        tpu.enqueue_dma source(%dma_start3A_87 : memref<40x128xf32, #tpu.memory_space<hbm>>) target(%arg6 : memref<40x128xf32, #tpu.memory_space<vmem>>) target_semaphore(%run_scoped3A : memref<!tpu.dma_semaphore, #tpu.memory_space<semaphore_mem>>)
        %dma_wait3A = arith.constant 0 : i32
        %dma_wait3A_88 = tpu.memref_slice %arg2[%add3A_8, %multiple_of3A_82, %dma_wait3A] : memref<8x80000x128xf32, #tpu.memory_space<hbm>> -> memref<1x40x128xf32, #tpu.memory_space<hbm>>
        %dma_wait3A_89 = tpu.memref_squeeze %dma_wait3A_88 : memref<1x40x128xf32, #tpu.memory_space<hbm>> -> memref<40x128xf32, #tpu.memory_space<hbm>>
        %dma_wait3A_90 = arith.constant 0 : i32
        %dma_wait3A_91 = tpu.memref_slice %arg2[%add3A_8, %multiple_of3A_82, %dma_wait3A_90] : memref<8x80000x128xf32, #tpu.memory_space<hbm>> -> memref<1x40x128xf32, #tpu.memory_space<hbm>>
        %dma_wait3A_92 = tpu.memref_squeeze %dma_wait3A_91 : memref<1x40x128xf32, #tpu.memory_space<hbm>> -> memref<40x128xf32, #tpu.memory_space<hbm>>
        tpu.wait_dma2 semaphore(%run_scoped3A : memref<!tpu.dma_semaphore, #tpu.memory_space<semaphore_mem>>) src(%dma_wait3A_92 : memref<40x128xf32, #tpu.memory_space<hbm>>) dst(%arg6 : memref<40x128xf32, #tpu.memory_space<vmem>>)
        tpu.yield
      }) : () -> ()
      "tpu.region"() ({
        %run_scoped3A = tpu.sem_alloc : memref<!tpu.dma_semaphore, #tpu.memory_space<semaphore_mem>>
        %dma_start3A = arith.constant 0 : i32
        %dma_start3A_83 = tpu.memref_slice %arg5[%scan3A_76, %dma_start3A] : memref<125x40xi32, #tpu.memory_space<vmem>> -> memref<1x40xi32, #tpu.memory_space<vmem>>
        %dma_start3A_84 = tpu.memref_squeeze %dma_start3A_83 : memref<1x40xi32, #tpu.memory_space<vmem>> -> memref<40xi32, #tpu.memory_space<vmem>>
        %dma_start3A_85 = arith.constant 0 : i32
        %dma_start3A_86 = arith.constant 0 : i32
        %dma_start3A_87 = tpu.memref_slice %arg8[%dma_start3A_85, %dma_start3A_86] : memref<10240x128xf32, #tpu.memory_space<vmem_shared>> -> memref<10240x128xf32, #tpu.memory_space<vmem_shared>>
        tpu.enqueue_indirect_dma source(%arg6 : memref<40x128xf32, #tpu.memory_space<vmem>>) target(%dma_start3A_87 : memref<10240x128xf32, #tpu.memory_space<vmem_shared>>) offsets(%dma_start3A_84 : memref<40xi32, #tpu.memory_space<vmem>>) semaphore(%run_scoped3A : memref<!tpu.dma_semaphore, #tpu.memory_space<semaphore_mem>>) {add = true}
        %dma_wait3A = arith.constant 0 : i32
        %dma_wait3A_88 = tpu.memref_slice %arg5[%scan3A_76, %dma_wait3A] : memref<125x40xi32, #tpu.memory_space<vmem>> -> memref<1x40xi32, #tpu.memory_space<vmem>>
        %dma_wait3A_89 = tpu.memref_squeeze %dma_wait3A_88 : memref<1x40xi32, #tpu.memory_space<vmem>> -> memref<40xi32, #tpu.memory_space<vmem>>
        %dma_wait3A_90 = arith.constant 0 : i32
        %dma_wait3A_91 = arith.constant 0 : i32
        %dma_wait3A_92 = tpu.memref_slice %arg8[%dma_wait3A_90, %dma_wait3A_91] : memref<10240x128xf32, #tpu.memory_space<vmem_shared>> -> memref<10240x128xf32, #tpu.memory_space<vmem_shared>>
        tpu.wait_indirect_dma semaphore(%run_scoped3A : memref<!tpu.dma_semaphore, #tpu.memory_space<semaphore_mem>>) src(%arg6 : memref<40x128xf32, #tpu.memory_space<vmem>>) dst(%dma_wait3A_92 : memref<10240x128xf32, #tpu.memory_space<vmem_shared>>)
        tpu.yield
      }) : () -> ()
    }
    %scan3A_20 = arith.constant 125 : i32
    %barrier3A_21 = arith.constant 0 : index
    tpu.barrier barrier_id(%barrier3A_21)
    "tpu.region"() ({
      %run_scoped3A = tpu.sem_alloc : memref<!tpu.dma_semaphore, #tpu.memory_space<semaphore_mem>>
      %dma_start3A = arith.constant 0 : i32
      %dma_start3A_76 = tpu.memref_slice %arg4[%add3A_8, %multiple_of3A, %dma_start3A] : memref<8x10240x128xf32, #tpu.memory_space<hbm>> -> memref<1x640x128xf32, #tpu.memory_space<hbm>>
      %dma_start3A_77 = tpu.memref_squeeze %dma_start3A_76 : memref<1x640x128xf32, #tpu.memory_space<hbm>> -> memref<640x128xf32, #tpu.memory_space<hbm>>
      %dma_start3A_78 = arith.constant 0 : i32
      %dma_start3A_79 = tpu.memref_slice %arg8[%multiple_of3A, %dma_start3A_78] : memref<10240x128xf32, #tpu.memory_space<vmem_shared>> -> memref<640x128xf32, #tpu.memory_space<vmem_shared>>
      tpu.enqueue_dma source(%dma_start3A_79 : memref<640x128xf32, #tpu.memory_space<vmem_shared>>) target(%dma_start3A_77 : memref<640x128xf32, #tpu.memory_space<hbm>>) target_semaphore(%run_scoped3A : memref<!tpu.dma_semaphore, #tpu.memory_space<semaphore_mem>>)
      %dma_wait3A = arith.constant 0 : i32
      %dma_wait3A_80 = tpu.memref_slice %arg4[%add3A_8, %multiple_of3A, %dma_wait3A] : memref<8x10240x128xf32, #tpu.memory_space<hbm>> -> memref<1x640x128xf32, #tpu.memory_space<hbm>>
      %dma_wait3A_81 = tpu.memref_squeeze %dma_wait3A_80 : memref<1x640x128xf32, #tpu.memory_space<hbm>> -> memref<640x128xf32, #tpu.memory_space<hbm>>
      %dma_wait3A_82 = arith.constant 0 : i32
      %dma_wait3A_83 = tpu.memref_slice %arg8[%multiple_of3A, %dma_wait3A_82] : memref<10240x128xf32, #tpu.memory_space<vmem_shared>> -> memref<640x128xf32, #tpu.memory_space<vmem_shared>>
      tpu.wait_dma2 semaphore(%run_scoped3A : memref<!tpu.dma_semaphore, #tpu.memory_space<semaphore_mem>>) src(%dma_wait3A_83 : memref<640x128xf32, #tpu.memory_space<vmem_shared>>) dst(%dma_wait3A_81 : memref<640x128xf32, #tpu.memory_space<hbm>>)
      tpu.yield
    }) : () -> ()
    %mul3A_22 = arith.constant 4 : i32
    %mul3A_23 = arith.muli %arg0, %mul3A_22 : i32
    %add3A_24 = arith.constant 1 : i32
    %add3A_25 = arith.addi %mul3A_23, %add3A_24 : i32
    %scan3A_26 = arith.constant 0 : i32
    %scan3A_27 = arith.constant 0 : i32
    %scan3A_28 = arith.constant 16 : i32
    %scan3A_29 = arith.addi %scan3A_27, %scan3A_28 : i32
    %scan3A_30 = arith.constant 1 : i32
    scf.for %scan3A_76 = %scan3A_27 to %scan3A_29 step %scan3A_30  : i32 {
      %mul3A_77 = arith.constant 40 : i32
      %mul3A_78 = arith.muli %scan3A_76, %mul3A_77 : i32
      %add3A_79 = arith.addi %multiple_of3A, %mul3A_78 : i32
      "tpu.region"() ({
        %run_scoped3A = tpu.sem_alloc : memref<!tpu.dma_semaphore, #tpu.memory_space<semaphore_mem>>
        %dma_start3A = arith.constant 0 : i32
        %dma_start3A_80 = tpu.memref_slice %arg8[%add3A_79, %dma_start3A] : memref<10240x128xf32, #tpu.memory_space<vmem_shared>> -> memref<40x128xf32, #tpu.memory_space<vmem_shared>>
        %dma_start3A_81 = arith.constant 0 : i32
        %dma_start3A_82 = tpu.memref_slice %arg8[%add3A_79, %dma_start3A_81] : memref<10240x128xf32, #tpu.memory_space<vmem_shared>> -> memref<40x128xf32, #tpu.memory_space<vmem_shared>>
        tpu.enqueue_dma source(%arg7 : memref<40x128xf32, #tpu.memory_space<vmem>>) target(%dma_start3A_82 : memref<40x128xf32, #tpu.memory_space<vmem_shared>>) target_semaphore(%run_scoped3A : memref<!tpu.dma_semaphore, #tpu.memory_space<semaphore_mem>>)
        %dma_wait3A = arith.constant 0 : i32
        %dma_wait3A_83 = tpu.memref_slice %arg8[%add3A_79, %dma_wait3A] : memref<10240x128xf32, #tpu.memory_space<vmem_shared>> -> memref<40x128xf32, #tpu.memory_space<vmem_shared>>
        %dma_wait3A_84 = arith.constant 0 : i32
        %dma_wait3A_85 = tpu.memref_slice %arg8[%add3A_79, %dma_wait3A_84] : memref<10240x128xf32, #tpu.memory_space<vmem_shared>> -> memref<40x128xf32, #tpu.memory_space<vmem_shared>>
        tpu.wait_dma2 semaphore(%run_scoped3A : memref<!tpu.dma_semaphore, #tpu.memory_space<semaphore_mem>>) src(%arg7 : memref<40x128xf32, #tpu.memory_space<vmem>>) dst(%dma_wait3A_85 : memref<40x128xf32, #tpu.memory_space<vmem_shared>>)
        tpu.yield
      }) : () -> ()
    }
    %scan3A_31 = arith.constant 16 : i32
    %barrier3A_32 = arith.constant 0 : index
    tpu.barrier barrier_id(%barrier3A_32)
    %scan3A_33 = arith.constant 0 : i32
    %scan3A_34 = arith.constant 0 : i32
    %scan3A_35 = arith.constant 125 : i32
    %scan3A_36 = arith.addi %scan3A_34, %scan3A_35 : i32
    %scan3A_37 = arith.constant 1 : i32
    scf.for %scan3A_76 = %scan3A_34 to %scan3A_36 step %scan3A_37  : i32 {
      %mul3A_77 = arith.constant 5000 : i32
      %mul3A_78 = arith.muli %arg1, %mul3A_77 : i32
      %mul3A_79 = arith.constant 40 : i32
      %mul3A_80 = arith.muli %scan3A_76, %mul3A_79 : i32
      %add3A_81 = arith.addi %mul3A_78, %mul3A_80 : i32
      %multiple_of3A_82 = tpu.assume_multiple %add3A_81, 8 : i32
      "tpu.region"() ({
        %run_scoped3A = tpu.sem_alloc : memref<!tpu.dma_semaphore, #tpu.memory_space<semaphore_mem>>
        %dma_start3A = arith.constant 0 : i32
        %dma_start3A_83 = tpu.memref_slice %arg2[%add3A_25, %multiple_of3A_82, %dma_start3A] : memref<8x80000x128xf32, #tpu.memory_space<hbm>> -> memref<1x40x128xf32, #tpu.memory_space<hbm>>
        %dma_start3A_84 = tpu.memref_squeeze %dma_start3A_83 : memref<1x40x128xf32, #tpu.memory_space<hbm>> -> memref<40x128xf32, #tpu.memory_space<hbm>>
        %dma_start3A_85 = arith.constant 0 : i32
        %dma_start3A_86 = tpu.memref_slice %arg2[%add3A_25, %multiple_of3A_82, %dma_start3A_85] : memref<8x80000x128xf32, #tpu.memory_space<hbm>> -> memref<1x40x128xf32, #tpu.memory_space<hbm>>
        %dma_start3A_87 = tpu.memref_squeeze %dma_start3A_86 : memref<1x40x128xf32, #tpu.memory_space<hbm>> -> memref<40x128xf32, #tpu.memory_space<hbm>>
        tpu.enqueue_dma source(%dma_start3A_87 : memref<40x128xf32, #tpu.memory_space<hbm>>) target(%arg6 : memref<40x128xf32, #tpu.memory_space<vmem>>) target_semaphore(%run_scoped3A : memref<!tpu.dma_semaphore, #tpu.memory_space<semaphore_mem>>)
        %dma_wait3A = arith.constant 0 : i32
        %dma_wait3A_88 = tpu.memref_slice %arg2[%add3A_25, %multiple_of3A_82, %dma_wait3A] : memref<8x80000x128xf32, #tpu.memory_space<hbm>> -> memref<1x40x128xf32, #tpu.memory_space<hbm>>
        %dma_wait3A_89 = tpu.memref_squeeze %dma_wait3A_88 : memref<1x40x128xf32, #tpu.memory_space<hbm>> -> memref<40x128xf32, #tpu.memory_space<hbm>>
        %dma_wait3A_90 = arith.constant 0 : i32
        %dma_wait3A_91 = tpu.memref_slice %arg2[%add3A_25, %multiple_of3A_82, %dma_wait3A_90] : memref<8x80000x128xf32, #tpu.memory_space<hbm>> -> memref<1x40x128xf32, #tpu.memory_space<hbm>>
        %dma_wait3A_92 = tpu.memref_squeeze %dma_wait3A_91 : memref<1x40x128xf32, #tpu.memory_space<hbm>> -> memref<40x128xf32, #tpu.memory_space<hbm>>
        tpu.wait_dma2 semaphore(%run_scoped3A : memref<!tpu.dma_semaphore, #tpu.memory_space<semaphore_mem>>) src(%dma_wait3A_92 : memref<40x128xf32, #tpu.memory_space<hbm>>) dst(%arg6 : memref<40x128xf32, #tpu.memory_space<vmem>>)
        tpu.yield
      }) : () -> ()
      "tpu.region"() ({
        %run_scoped3A = tpu.sem_alloc : memref<!tpu.dma_semaphore, #tpu.memory_space<semaphore_mem>>
        %dma_start3A = arith.constant 0 : i32
        %dma_start3A_83 = tpu.memref_slice %arg5[%scan3A_76, %dma_start3A] : memref<125x40xi32, #tpu.memory_space<vmem>> -> memref<1x40xi32, #tpu.memory_space<vmem>>
        %dma_start3A_84 = tpu.memref_squeeze %dma_start3A_83 : memref<1x40xi32, #tpu.memory_space<vmem>> -> memref<40xi32, #tpu.memory_space<vmem>>
        %dma_start3A_85 = arith.constant 0 : i32
        %dma_start3A_86 = arith.constant 0 : i32
        %dma_start3A_87 = tpu.memref_slice %arg8[%dma_start3A_85, %dma_start3A_86] : memref<10240x128xf32, #tpu.memory_space<vmem_shared>> -> memref<10240x128xf32, #tpu.memory_space<vmem_shared>>
        tpu.enqueue_indirect_dma source(%arg6 : memref<40x128xf32, #tpu.memory_space<vmem>>) target(%dma_start3A_87 : memref<10240x128xf32, #tpu.memory_space<vmem_shared>>) offsets(%dma_start3A_84 : memref<40xi32, #tpu.memory_space<vmem>>) semaphore(%run_scoped3A : memref<!tpu.dma_semaphore, #tpu.memory_space<semaphore_mem>>) {add = true}
        %dma_wait3A = arith.constant 0 : i32
        %dma_wait3A_88 = tpu.memref_slice %arg5[%scan3A_76, %dma_wait3A] : memref<125x40xi32, #tpu.memory_space<vmem>> -> memref<1x40xi32, #tpu.memory_space<vmem>>
        %dma_wait3A_89 = tpu.memref_squeeze %dma_wait3A_88 : memref<1x40xi32, #tpu.memory_space<vmem>> -> memref<40xi32, #tpu.memory_space<vmem>>
        %dma_wait3A_90 = arith.constant 0 : i32
        %dma_wait3A_91 = arith.constant 0 : i32
        %dma_wait3A_92 = tpu.memref_slice %arg8[%dma_wait3A_90, %dma_wait3A_91] : memref<10240x128xf32, #tpu.memory_space<vmem_shared>> -> memref<10240x128xf32, #tpu.memory_space<vmem_shared>>
        tpu.wait_indirect_dma semaphore(%run_scoped3A : memref<!tpu.dma_semaphore, #tpu.memory_space<semaphore_mem>>) src(%arg6 : memref<40x128xf32, #tpu.memory_space<vmem>>) dst(%dma_wait3A_92 : memref<10240x128xf32, #tpu.memory_space<vmem_shared>>)
        tpu.yield
      }) : () -> ()
    }
    %scan3A_38 = arith.constant 125 : i32
    %barrier3A_39 = arith.constant 0 : index
    tpu.barrier barrier_id(%barrier3A_39)
    "tpu.region"() ({
      %run_scoped3A = tpu.sem_alloc : memref<!tpu.dma_semaphore, #tpu.memory_space<semaphore_mem>>
      %dma_start3A = arith.constant 0 : i32
      %dma_start3A_76 = tpu.memref_slice %arg4[%add3A_25, %multiple_of3A, %dma_start3A] : memref<8x10240x128xf32, #tpu.memory_space<hbm>> -> memref<1x640x128xf32, #tpu.memory_space<hbm>>
      %dma_start3A_77 = tpu.memref_squeeze %dma_start3A_76 : memref<1x640x128xf32, #tpu.memory_space<hbm>> -> memref<640x128xf32, #tpu.memory_space<hbm>>
      %dma_start3A_78 = arith.constant 0 : i32
      %dma_start3A_79 = tpu.memref_slice %arg8[%multiple_of3A, %dma_start3A_78] : memref<10240x128xf32, #tpu.memory_space<vmem_shared>> -> memref<640x128xf32, #tpu.memory_space<vmem_shared>>
      tpu.enqueue_dma source(%dma_start3A_79 : memref<640x128xf32, #tpu.memory_space<vmem_shared>>) target(%dma_start3A_77 : memref<640x128xf32, #tpu.memory_space<hbm>>) target_semaphore(%run_scoped3A : memref<!tpu.dma_semaphore, #tpu.memory_space<semaphore_mem>>)
      %dma_wait3A = arith.constant 0 : i32
      %dma_wait3A_80 = tpu.memref_slice %arg4[%add3A_25, %multiple_of3A, %dma_wait3A] : memref<8x10240x128xf32, #tpu.memory_space<hbm>> -> memref<1x640x128xf32, #tpu.memory_space<hbm>>
      %dma_wait3A_81 = tpu.memref_squeeze %dma_wait3A_80 : memref<1x640x128xf32, #tpu.memory_space<hbm>> -> memref<640x128xf32, #tpu.memory_space<hbm>>
      %dma_wait3A_82 = arith.constant 0 : i32
      %dma_wait3A_83 = tpu.memref_slice %arg8[%multiple_of3A, %dma_wait3A_82] : memref<10240x128xf32, #tpu.memory_space<vmem_shared>> -> memref<640x128xf32, #tpu.memory_space<vmem_shared>>
      tpu.wait_dma2 semaphore(%run_scoped3A : memref<!tpu.dma_semaphore, #tpu.memory_space<semaphore_mem>>) src(%dma_wait3A_83 : memref<640x128xf32, #tpu.memory_space<vmem_shared>>) dst(%dma_wait3A_81 : memref<640x128xf32, #tpu.memory_space<hbm>>)
      tpu.yield
    }) : () -> ()
    %mul3A_40 = arith.constant 4 : i32
    %mul3A_41 = arith.muli %arg0, %mul3A_40 : i32
    %add3A_42 = arith.constant 2 : i32
    %add3A_43 = arith.addi %mul3A_41, %add3A_42 : i32
    %scan3A_44 = arith.constant 0 : i32
    %scan3A_45 = arith.constant 0 : i32
    %scan3A_46 = arith.constant 16 : i32
    %scan3A_47 = arith.addi %scan3A_45, %scan3A_46 : i32
    %scan3A_48 = arith.constant 1 : i32
    scf.for %scan3A_76 = %scan3A_45 to %scan3A_47 step %scan3A_48  : i32 {
      %mul3A_77 = arith.constant 40 : i32
      %mul3A_78 = arith.muli %scan3A_76, %mul3A_77 : i32
      %add3A_79 = arith.addi %multiple_of3A, %mul3A_78 : i32
      "tpu.region"() ({
        %run_scoped3A = tpu.sem_alloc : memref<!tpu.dma_semaphore, #tpu.memory_space<semaphore_mem>>
        %dma_start3A = arith.constant 0 : i32
        %dma_start3A_80 = tpu.memref_slice %arg8[%add3A_79, %dma_start3A] : memref<10240x128xf32, #tpu.memory_space<vmem_shared>> -> memref<40x128xf32, #tpu.memory_space<vmem_shared>>
        %dma_start3A_81 = arith.constant 0 : i32
        %dma_start3A_82 = tpu.memref_slice %arg8[%add3A_79, %dma_start3A_81] : memref<10240x128xf32, #tpu.memory_space<vmem_shared>> -> memref<40x128xf32, #tpu.memory_space<vmem_shared>>
        tpu.enqueue_dma source(%arg7 : memref<40x128xf32, #tpu.memory_space<vmem>>) target(%dma_start3A_82 : memref<40x128xf32, #tpu.memory_space<vmem_shared>>) target_semaphore(%run_scoped3A : memref<!tpu.dma_semaphore, #tpu.memory_space<semaphore_mem>>)
        %dma_wait3A = arith.constant 0 : i32
        %dma_wait3A_83 = tpu.memref_slice %arg8[%add3A_79, %dma_wait3A] : memref<10240x128xf32, #tpu.memory_space<vmem_shared>> -> memref<40x128xf32, #tpu.memory_space<vmem_shared>>
        %dma_wait3A_84 = arith.constant 0 : i32
        %dma_wait3A_85 = tpu.memref_slice %arg8[%add3A_79, %dma_wait3A_84] : memref<10240x128xf32, #tpu.memory_space<vmem_shared>> -> memref<40x128xf32, #tpu.memory_space<vmem_shared>>
        tpu.wait_dma2 semaphore(%run_scoped3A : memref<!tpu.dma_semaphore, #tpu.memory_space<semaphore_mem>>) src(%arg7 : memref<40x128xf32, #tpu.memory_space<vmem>>) dst(%dma_wait3A_85 : memref<40x128xf32, #tpu.memory_space<vmem_shared>>)
        tpu.yield
      }) : () -> ()
    }
    %scan3A_49 = arith.constant 16 : i32
    %barrier3A_50 = arith.constant 0 : index
    tpu.barrier barrier_id(%barrier3A_50)
    %scan3A_51 = arith.constant 0 : i32
    %scan3A_52 = arith.constant 0 : i32
    %scan3A_53 = arith.constant 125 : i32
    %scan3A_54 = arith.addi %scan3A_52, %scan3A_53 : i32
    %scan3A_55 = arith.constant 1 : i32
    scf.for %scan3A_76 = %scan3A_52 to %scan3A_54 step %scan3A_55  : i32 {
      %mul3A_77 = arith.constant 5000 : i32
      %mul3A_78 = arith.muli %arg1, %mul3A_77 : i32
      %mul3A_79 = arith.constant 40 : i32
      %mul3A_80 = arith.muli %scan3A_76, %mul3A_79 : i32
      %add3A_81 = arith.addi %mul3A_78, %mul3A_80 : i32
      %multiple_of3A_82 = tpu.assume_multiple %add3A_81, 8 : i32
      "tpu.region"() ({
        %run_scoped3A = tpu.sem_alloc : memref<!tpu.dma_semaphore, #tpu.memory_space<semaphore_mem>>
        %dma_start3A = arith.constant 0 : i32
        %dma_start3A_83 = tpu.memref_slice %arg2[%add3A_43, %multiple_of3A_82, %dma_start3A] : memref<8x80000x128xf32, #tpu.memory_space<hbm>> -> memref<1x40x128xf32, #tpu.memory_space<hbm>>
        %dma_start3A_84 = tpu.memref_squeeze %dma_start3A_83 : memref<1x40x128xf32, #tpu.memory_space<hbm>> -> memref<40x128xf32, #tpu.memory_space<hbm>>
        %dma_start3A_85 = arith.constant 0 : i32
        %dma_start3A_86 = tpu.memref_slice %arg2[%add3A_43, %multiple_of3A_82, %dma_start3A_85] : memref<8x80000x128xf32, #tpu.memory_space<hbm>> -> memref<1x40x128xf32, #tpu.memory_space<hbm>>
        %dma_start3A_87 = tpu.memref_squeeze %dma_start3A_86 : memref<1x40x128xf32, #tpu.memory_space<hbm>> -> memref<40x128xf32, #tpu.memory_space<hbm>>
        tpu.enqueue_dma source(%dma_start3A_87 : memref<40x128xf32, #tpu.memory_space<hbm>>) target(%arg6 : memref<40x128xf32, #tpu.memory_space<vmem>>) target_semaphore(%run_scoped3A : memref<!tpu.dma_semaphore, #tpu.memory_space<semaphore_mem>>)
        %dma_wait3A = arith.constant 0 : i32
        %dma_wait3A_88 = tpu.memref_slice %arg2[%add3A_43, %multiple_of3A_82, %dma_wait3A] : memref<8x80000x128xf32, #tpu.memory_space<hbm>> -> memref<1x40x128xf32, #tpu.memory_space<hbm>>
        %dma_wait3A_89 = tpu.memref_squeeze %dma_wait3A_88 : memref<1x40x128xf32, #tpu.memory_space<hbm>> -> memref<40x128xf32, #tpu.memory_space<hbm>>
        %dma_wait3A_90 = arith.constant 0 : i32
        %dma_wait3A_91 = tpu.memref_slice %arg2[%add3A_43, %multiple_of3A_82, %dma_wait3A_90] : memref<8x80000x128xf32, #tpu.memory_space<hbm>> -> memref<1x40x128xf32, #tpu.memory_space<hbm>>
        %dma_wait3A_92 = tpu.memref_squeeze %dma_wait3A_91 : memref<1x40x128xf32, #tpu.memory_space<hbm>> -> memref<40x128xf32, #tpu.memory_space<hbm>>
        tpu.wait_dma2 semaphore(%run_scoped3A : memref<!tpu.dma_semaphore, #tpu.memory_space<semaphore_mem>>) src(%dma_wait3A_92 : memref<40x128xf32, #tpu.memory_space<hbm>>) dst(%arg6 : memref<40x128xf32, #tpu.memory_space<vmem>>)
        tpu.yield
      }) : () -> ()
      "tpu.region"() ({
        %run_scoped3A = tpu.sem_alloc : memref<!tpu.dma_semaphore, #tpu.memory_space<semaphore_mem>>
        %dma_start3A = arith.constant 0 : i32
        %dma_start3A_83 = tpu.memref_slice %arg5[%scan3A_76, %dma_start3A] : memref<125x40xi32, #tpu.memory_space<vmem>> -> memref<1x40xi32, #tpu.memory_space<vmem>>
        %dma_start3A_84 = tpu.memref_squeeze %dma_start3A_83 : memref<1x40xi32, #tpu.memory_space<vmem>> -> memref<40xi32, #tpu.memory_space<vmem>>
        %dma_start3A_85 = arith.constant 0 : i32
        %dma_start3A_86 = arith.constant 0 : i32
        %dma_start3A_87 = tpu.memref_slice %arg8[%dma_start3A_85, %dma_start3A_86] : memref<10240x128xf32, #tpu.memory_space<vmem_shared>> -> memref<10240x128xf32, #tpu.memory_space<vmem_shared>>
        tpu.enqueue_indirect_dma source(%arg6 : memref<40x128xf32, #tpu.memory_space<vmem>>) target(%dma_start3A_87 : memref<10240x128xf32, #tpu.memory_space<vmem_shared>>) offsets(%dma_start3A_84 : memref<40xi32, #tpu.memory_space<vmem>>) semaphore(%run_scoped3A : memref<!tpu.dma_semaphore, #tpu.memory_space<semaphore_mem>>) {add = true}
        %dma_wait3A = arith.constant 0 : i32
        %dma_wait3A_88 = tpu.memref_slice %arg5[%scan3A_76, %dma_wait3A] : memref<125x40xi32, #tpu.memory_space<vmem>> -> memref<1x40xi32, #tpu.memory_space<vmem>>
        %dma_wait3A_89 = tpu.memref_squeeze %dma_wait3A_88 : memref<1x40xi32, #tpu.memory_space<vmem>> -> memref<40xi32, #tpu.memory_space<vmem>>
        %dma_wait3A_90 = arith.constant 0 : i32
        %dma_wait3A_91 = arith.constant 0 : i32
        %dma_wait3A_92 = tpu.memref_slice %arg8[%dma_wait3A_90, %dma_wait3A_91] : memref<10240x128xf32, #tpu.memory_space<vmem_shared>> -> memref<10240x128xf32, #tpu.memory_space<vmem_shared>>
        tpu.wait_indirect_dma semaphore(%run_scoped3A : memref<!tpu.dma_semaphore, #tpu.memory_space<semaphore_mem>>) src(%arg6 : memref<40x128xf32, #tpu.memory_space<vmem>>) dst(%dma_wait3A_92 : memref<10240x128xf32, #tpu.memory_space<vmem_shared>>)
        tpu.yield
      }) : () -> ()
    }
    %scan3A_56 = arith.constant 125 : i32
    %barrier3A_57 = arith.constant 0 : index
    tpu.barrier barrier_id(%barrier3A_57)
    "tpu.region"() ({
      %run_scoped3A = tpu.sem_alloc : memref<!tpu.dma_semaphore, #tpu.memory_space<semaphore_mem>>
      %dma_start3A = arith.constant 0 : i32
      %dma_start3A_76 = tpu.memref_slice %arg4[%add3A_43, %multiple_of3A, %dma_start3A] : memref<8x10240x128xf32, #tpu.memory_space<hbm>> -> memref<1x640x128xf32, #tpu.memory_space<hbm>>
      %dma_start3A_77 = tpu.memref_squeeze %dma_start3A_76 : memref<1x640x128xf32, #tpu.memory_space<hbm>> -> memref<640x128xf32, #tpu.memory_space<hbm>>
      %dma_start3A_78 = arith.constant 0 : i32
      %dma_start3A_79 = tpu.memref_slice %arg8[%multiple_of3A, %dma_start3A_78] : memref<10240x128xf32, #tpu.memory_space<vmem_shared>> -> memref<640x128xf32, #tpu.memory_space<vmem_shared>>
      tpu.enqueue_dma source(%dma_start3A_79 : memref<640x128xf32, #tpu.memory_space<vmem_shared>>) target(%dma_start3A_77 : memref<640x128xf32, #tpu.memory_space<hbm>>) target_semaphore(%run_scoped3A : memref<!tpu.dma_semaphore, #tpu.memory_space<semaphore_mem>>)
      %dma_wait3A = arith.constant 0 : i32
      %dma_wait3A_80 = tpu.memref_slice %arg4[%add3A_43, %multiple_of3A, %dma_wait3A] : memref<8x10240x128xf32, #tpu.memory_space<hbm>> -> memref<1x640x128xf32, #tpu.memory_space<hbm>>
      %dma_wait3A_81 = tpu.memref_squeeze %dma_wait3A_80 : memref<1x640x128xf32, #tpu.memory_space<hbm>> -> memref<640x128xf32, #tpu.memory_space<hbm>>
      %dma_wait3A_82 = arith.constant 0 : i32
      %dma_wait3A_83 = tpu.memref_slice %arg8[%multiple_of3A, %dma_wait3A_82] : memref<10240x128xf32, #tpu.memory_space<vmem_shared>> -> memref<640x128xf32, #tpu.memory_space<vmem_shared>>
      tpu.wait_dma2 semaphore(%run_scoped3A : memref<!tpu.dma_semaphore, #tpu.memory_space<semaphore_mem>>) src(%dma_wait3A_83 : memref<640x128xf32, #tpu.memory_space<vmem_shared>>) dst(%dma_wait3A_81 : memref<640x128xf32, #tpu.memory_space<hbm>>)
      tpu.yield
    }) : () -> ()
    %mul3A_58 = arith.constant 4 : i32
    %mul3A_59 = arith.muli %arg0, %mul3A_58 : i32
    %add3A_60 = arith.constant 3 : i32
    %add3A_61 = arith.addi %mul3A_59, %add3A_60 : i32
    %scan3A_62 = arith.constant 0 : i32
    %scan3A_63 = arith.constant 0 : i32
    %scan3A_64 = arith.constant 16 : i32
    %scan3A_65 = arith.addi %scan3A_63, %scan3A_64 : i32
    %scan3A_66 = arith.constant 1 : i32
    scf.for %scan3A_76 = %scan3A_63 to %scan3A_65 step %scan3A_66  : i32 {
      %mul3A_77 = arith.constant 40 : i32
      %mul3A_78 = arith.muli %scan3A_76, %mul3A_77 : i32
      %add3A_79 = arith.addi %multiple_of3A, %mul3A_78 : i32
      "tpu.region"() ({
        %run_scoped3A = tpu.sem_alloc : memref<!tpu.dma_semaphore, #tpu.memory_space<semaphore_mem>>
        %dma_start3A = arith.constant 0 : i32
        %dma_start3A_80 = tpu.memref_slice %arg8[%add3A_79, %dma_start3A] : memref<10240x128xf32, #tpu.memory_space<vmem_shared>> -> memref<40x128xf32, #tpu.memory_space<vmem_shared>>
        %dma_start3A_81 = arith.constant 0 : i32
        %dma_start3A_82 = tpu.memref_slice %arg8[%add3A_79, %dma_start3A_81] : memref<10240x128xf32, #tpu.memory_space<vmem_shared>> -> memref<40x128xf32, #tpu.memory_space<vmem_shared>>
        tpu.enqueue_dma source(%arg7 : memref<40x128xf32, #tpu.memory_space<vmem>>) target(%dma_start3A_82 : memref<40x128xf32, #tpu.memory_space<vmem_shared>>) target_semaphore(%run_scoped3A : memref<!tpu.dma_semaphore, #tpu.memory_space<semaphore_mem>>)
        %dma_wait3A = arith.constant 0 : i32
        %dma_wait3A_83 = tpu.memref_slice %arg8[%add3A_79, %dma_wait3A] : memref<10240x128xf32, #tpu.memory_space<vmem_shared>> -> memref<40x128xf32, #tpu.memory_space<vmem_shared>>
        %dma_wait3A_84 = arith.constant 0 : i32
        %dma_wait3A_85 = tpu.memref_slice %arg8[%add3A_79, %dma_wait3A_84] : memref<10240x128xf32, #tpu.memory_space<vmem_shared>> -> memref<40x128xf32, #tpu.memory_space<vmem_shared>>
        tpu.wait_dma2 semaphore(%run_scoped3A : memref<!tpu.dma_semaphore, #tpu.memory_space<semaphore_mem>>) src(%arg7 : memref<40x128xf32, #tpu.memory_space<vmem>>) dst(%dma_wait3A_85 : memref<40x128xf32, #tpu.memory_space<vmem_shared>>)
        tpu.yield
      }) : () -> ()
    }
    %scan3A_67 = arith.constant 16 : i32
    %barrier3A_68 = arith.constant 0 : index
    tpu.barrier barrier_id(%barrier3A_68)
    %scan3A_69 = arith.constant 0 : i32
    %scan3A_70 = arith.constant 0 : i32
    %scan3A_71 = arith.constant 125 : i32
    %scan3A_72 = arith.addi %scan3A_70, %scan3A_71 : i32
    %scan3A_73 = arith.constant 1 : i32
    scf.for %scan3A_76 = %scan3A_70 to %scan3A_72 step %scan3A_73  : i32 {
      %mul3A_77 = arith.constant 5000 : i32
      %mul3A_78 = arith.muli %arg1, %mul3A_77 : i32
      %mul3A_79 = arith.constant 40 : i32
      %mul3A_80 = arith.muli %scan3A_76, %mul3A_79 : i32
      %add3A_81 = arith.addi %mul3A_78, %mul3A_80 : i32
      %multiple_of3A_82 = tpu.assume_multiple %add3A_81, 8 : i32
      "tpu.region"() ({
        %run_scoped3A = tpu.sem_alloc : memref<!tpu.dma_semaphore, #tpu.memory_space<semaphore_mem>>
        %dma_start3A = arith.constant 0 : i32
        %dma_start3A_83 = tpu.memref_slice %arg2[%add3A_61, %multiple_of3A_82, %dma_start3A] : memref<8x80000x128xf32, #tpu.memory_space<hbm>> -> memref<1x40x128xf32, #tpu.memory_space<hbm>>
        %dma_start3A_84 = tpu.memref_squeeze %dma_start3A_83 : memref<1x40x128xf32, #tpu.memory_space<hbm>> -> memref<40x128xf32, #tpu.memory_space<hbm>>
        %dma_start3A_85 = arith.constant 0 : i32
        %dma_start3A_86 = tpu.memref_slice %arg2[%add3A_61, %multiple_of3A_82, %dma_start3A_85] : memref<8x80000x128xf32, #tpu.memory_space<hbm>> -> memref<1x40x128xf32, #tpu.memory_space<hbm>>
        %dma_start3A_87 = tpu.memref_squeeze %dma_start3A_86 : memref<1x40x128xf32, #tpu.memory_space<hbm>> -> memref<40x128xf32, #tpu.memory_space<hbm>>
        tpu.enqueue_dma source(%dma_start3A_87 : memref<40x128xf32, #tpu.memory_space<hbm>>) target(%arg6 : memref<40x128xf32, #tpu.memory_space<vmem>>) target_semaphore(%run_scoped3A : memref<!tpu.dma_semaphore, #tpu.memory_space<semaphore_mem>>)
        %dma_wait3A = arith.constant 0 : i32
        %dma_wait3A_88 = tpu.memref_slice %arg2[%add3A_61, %multiple_of3A_82, %dma_wait3A] : memref<8x80000x128xf32, #tpu.memory_space<hbm>> -> memref<1x40x128xf32, #tpu.memory_space<hbm>>
        %dma_wait3A_89 = tpu.memref_squeeze %dma_wait3A_88 : memref<1x40x128xf32, #tpu.memory_space<hbm>> -> memref<40x128xf32, #tpu.memory_space<hbm>>
        %dma_wait3A_90 = arith.constant 0 : i32
        %dma_wait3A_91 = tpu.memref_slice %arg2[%add3A_61, %multiple_of3A_82, %dma_wait3A_90] : memref<8x80000x128xf32, #tpu.memory_space<hbm>> -> memref<1x40x128xf32, #tpu.memory_space<hbm>>
        %dma_wait3A_92 = tpu.memref_squeeze %dma_wait3A_91 : memref<1x40x128xf32, #tpu.memory_space<hbm>> -> memref<40x128xf32, #tpu.memory_space<hbm>>
        tpu.wait_dma2 semaphore(%run_scoped3A : memref<!tpu.dma_semaphore, #tpu.memory_space<semaphore_mem>>) src(%dma_wait3A_92 : memref<40x128xf32, #tpu.memory_space<hbm>>) dst(%arg6 : memref<40x128xf32, #tpu.memory_space<vmem>>)
        tpu.yield
      }) : () -> ()
      "tpu.region"() ({
        %run_scoped3A = tpu.sem_alloc : memref<!tpu.dma_semaphore, #tpu.memory_space<semaphore_mem>>
        %dma_start3A = arith.constant 0 : i32
        %dma_start3A_83 = tpu.memref_slice %arg5[%scan3A_76, %dma_start3A] : memref<125x40xi32, #tpu.memory_space<vmem>> -> memref<1x40xi32, #tpu.memory_space<vmem>>
        %dma_start3A_84 = tpu.memref_squeeze %dma_start3A_83 : memref<1x40xi32, #tpu.memory_space<vmem>> -> memref<40xi32, #tpu.memory_space<vmem>>
        %dma_start3A_85 = arith.constant 0 : i32
        %dma_start3A_86 = arith.constant 0 : i32
        %dma_start3A_87 = tpu.memref_slice %arg8[%dma_start3A_85, %dma_start3A_86] : memref<10240x128xf32, #tpu.memory_space<vmem_shared>> -> memref<10240x128xf32, #tpu.memory_space<vmem_shared>>
        tpu.enqueue_indirect_dma source(%arg6 : memref<40x128xf32, #tpu.memory_space<vmem>>) target(%dma_start3A_87 : memref<10240x128xf32, #tpu.memory_space<vmem_shared>>) offsets(%dma_start3A_84 : memref<40xi32, #tpu.memory_space<vmem>>) semaphore(%run_scoped3A : memref<!tpu.dma_semaphore, #tpu.memory_space<semaphore_mem>>) {add = true}
        %dma_wait3A = arith.constant 0 : i32
        %dma_wait3A_88 = tpu.memref_slice %arg5[%scan3A_76, %dma_wait3A] : memref<125x40xi32, #tpu.memory_space<vmem>> -> memref<1x40xi32, #tpu.memory_space<vmem>>
        %dma_wait3A_89 = tpu.memref_squeeze %dma_wait3A_88 : memref<1x40xi32, #tpu.memory_space<vmem>> -> memref<40xi32, #tpu.memory_space<vmem>>
        %dma_wait3A_90 = arith.constant 0 : i32
        %dma_wait3A_91 = arith.constant 0 : i32
        %dma_wait3A_92 = tpu.memref_slice %arg8[%dma_wait3A_90, %dma_wait3A_91] : memref<10240x128xf32, #tpu.memory_space<vmem_shared>> -> memref<10240x128xf32, #tpu.memory_space<vmem_shared>>
        tpu.wait_indirect_dma semaphore(%run_scoped3A : memref<!tpu.dma_semaphore, #tpu.memory_space<semaphore_mem>>) src(%arg6 : memref<40x128xf32, #tpu.memory_space<vmem>>) dst(%dma_wait3A_92 : memref<10240x128xf32, #tpu.memory_space<vmem_shared>>)
        tpu.yield
      }) : () -> ()
    }
    %scan3A_74 = arith.constant 125 : i32
    %barrier3A_75 = arith.constant 0 : index
    tpu.barrier barrier_id(%barrier3A_75)
    "tpu.region"() ({
      %run_scoped3A = tpu.sem_alloc : memref<!tpu.dma_semaphore, #tpu.memory_space<semaphore_mem>>
      %dma_start3A = arith.constant 0 : i32
      %dma_start3A_76 = tpu.memref_slice %arg4[%add3A_61, %multiple_of3A, %dma_start3A] : memref<8x10240x128xf32, #tpu.memory_space<hbm>> -> memref<1x640x128xf32, #tpu.memory_space<hbm>>
      %dma_start3A_77 = tpu.memref_squeeze %dma_start3A_76 : memref<1x640x128xf32, #tpu.memory_space<hbm>> -> memref<640x128xf32, #tpu.memory_space<hbm>>
      %dma_start3A_78 = arith.constant 0 : i32
      %dma_start3A_79 = tpu.memref_slice %arg8[%multiple_of3A, %dma_start3A_78] : memref<10240x128xf32, #tpu.memory_space<vmem_shared>> -> memref<640x128xf32, #tpu.memory_space<vmem_shared>>
      tpu.enqueue_dma source(%dma_start3A_79 : memref<640x128xf32, #tpu.memory_space<vmem_shared>>) target(%dma_start3A_77 : memref<640x128xf32, #tpu.memory_space<hbm>>) target_semaphore(%run_scoped3A : memref<!tpu.dma_semaphore, #tpu.memory_space<semaphore_mem>>)
      %dma_wait3A = arith.constant 0 : i32
      %dma_wait3A_80 = tpu.memref_slice %arg4[%add3A_61, %multiple_of3A, %dma_wait3A] : memref<8x10240x128xf32, #tpu.memory_space<hbm>> -> memref<1x640x128xf32, #tpu.memory_space<hbm>>
      %dma_wait3A_81 = tpu.memref_squeeze %dma_wait3A_80 : memref<1x640x128xf32, #tpu.memory_space<hbm>> -> memref<640x128xf32, #tpu.memory_space<hbm>>
      %dma_wait3A_82 = arith.constant 0 : i32
      %dma_wait3A_83 = tpu.memref_slice %arg8[%multiple_of3A, %dma_wait3A_82] : memref<10240x128xf32, #tpu.memory_space<vmem_shared>> -> memref<640x128xf32, #tpu.memory_space<vmem_shared>>
      tpu.wait_dma2 semaphore(%run_scoped3A : memref<!tpu.dma_semaphore, #tpu.memory_space<semaphore_mem>>) src(%dma_wait3A_83 : memref<640x128xf32, #tpu.memory_space<vmem_shared>>) dst(%dma_wait3A_81 : memref<640x128xf32, #tpu.memory_space<hbm>>)
      tpu.yield
    }) : () -> ()
    return
  }
}

#map = affine_map<(d0, d1) -> (0, 0)>
#map1 = affine_map<(d0, d1) -> (0)>
module attributes {stable_mosaic.version = 14 : i64} {
  func.func @body(%arg0: i32, %arg1: i32, %arg2: memref<10000x128xi32, #tpu.memory_space<hbm>>, %arg3: memref<10000x896xi32, #tpu.memory_space<hbm>>, %arg4: memref<160000xi32, #tpu.memory_space<hbm>>, %arg5: memref<160000xi32, #tpu.memory_space<hbm>>, %arg6: memref<160000x128xi32, #tpu.memory_space<hbm>>, %arg7: memref<160000x896xi32, #tpu.memory_space<hbm>>, %arg8: memref<5000xi32, #tpu.memory_space<vmem>>, %arg9: memref<5000xi32, #tpu.memory_space<vmem>>, %arg10: memref<40x128xi32, #tpu.memory_space<vmem>>, %arg11: memref<40x896xi32, #tpu.memory_space<vmem>>, %arg12: memref<!tpu.dma_semaphore, #tpu.memory_space<semaphore_mem>>) attributes {dimension_semantics = [#tpu.dimension_semantics<core_parallel>, #tpu.dimension_semantics<subcore_parallel>], iteration_bounds = array<i64: 2, 16>, scalar_prefetch = 0 : i64, scratch_operands = 5 : i64, tpu.core_type = #tpu.core_type<sc_vector_subcore>, window_params = [{transform_indices = #map}, {transform_indices = #map}, {transform_indices = #map1}, {transform_indices = #map1}, {transform_indices = #map}, {transform_indices = #map}]} {
    %mul3A = arith.constant 2 : i32
    %mul3A_0 = arith.muli %arg1, %mul3A : i32
    %add3A = arith.addi %mul3A_0, %arg0 : i32
    %mul3A_1 = arith.constant 5000 : i32
    %mul3A_2 = arith.muli %add3A, %mul3A_1 : i32
    %multiple_of3A = tpu.assume_multiple %mul3A_2, 8 : i32
    "tpu.region"() ({
      %run_scoped3A = tpu.sem_alloc : memref<!tpu.dma_semaphore, #tpu.memory_space<semaphore_mem>>
      %dma_start3A = tpu.memref_slice %arg4[%multiple_of3A] : memref<160000xi32, #tpu.memory_space<hbm>> -> memref<5000xi32, #tpu.memory_space<hbm>>
      %dma_start3A_8 = tpu.memref_slice %arg4[%multiple_of3A] : memref<160000xi32, #tpu.memory_space<hbm>> -> memref<5000xi32, #tpu.memory_space<hbm>>
      tpu.enqueue_dma source(%dma_start3A_8 : memref<5000xi32, #tpu.memory_space<hbm>>) target(%arg8 : memref<5000xi32, #tpu.memory_space<vmem>>) target_semaphore(%run_scoped3A : memref<!tpu.dma_semaphore, #tpu.memory_space<semaphore_mem>>)
      %dma_wait3A = tpu.memref_slice %arg4[%multiple_of3A] : memref<160000xi32, #tpu.memory_space<hbm>> -> memref<5000xi32, #tpu.memory_space<hbm>>
      %dma_wait3A_9 = tpu.memref_slice %arg4[%multiple_of3A] : memref<160000xi32, #tpu.memory_space<hbm>> -> memref<5000xi32, #tpu.memory_space<hbm>>
      tpu.wait_dma2 semaphore(%run_scoped3A : memref<!tpu.dma_semaphore, #tpu.memory_space<semaphore_mem>>) src(%dma_wait3A_9 : memref<5000xi32, #tpu.memory_space<hbm>>) dst(%arg8 : memref<5000xi32, #tpu.memory_space<vmem>>)
      tpu.yield
    }) : () -> ()
    "tpu.region"() ({
      %run_scoped3A = tpu.sem_alloc : memref<!tpu.dma_semaphore, #tpu.memory_space<semaphore_mem>>
      %dma_start3A = tpu.memref_slice %arg5[%multiple_of3A] : memref<160000xi32, #tpu.memory_space<hbm>> -> memref<5000xi32, #tpu.memory_space<hbm>>
      %dma_start3A_8 = tpu.memref_slice %arg5[%multiple_of3A] : memref<160000xi32, #tpu.memory_space<hbm>> -> memref<5000xi32, #tpu.memory_space<hbm>>
      tpu.enqueue_dma source(%dma_start3A_8 : memref<5000xi32, #tpu.memory_space<hbm>>) target(%arg9 : memref<5000xi32, #tpu.memory_space<vmem>>) target_semaphore(%run_scoped3A : memref<!tpu.dma_semaphore, #tpu.memory_space<semaphore_mem>>)
      %dma_wait3A = tpu.memref_slice %arg5[%multiple_of3A] : memref<160000xi32, #tpu.memory_space<hbm>> -> memref<5000xi32, #tpu.memory_space<hbm>>
      %dma_wait3A_9 = tpu.memref_slice %arg5[%multiple_of3A] : memref<160000xi32, #tpu.memory_space<hbm>> -> memref<5000xi32, #tpu.memory_space<hbm>>
      tpu.wait_dma2 semaphore(%run_scoped3A : memref<!tpu.dma_semaphore, #tpu.memory_space<semaphore_mem>>) src(%dma_wait3A_9 : memref<5000xi32, #tpu.memory_space<hbm>>) dst(%arg9 : memref<5000xi32, #tpu.memory_space<vmem>>)
      tpu.yield
    }) : () -> ()
    %scan3A = arith.constant 0 : i32
    %scan3A_3 = arith.constant 0 : i32
    %scan3A_4 = arith.constant 125 : i32
    %scan3A_5 = arith.addi %scan3A_3, %scan3A_4 : i32
    %scan3A_6 = arith.constant 1 : i32
    scf.for %scan3A_8 = %scan3A_3 to %scan3A_5 step %scan3A_6  : i32 {
      %mul3A_9 = arith.constant 40 : i32
      %mul3A_10 = arith.muli %scan3A_8, %mul3A_9 : i32
      %multiple_of3A_11 = tpu.assume_multiple %mul3A_10, 8 : i32
      %dma_start3A = tpu.memref_slice %arg9[%multiple_of3A_11] : memref<5000xi32, #tpu.memory_space<vmem>> -> memref<40xi32, #tpu.memory_space<vmem>>
      %dma_start3A_12 = arith.constant 0 : i32
      %dma_start3A_13 = arith.constant 0 : i32
      %dma_start3A_14 = tpu.memref_slice %arg2[%dma_start3A_12, %dma_start3A_13] : memref<10000x128xi32, #tpu.memory_space<hbm>> -> memref<10000x128xi32, #tpu.memory_space<hbm>>
      tpu.enqueue_indirect_dma source(%dma_start3A_14 : memref<10000x128xi32, #tpu.memory_space<hbm>>) target(%arg10 : memref<40x128xi32, #tpu.memory_space<vmem>>) offsets(%dma_start3A : memref<40xi32, #tpu.memory_space<vmem>>) semaphore(%arg12 : memref<!tpu.dma_semaphore, #tpu.memory_space<semaphore_mem>>)
      %dma_wait3A = tpu.memref_slice %arg9[%multiple_of3A_11] : memref<5000xi32, #tpu.memory_space<vmem>> -> memref<40xi32, #tpu.memory_space<vmem>>
      %dma_wait3A_15 = arith.constant 0 : i32
      %dma_wait3A_16 = arith.constant 0 : i32
      %dma_wait3A_17 = tpu.memref_slice %arg2[%dma_wait3A_15, %dma_wait3A_16] : memref<10000x128xi32, #tpu.memory_space<hbm>> -> memref<10000x128xi32, #tpu.memory_space<hbm>>
      tpu.wait_indirect_dma semaphore(%arg12 : memref<!tpu.dma_semaphore, #tpu.memory_space<semaphore_mem>>) src(%dma_wait3A_17 : memref<10000x128xi32, #tpu.memory_space<hbm>>) dst(%arg10 : memref<40x128xi32, #tpu.memory_space<vmem>>)
      %add3A_18 = arith.addi %multiple_of3A, %multiple_of3A_11 : i32
      "tpu.region"() ({
        %run_scoped3A = tpu.sem_alloc : memref<!tpu.dma_semaphore, #tpu.memory_space<semaphore_mem>>
        %dma_start3A_28 = arith.constant 0 : i32
        %dma_start3A_29 = tpu.memref_slice %arg6[%add3A_18, %dma_start3A_28] : memref<160000x128xi32, #tpu.memory_space<hbm>> -> memref<40x128xi32, #tpu.memory_space<hbm>>
        %dma_start3A_30 = arith.constant 0 : i32
        %dma_start3A_31 = tpu.memref_slice %arg6[%add3A_18, %dma_start3A_30] : memref<160000x128xi32, #tpu.memory_space<hbm>> -> memref<40x128xi32, #tpu.memory_space<hbm>>
        tpu.enqueue_dma source(%arg10 : memref<40x128xi32, #tpu.memory_space<vmem>>) target(%dma_start3A_31 : memref<40x128xi32, #tpu.memory_space<hbm>>) target_semaphore(%run_scoped3A : memref<!tpu.dma_semaphore, #tpu.memory_space<semaphore_mem>>)
        %dma_wait3A_32 = arith.constant 0 : i32
        %dma_wait3A_33 = tpu.memref_slice %arg6[%add3A_18, %dma_wait3A_32] : memref<160000x128xi32, #tpu.memory_space<hbm>> -> memref<40x128xi32, #tpu.memory_space<hbm>>
        %dma_wait3A_34 = arith.constant 0 : i32
        %dma_wait3A_35 = tpu.memref_slice %arg6[%add3A_18, %dma_wait3A_34] : memref<160000x128xi32, #tpu.memory_space<hbm>> -> memref<40x128xi32, #tpu.memory_space<hbm>>
        tpu.wait_dma2 semaphore(%run_scoped3A : memref<!tpu.dma_semaphore, #tpu.memory_space<semaphore_mem>>) src(%arg10 : memref<40x128xi32, #tpu.memory_space<vmem>>) dst(%dma_wait3A_35 : memref<40x128xi32, #tpu.memory_space<hbm>>)
        tpu.yield
      }) : () -> ()
      %dma_start3A_19 = tpu.memref_slice %arg8[%multiple_of3A_11] : memref<5000xi32, #tpu.memory_space<vmem>> -> memref<40xi32, #tpu.memory_space<vmem>>
      %dma_start3A_20 = arith.constant 0 : i32
      %dma_start3A_21 = arith.constant 0 : i32
      %dma_start3A_22 = tpu.memref_slice %arg3[%dma_start3A_20, %dma_start3A_21] : memref<10000x896xi32, #tpu.memory_space<hbm>> -> memref<10000x896xi32, #tpu.memory_space<hbm>>
      tpu.enqueue_indirect_dma source(%dma_start3A_22 : memref<10000x896xi32, #tpu.memory_space<hbm>>) target(%arg11 : memref<40x896xi32, #tpu.memory_space<vmem>>) offsets(%dma_start3A_19 : memref<40xi32, #tpu.memory_space<vmem>>) semaphore(%arg12 : memref<!tpu.dma_semaphore, #tpu.memory_space<semaphore_mem>>)
      %dma_wait3A_23 = tpu.memref_slice %arg8[%multiple_of3A_11] : memref<5000xi32, #tpu.memory_space<vmem>> -> memref<40xi32, #tpu.memory_space<vmem>>
      %dma_wait3A_24 = arith.constant 0 : i32
      %dma_wait3A_25 = arith.constant 0 : i32
      %dma_wait3A_26 = tpu.memref_slice %arg3[%dma_wait3A_24, %dma_wait3A_25] : memref<10000x896xi32, #tpu.memory_space<hbm>> -> memref<10000x896xi32, #tpu.memory_space<hbm>>
      tpu.wait_indirect_dma semaphore(%arg12 : memref<!tpu.dma_semaphore, #tpu.memory_space<semaphore_mem>>) src(%dma_wait3A_26 : memref<10000x896xi32, #tpu.memory_space<hbm>>) dst(%arg11 : memref<40x896xi32, #tpu.memory_space<vmem>>)
      %add3A_27 = arith.addi %multiple_of3A, %multiple_of3A_11 : i32
      "tpu.region"() ({
        %run_scoped3A = tpu.sem_alloc : memref<!tpu.dma_semaphore, #tpu.memory_space<semaphore_mem>>
        %dma_start3A_28 = arith.constant 0 : i32
        %dma_start3A_29 = tpu.memref_slice %arg7[%add3A_27, %dma_start3A_28] : memref<160000x896xi32, #tpu.memory_space<hbm>> -> memref<40x896xi32, #tpu.memory_space<hbm>>
        %dma_start3A_30 = arith.constant 0 : i32
        %dma_start3A_31 = tpu.memref_slice %arg7[%add3A_27, %dma_start3A_30] : memref<160000x896xi32, #tpu.memory_space<hbm>> -> memref<40x896xi32, #tpu.memory_space<hbm>>
        tpu.enqueue_dma source(%arg11 : memref<40x896xi32, #tpu.memory_space<vmem>>) target(%dma_start3A_31 : memref<40x896xi32, #tpu.memory_space<hbm>>) target_semaphore(%run_scoped3A : memref<!tpu.dma_semaphore, #tpu.memory_space<semaphore_mem>>)
        %dma_wait3A_32 = arith.constant 0 : i32
        %dma_wait3A_33 = tpu.memref_slice %arg7[%add3A_27, %dma_wait3A_32] : memref<160000x896xi32, #tpu.memory_space<hbm>> -> memref<40x896xi32, #tpu.memory_space<hbm>>
        %dma_wait3A_34 = arith.constant 0 : i32
        %dma_wait3A_35 = tpu.memref_slice %arg7[%add3A_27, %dma_wait3A_34] : memref<160000x896xi32, #tpu.memory_space<hbm>> -> memref<40x896xi32, #tpu.memory_space<hbm>>
        tpu.wait_dma2 semaphore(%run_scoped3A : memref<!tpu.dma_semaphore, #tpu.memory_space<semaphore_mem>>) src(%arg11 : memref<40x896xi32, #tpu.memory_space<vmem>>) dst(%dma_wait3A_35 : memref<40x896xi32, #tpu.memory_space<hbm>>)
        tpu.yield
      }) : () -> ()
    }
    %scan3A_7 = arith.constant 125 : i32
    return
  }
}

#map = affine_map<(d0, d1) -> (0, 0, 0)>
module attributes {stable_mosaic.version = 14 : i64} {
  func.func @body(%arg0: i32, %arg1: i32, %arg2: memref<8x80000x128xf32, #tpu.memory_space<hbm>>, %arg3: memref<16x125x40xi32, #tpu.memory_space<hbm>>, %arg4: memref<8x10240x128xf32, #tpu.memory_space<hbm>>, %arg5: memref<8x10240x128xf32, #tpu.memory_space<hbm>>, %arg6: memref<125x40xi32, #tpu.memory_space<vmem>>, %arg7: memref<40x128xf32, #tpu.memory_space<vmem>>, %arg8: memref<40x128xf32, #tpu.memory_space<vmem>>, %arg9: memref<10240x128xf32, #tpu.memory_space<vmem_shared>>) attributes {dimension_semantics = [#tpu.dimension_semantics<core_parallel>, #tpu.dimension_semantics<subcore_parallel>], iteration_bounds = array<i64: 2, 16>, scalar_prefetch = 0 : i64, scratch_operands = 4 : i64, tpu.core_type = #tpu.core_type<sc_vector_subcore>, window_params = [{transform_indices = #map}, {transform_indices = #map}, {transform_indices = #map}, {transform_indices = #map}]} {
    %mul3A = arith.constant 640 : i32
    %mul3A_0 = arith.muli %arg1, %mul3A : i32
    %multiple_of3A = tpu.assume_multiple %mul3A_0, 8 : i32
    %scan3A = arith.constant 0 : i32
    %scan3A_1 = arith.constant 0 : i32
    %scan3A_2 = arith.constant 320 : i32
    %scan3A_3 = arith.addi %scan3A_1, %scan3A_2 : i32
    %scan3A_4 = arith.constant 1 : i32
    scf.for %scan3A_52 = %scan3A_1 to %scan3A_3 step %scan3A_4  : i32 {
      %broadcast_in_dim3A = arith.constant 0.000000e+00 : f32
      %broadcast_in_dim3A_53 = vector.broadcast %broadcast_in_dim3A : f32 to vector<16xf32>
      %jit3A = arith.constant 8 : i32
      %div3A = arith.divsi %scan3A_52, %jit3A : i32
      %sign3A = arith.constant 0 : i32
      %sign3A_54 = arith.cmpi sgt, %scan3A_52, %sign3A : i32
      %sign3A_55 = arith.extui %sign3A_54 : i1 to i32
      %sign3A_56 = arith.constant 0 : i32
      %sign3A_57 = arith.cmpi slt, %scan3A_52, %sign3A_56 : i32
      %sign3A_58 = arith.extui %sign3A_57 : i1 to i32
      %sign3A_59 = arith.subi %sign3A_55, %sign3A_58 : i32
      %sign3A_60 = arith.constant 0 : i32
      %sign3A_61 = arith.cmpi sgt, %jit3A, %sign3A_60 : i32
      %sign3A_62 = arith.extui %sign3A_61 : i1 to i32
      %sign3A_63 = arith.constant 0 : i32
      %sign3A_64 = arith.cmpi slt, %jit3A, %sign3A_63 : i32
      %sign3A_65 = arith.extui %sign3A_64 : i1 to i32
      %sign3A_66 = arith.subi %sign3A_62, %sign3A_65 : i32
      %ne3A = arith.cmpi ne, %sign3A_59, %sign3A_66 : i32
      %rem3A = arith.remsi %scan3A_52, %jit3A : i32
      %ne3A_67 = arith.constant 0 : i32
      %ne3A_68 = arith.cmpi ne, %rem3A, %ne3A_67 : i32
      %and3A = arith.andi %ne3A, %ne3A_68 : i1
      %sub3A = arith.constant 1 : i32
      %sub3A_69 = arith.subi %div3A, %sub3A : i32
      %select_n3A = arith.select %and3A, %sub3A_69, %div3A : i32
      %jit3A_70 = arith.constant 8 : i32
      %eq3A = arith.constant 0 : i32
      %eq3A_71 = arith.cmpi eq, %jit3A_70, %eq3A : i32
      %jit3A_72 = arith.constant 1 : i32
      %select_n3A_73 = arith.select %eq3A_71, %jit3A_72, %jit3A_70 : i32
      %rem3A_74 = arith.remsi %scan3A_52, %select_n3A_73 : i32
      %ne3A_75 = arith.constant 0 : i32
      %ne3A_76 = arith.cmpi ne, %rem3A_74, %ne3A_75 : i32
      %lt3A = arith.constant 0 : i32
      %lt3A_77 = arith.cmpi slt, %rem3A_74, %lt3A : i32
      %lt3A_78 = arith.constant 0 : i32
      %lt3A_79 = arith.cmpi slt, %select_n3A_73, %lt3A_78 : i32
      %ne3A_80 = arith.xori %lt3A_77, %lt3A_79 : i1
      %and3A_81 = arith.andi %ne3A_80, %ne3A_76 : i1
      %add3A_82 = arith.addi %rem3A_74, %select_n3A_73 : i32
      %select_n3A_83 = arith.select %and3A_81, %add3A_82, %rem3A_74 : i32
      %mul3A_84 = arith.constant 16 : i32
      %mul3A_85 = arith.muli %select_n3A_83, %mul3A_84 : i32
      %swap3A = arith.index_cast %select_n3A : i32 to index
      %swap3A_86 = arith.index_cast %mul3A_85 : i32 to index
      %swap3A_87 = tpu.vector_load %arg8[%swap3A, %swap3A_86] {strides = array<i32>} : memref<40x128xf32, #tpu.memory_space<vmem>>, vector<1x16xf32>,
      %swap3A_88 = vector.shape_cast %swap3A_87 : vector<1x16xf32> to vector<16xf32>
      %swap3A_89 = vector.shape_cast %broadcast_in_dim3A_53 : vector<16xf32> to vector<1x16xf32>
      tpu.vector_store %arg8[%swap3A, %swap3A_86], %swap3A_89 {strides = array<i32>} : memref<40x128xf32, #tpu.memory_space<vmem>>, vector<1x16xf32>,
    }
    %scan3A_5 = arith.constant 320 : i32
    "tpu.region"() ({
      %run_scoped3A = tpu.sem_alloc : memref<!tpu.dma_semaphore, #tpu.memory_space<semaphore_mem>>
      %dma_start3A = arith.constant 0 : i32
      %dma_start3A_52 = arith.constant 0 : i32
      %dma_start3A_53 = tpu.memref_slice %arg3[%arg1, %dma_start3A, %dma_start3A_52] : memref<16x125x40xi32, #tpu.memory_space<hbm>> -> memref<1x125x40xi32, #tpu.memory_space<hbm>>
      %dma_start3A_54 = tpu.memref_squeeze %dma_start3A_53 : memref<1x125x40xi32, #tpu.memory_space<hbm>> -> memref<125x40xi32, #tpu.memory_space<hbm>>
      %dma_start3A_55 = arith.constant 0 : i32
      %dma_start3A_56 = arith.constant 0 : i32
      %dma_start3A_57 = tpu.memref_slice %arg3[%arg1, %dma_start3A_55, %dma_start3A_56] : memref<16x125x40xi32, #tpu.memory_space<hbm>> -> memref<1x125x40xi32, #tpu.memory_space<hbm>>
      %dma_start3A_58 = tpu.memref_squeeze %dma_start3A_57 : memref<1x125x40xi32, #tpu.memory_space<hbm>> -> memref<125x40xi32, #tpu.memory_space<hbm>>
      tpu.enqueue_dma source(%dma_start3A_58 : memref<125x40xi32, #tpu.memory_space<hbm>>) target(%arg6 : memref<125x40xi32, #tpu.memory_space<vmem>>) target_semaphore(%run_scoped3A : memref<!tpu.dma_semaphore, #tpu.memory_space<semaphore_mem>>)
      %dma_wait3A = arith.constant 0 : i32
      %dma_wait3A_59 = arith.constant 0 : i32
      %dma_wait3A_60 = tpu.memref_slice %arg3[%arg1, %dma_wait3A, %dma_wait3A_59] : memref<16x125x40xi32, #tpu.memory_space<hbm>> -> memref<1x125x40xi32, #tpu.memory_space<hbm>>
      %dma_wait3A_61 = tpu.memref_squeeze %dma_wait3A_60 : memref<1x125x40xi32, #tpu.memory_space<hbm>> -> memref<125x40xi32, #tpu.memory_space<hbm>>
      %dma_wait3A_62 = arith.constant 0 : i32
      %dma_wait3A_63 = arith.constant 0 : i32
      %dma_wait3A_64 = tpu.memref_slice %arg3[%arg1, %dma_wait3A_62, %dma_wait3A_63] : memref<16x125x40xi32, #tpu.memory_space<hbm>> -> memref<1x125x40xi32, #tpu.memory_space<hbm>>
      %dma_wait3A_65 = tpu.memref_squeeze %dma_wait3A_64 : memref<1x125x40xi32, #tpu.memory_space<hbm>> -> memref<125x40xi32, #tpu.memory_space<hbm>>
      tpu.wait_dma2 semaphore(%run_scoped3A : memref<!tpu.dma_semaphore, #tpu.memory_space<semaphore_mem>>) src(%dma_wait3A_65 : memref<125x40xi32, #tpu.memory_space<hbm>>) dst(%arg6 : memref<125x40xi32, #tpu.memory_space<vmem>>)
      tpu.yield
    }) : () -> ()
    %mul3A_6 = arith.constant 4 : i32
    %mul3A_7 = arith.muli %arg0, %mul3A_6 : i32
    %add3A = arith.constant 0 : i32
    %add3A_8 = arith.addi %mul3A_7, %add3A : i32
    "tpu.region"() ({
      %run_scoped3A = tpu.sem_alloc : memref<!tpu.dma_semaphore, #tpu.memory_space<semaphore_mem>>
      %dma_start3A = arith.constant 0 : i32
      %dma_start3A_52 = tpu.memref_slice %arg9[%multiple_of3A, %dma_start3A] : memref<10240x128xf32, #tpu.memory_space<vmem_shared>> -> memref<640x128xf32, #tpu.memory_space<vmem_shared>>
      %dma_start3A_53 = arith.constant 0 : i32
      %dma_start3A_54 = tpu.memref_slice %arg4[%add3A_8, %multiple_of3A, %dma_start3A_53] : memref<8x10240x128xf32, #tpu.memory_space<hbm>> -> memref<1x640x128xf32, #tpu.memory_space<hbm>>
      %dma_start3A_55 = tpu.memref_squeeze %dma_start3A_54 : memref<1x640x128xf32, #tpu.memory_space<hbm>> -> memref<640x128xf32, #tpu.memory_space<hbm>>
      tpu.enqueue_dma source(%dma_start3A_55 : memref<640x128xf32, #tpu.memory_space<hbm>>) target(%dma_start3A_52 : memref<640x128xf32, #tpu.memory_space<vmem_shared>>) target_semaphore(%run_scoped3A : memref<!tpu.dma_semaphore, #tpu.memory_space<semaphore_mem>>)
      %dma_wait3A = arith.constant 0 : i32
      %dma_wait3A_56 = tpu.memref_slice %arg9[%multiple_of3A, %dma_wait3A] : memref<10240x128xf32, #tpu.memory_space<vmem_shared>> -> memref<640x128xf32, #tpu.memory_space<vmem_shared>>
      %dma_wait3A_57 = arith.constant 0 : i32
      %dma_wait3A_58 = tpu.memref_slice %arg4[%add3A_8, %multiple_of3A, %dma_wait3A_57] : memref<8x10240x128xf32, #tpu.memory_space<hbm>> -> memref<1x640x128xf32, #tpu.memory_space<hbm>>
      %dma_wait3A_59 = tpu.memref_squeeze %dma_wait3A_58 : memref<1x640x128xf32, #tpu.memory_space<hbm>> -> memref<640x128xf32, #tpu.memory_space<hbm>>
      tpu.wait_dma2 semaphore(%run_scoped3A : memref<!tpu.dma_semaphore, #tpu.memory_space<semaphore_mem>>) src(%dma_wait3A_59 : memref<640x128xf32, #tpu.memory_space<hbm>>) dst(%dma_wait3A_56 : memref<640x128xf32, #tpu.memory_space<vmem_shared>>)
      tpu.yield
    }) : () -> ()
    %barrier3A = arith.constant 0 : index
    tpu.barrier barrier_id(%barrier3A)
    %scan3A_9 = arith.constant 0 : i32
    %scan3A_10 = arith.constant 0 : i32
    %scan3A_11 = arith.constant 125 : i32
    %scan3A_12 = arith.addi %scan3A_10, %scan3A_11 : i32
    %scan3A_13 = arith.constant 1 : i32
    scf.for %scan3A_52 = %scan3A_10 to %scan3A_12 step %scan3A_13  : i32 {
      %mul3A_53 = arith.constant 5000 : i32
      %mul3A_54 = arith.muli %arg1, %mul3A_53 : i32
      %mul3A_55 = arith.constant 40 : i32
      %mul3A_56 = arith.muli %scan3A_52, %mul3A_55 : i32
      %add3A_57 = arith.addi %mul3A_54, %mul3A_56 : i32
      %multiple_of3A_58 = tpu.assume_multiple %add3A_57, 8 : i32
      "tpu.region"() ({
        %run_scoped3A = tpu.sem_alloc : memref<!tpu.dma_semaphore, #tpu.memory_space<semaphore_mem>>
        %dma_start3A = arith.constant 0 : i32
        %dma_start3A_59 = tpu.memref_slice %arg2[%add3A_8, %multiple_of3A_58, %dma_start3A] : memref<8x80000x128xf32, #tpu.memory_space<hbm>> -> memref<1x40x128xf32, #tpu.memory_space<hbm>>
        %dma_start3A_60 = tpu.memref_squeeze %dma_start3A_59 : memref<1x40x128xf32, #tpu.memory_space<hbm>> -> memref<40x128xf32, #tpu.memory_space<hbm>>
        %dma_start3A_61 = arith.constant 0 : i32
        %dma_start3A_62 = tpu.memref_slice %arg2[%add3A_8, %multiple_of3A_58, %dma_start3A_61] : memref<8x80000x128xf32, #tpu.memory_space<hbm>> -> memref<1x40x128xf32, #tpu.memory_space<hbm>>
        %dma_start3A_63 = tpu.memref_squeeze %dma_start3A_62 : memref<1x40x128xf32, #tpu.memory_space<hbm>> -> memref<40x128xf32, #tpu.memory_space<hbm>>
        tpu.enqueue_dma source(%dma_start3A_63 : memref<40x128xf32, #tpu.memory_space<hbm>>) target(%arg7 : memref<40x128xf32, #tpu.memory_space<vmem>>) target_semaphore(%run_scoped3A : memref<!tpu.dma_semaphore, #tpu.memory_space<semaphore_mem>>)
        %dma_wait3A = arith.constant 0 : i32
        %dma_wait3A_64 = tpu.memref_slice %arg2[%add3A_8, %multiple_of3A_58, %dma_wait3A] : memref<8x80000x128xf32, #tpu.memory_space<hbm>> -> memref<1x40x128xf32, #tpu.memory_space<hbm>>
        %dma_wait3A_65 = tpu.memref_squeeze %dma_wait3A_64 : memref<1x40x128xf32, #tpu.memory_space<hbm>> -> memref<40x128xf32, #tpu.memory_space<hbm>>
        %dma_wait3A_66 = arith.constant 0 : i32
        %dma_wait3A_67 = tpu.memref_slice %arg2[%add3A_8, %multiple_of3A_58, %dma_wait3A_66] : memref<8x80000x128xf32, #tpu.memory_space<hbm>> -> memref<1x40x128xf32, #tpu.memory_space<hbm>>
        %dma_wait3A_68 = tpu.memref_squeeze %dma_wait3A_67 : memref<1x40x128xf32, #tpu.memory_space<hbm>> -> memref<40x128xf32, #tpu.memory_space<hbm>>
        tpu.wait_dma2 semaphore(%run_scoped3A : memref<!tpu.dma_semaphore, #tpu.memory_space<semaphore_mem>>) src(%dma_wait3A_68 : memref<40x128xf32, #tpu.memory_space<hbm>>) dst(%arg7 : memref<40x128xf32, #tpu.memory_space<vmem>>)
        tpu.yield
      }) : () -> ()
      "tpu.region"() ({
        %run_scoped3A = tpu.sem_alloc : memref<!tpu.dma_semaphore, #tpu.memory_space<semaphore_mem>>
        %dma_start3A = arith.constant 0 : i32
        %dma_start3A_59 = tpu.memref_slice %arg6[%scan3A_52, %dma_start3A] : memref<125x40xi32, #tpu.memory_space<vmem>> -> memref<1x40xi32, #tpu.memory_space<vmem>>
        %dma_start3A_60 = tpu.memref_squeeze %dma_start3A_59 : memref<1x40xi32, #tpu.memory_space<vmem>> -> memref<40xi32, #tpu.memory_space<vmem>>
        %dma_start3A_61 = arith.constant 0 : i32
        %dma_start3A_62 = arith.constant 0 : i32
        %dma_start3A_63 = tpu.memref_slice %arg9[%dma_start3A_61, %dma_start3A_62] : memref<10240x128xf32, #tpu.memory_space<vmem_shared>> -> memref<10240x128xf32, #tpu.memory_space<vmem_shared>>
        tpu.enqueue_indirect_dma source(%arg7 : memref<40x128xf32, #tpu.memory_space<vmem>>) target(%dma_start3A_63 : memref<10240x128xf32, #tpu.memory_space<vmem_shared>>) offsets(%dma_start3A_60 : memref<40xi32, #tpu.memory_space<vmem>>) semaphore(%run_scoped3A : memref<!tpu.dma_semaphore, #tpu.memory_space<semaphore_mem>>) {add = true}
        %dma_wait3A = arith.constant 0 : i32
        %dma_wait3A_64 = tpu.memref_slice %arg6[%scan3A_52, %dma_wait3A] : memref<125x40xi32, #tpu.memory_space<vmem>> -> memref<1x40xi32, #tpu.memory_space<vmem>>
        %dma_wait3A_65 = tpu.memref_squeeze %dma_wait3A_64 : memref<1x40xi32, #tpu.memory_space<vmem>> -> memref<40xi32, #tpu.memory_space<vmem>>
        %dma_wait3A_66 = arith.constant 0 : i32
        %dma_wait3A_67 = arith.constant 0 : i32
        %dma_wait3A_68 = tpu.memref_slice %arg9[%dma_wait3A_66, %dma_wait3A_67] : memref<10240x128xf32, #tpu.memory_space<vmem_shared>> -> memref<10240x128xf32, #tpu.memory_space<vmem_shared>>
        tpu.wait_indirect_dma semaphore(%run_scoped3A : memref<!tpu.dma_semaphore, #tpu.memory_space<semaphore_mem>>) src(%arg7 : memref<40x128xf32, #tpu.memory_space<vmem>>) dst(%dma_wait3A_68 : memref<10240x128xf32, #tpu.memory_space<vmem_shared>>)
        tpu.yield
      }) : () -> ()
    }
    %scan3A_14 = arith.constant 125 : i32
    %barrier3A_15 = arith.constant 0 : index
    tpu.barrier barrier_id(%barrier3A_15)
    "tpu.region"() ({
      %run_scoped3A = tpu.sem_alloc : memref<!tpu.dma_semaphore, #tpu.memory_space<semaphore_mem>>
      %dma_start3A = arith.constant 0 : i32
      %dma_start3A_52 = tpu.memref_slice %arg5[%add3A_8, %multiple_of3A, %dma_start3A] : memref<8x10240x128xf32, #tpu.memory_space<hbm>> -> memref<1x640x128xf32, #tpu.memory_space<hbm>>
      %dma_start3A_53 = tpu.memref_squeeze %dma_start3A_52 : memref<1x640x128xf32, #tpu.memory_space<hbm>> -> memref<640x128xf32, #tpu.memory_space<hbm>>
      %dma_start3A_54 = arith.constant 0 : i32
      %dma_start3A_55 = tpu.memref_slice %arg9[%multiple_of3A, %dma_start3A_54] : memref<10240x128xf32, #tpu.memory_space<vmem_shared>> -> memref<640x128xf32, #tpu.memory_space<vmem_shared>>
      tpu.enqueue_dma source(%dma_start3A_55 : memref<640x128xf32, #tpu.memory_space<vmem_shared>>) target(%dma_start3A_53 : memref<640x128xf32, #tpu.memory_space<hbm>>) target_semaphore(%run_scoped3A : memref<!tpu.dma_semaphore, #tpu.memory_space<semaphore_mem>>)
      %dma_wait3A = arith.constant 0 : i32
      %dma_wait3A_56 = tpu.memref_slice %arg5[%add3A_8, %multiple_of3A, %dma_wait3A] : memref<8x10240x128xf32, #tpu.memory_space<hbm>> -> memref<1x640x128xf32, #tpu.memory_space<hbm>>
      %dma_wait3A_57 = tpu.memref_squeeze %dma_wait3A_56 : memref<1x640x128xf32, #tpu.memory_space<hbm>> -> memref<640x128xf32, #tpu.memory_space<hbm>>
      %dma_wait3A_58 = arith.constant 0 : i32
      %dma_wait3A_59 = tpu.memref_slice %arg9[%multiple_of3A, %dma_wait3A_58] : memref<10240x128xf32, #tpu.memory_space<vmem_shared>> -> memref<640x128xf32, #tpu.memory_space<vmem_shared>>
      tpu.wait_dma2 semaphore(%run_scoped3A : memref<!tpu.dma_semaphore, #tpu.memory_space<semaphore_mem>>) src(%dma_wait3A_59 : memref<640x128xf32, #tpu.memory_space<vmem_shared>>) dst(%dma_wait3A_57 : memref<640x128xf32, #tpu.memory_space<hbm>>)
      tpu.yield
    }) : () -> ()
    %mul3A_16 = arith.constant 4 : i32
    %mul3A_17 = arith.muli %arg0, %mul3A_16 : i32
    %add3A_18 = arith.constant 1 : i32
    %add3A_19 = arith.addi %mul3A_17, %add3A_18 : i32
    "tpu.region"() ({
      %run_scoped3A = tpu.sem_alloc : memref<!tpu.dma_semaphore, #tpu.memory_space<semaphore_mem>>
      %dma_start3A = arith.constant 0 : i32
      %dma_start3A_52 = tpu.memref_slice %arg9[%multiple_of3A, %dma_start3A] : memref<10240x128xf32, #tpu.memory_space<vmem_shared>> -> memref<640x128xf32, #tpu.memory_space<vmem_shared>>
      %dma_start3A_53 = arith.constant 0 : i32
      %dma_start3A_54 = tpu.memref_slice %arg4[%add3A_19, %multiple_of3A, %dma_start3A_53] : memref<8x10240x128xf32, #tpu.memory_space<hbm>> -> memref<1x640x128xf32, #tpu.memory_space<hbm>>
      %dma_start3A_55 = tpu.memref_squeeze %dma_start3A_54 : memref<1x640x128xf32, #tpu.memory_space<hbm>> -> memref<640x128xf32, #tpu.memory_space<hbm>>
      tpu.enqueue_dma source(%dma_start3A_55 : memref<640x128xf32, #tpu.memory_space<hbm>>) target(%dma_start3A_52 : memref<640x128xf32, #tpu.memory_space<vmem_shared>>) target_semaphore(%run_scoped3A : memref<!tpu.dma_semaphore, #tpu.memory_space<semaphore_mem>>)
      %dma_wait3A = arith.constant 0 : i32
      %dma_wait3A_56 = tpu.memref_slice %arg9[%multiple_of3A, %dma_wait3A] : memref<10240x128xf32, #tpu.memory_space<vmem_shared>> -> memref<640x128xf32, #tpu.memory_space<vmem_shared>>
      %dma_wait3A_57 = arith.constant 0 : i32
      %dma_wait3A_58 = tpu.memref_slice %arg4[%add3A_19, %multiple_of3A, %dma_wait3A_57] : memref<8x10240x128xf32, #tpu.memory_space<hbm>> -> memref<1x640x128xf32, #tpu.memory_space<hbm>>
      %dma_wait3A_59 = tpu.memref_squeeze %dma_wait3A_58 : memref<1x640x128xf32, #tpu.memory_space<hbm>> -> memref<640x128xf32, #tpu.memory_space<hbm>>
      tpu.wait_dma2 semaphore(%run_scoped3A : memref<!tpu.dma_semaphore, #tpu.memory_space<semaphore_mem>>) src(%dma_wait3A_59 : memref<640x128xf32, #tpu.memory_space<hbm>>) dst(%dma_wait3A_56 : memref<640x128xf32, #tpu.memory_space<vmem_shared>>)
      tpu.yield
    }) : () -> ()
    %barrier3A_20 = arith.constant 0 : index
    tpu.barrier barrier_id(%barrier3A_20)
    %scan3A_21 = arith.constant 0 : i32
    %scan3A_22 = arith.constant 0 : i32
    %scan3A_23 = arith.constant 125 : i32
    %scan3A_24 = arith.addi %scan3A_22, %scan3A_23 : i32
    %scan3A_25 = arith.constant 1 : i32
    scf.for %scan3A_52 = %scan3A_22 to %scan3A_24 step %scan3A_25  : i32 {
      %mul3A_53 = arith.constant 5000 : i32
      %mul3A_54 = arith.muli %arg1, %mul3A_53 : i32
      %mul3A_55 = arith.constant 40 : i32
      %mul3A_56 = arith.muli %scan3A_52, %mul3A_55 : i32
      %add3A_57 = arith.addi %mul3A_54, %mul3A_56 : i32
      %multiple_of3A_58 = tpu.assume_multiple %add3A_57, 8 : i32
      "tpu.region"() ({
        %run_scoped3A = tpu.sem_alloc : memref<!tpu.dma_semaphore, #tpu.memory_space<semaphore_mem>>
        %dma_start3A = arith.constant 0 : i32
        %dma_start3A_59 = tpu.memref_slice %arg2[%add3A_19, %multiple_of3A_58, %dma_start3A] : memref<8x80000x128xf32, #tpu.memory_space<hbm>> -> memref<1x40x128xf32, #tpu.memory_space<hbm>>
        %dma_start3A_60 = tpu.memref_squeeze %dma_start3A_59 : memref<1x40x128xf32, #tpu.memory_space<hbm>> -> memref<40x128xf32, #tpu.memory_space<hbm>>
        %dma_start3A_61 = arith.constant 0 : i32
        %dma_start3A_62 = tpu.memref_slice %arg2[%add3A_19, %multiple_of3A_58, %dma_start3A_61] : memref<8x80000x128xf32, #tpu.memory_space<hbm>> -> memref<1x40x128xf32, #tpu.memory_space<hbm>>
        %dma_start3A_63 = tpu.memref_squeeze %dma_start3A_62 : memref<1x40x128xf32, #tpu.memory_space<hbm>> -> memref<40x128xf32, #tpu.memory_space<hbm>>
        tpu.enqueue_dma source(%dma_start3A_63 : memref<40x128xf32, #tpu.memory_space<hbm>>) target(%arg7 : memref<40x128xf32, #tpu.memory_space<vmem>>) target_semaphore(%run_scoped3A : memref<!tpu.dma_semaphore, #tpu.memory_space<semaphore_mem>>)
        %dma_wait3A = arith.constant 0 : i32
        %dma_wait3A_64 = tpu.memref_slice %arg2[%add3A_19, %multiple_of3A_58, %dma_wait3A] : memref<8x80000x128xf32, #tpu.memory_space<hbm>> -> memref<1x40x128xf32, #tpu.memory_space<hbm>>
        %dma_wait3A_65 = tpu.memref_squeeze %dma_wait3A_64 : memref<1x40x128xf32, #tpu.memory_space<hbm>> -> memref<40x128xf32, #tpu.memory_space<hbm>>
        %dma_wait3A_66 = arith.constant 0 : i32
        %dma_wait3A_67 = tpu.memref_slice %arg2[%add3A_19, %multiple_of3A_58, %dma_wait3A_66] : memref<8x80000x128xf32, #tpu.memory_space<hbm>> -> memref<1x40x128xf32, #tpu.memory_space<hbm>>
        %dma_wait3A_68 = tpu.memref_squeeze %dma_wait3A_67 : memref<1x40x128xf32, #tpu.memory_space<hbm>> -> memref<40x128xf32, #tpu.memory_space<hbm>>
        tpu.wait_dma2 semaphore(%run_scoped3A : memref<!tpu.dma_semaphore, #tpu.memory_space<semaphore_mem>>) src(%dma_wait3A_68 : memref<40x128xf32, #tpu.memory_space<hbm>>) dst(%arg7 : memref<40x128xf32, #tpu.memory_space<vmem>>)
        tpu.yield
      }) : () -> ()
      "tpu.region"() ({
        %run_scoped3A = tpu.sem_alloc : memref<!tpu.dma_semaphore, #tpu.memory_space<semaphore_mem>>
        %dma_start3A = arith.constant 0 : i32
        %dma_start3A_59 = tpu.memref_slice %arg6[%scan3A_52, %dma_start3A] : memref<125x40xi32, #tpu.memory_space<vmem>> -> memref<1x40xi32, #tpu.memory_space<vmem>>
        %dma_start3A_60 = tpu.memref_squeeze %dma_start3A_59 : memref<1x40xi32, #tpu.memory_space<vmem>> -> memref<40xi32, #tpu.memory_space<vmem>>
        %dma_start3A_61 = arith.constant 0 : i32
        %dma_start3A_62 = arith.constant 0 : i32
        %dma_start3A_63 = tpu.memref_slice %arg9[%dma_start3A_61, %dma_start3A_62] : memref<10240x128xf32, #tpu.memory_space<vmem_shared>> -> memref<10240x128xf32, #tpu.memory_space<vmem_shared>>
        tpu.enqueue_indirect_dma source(%arg7 : memref<40x128xf32, #tpu.memory_space<vmem>>) target(%dma_start3A_63 : memref<10240x128xf32, #tpu.memory_space<vmem_shared>>) offsets(%dma_start3A_60 : memref<40xi32, #tpu.memory_space<vmem>>) semaphore(%run_scoped3A : memref<!tpu.dma_semaphore, #tpu.memory_space<semaphore_mem>>) {add = true}
        %dma_wait3A = arith.constant 0 : i32
        %dma_wait3A_64 = tpu.memref_slice %arg6[%scan3A_52, %dma_wait3A] : memref<125x40xi32, #tpu.memory_space<vmem>> -> memref<1x40xi32, #tpu.memory_space<vmem>>
        %dma_wait3A_65 = tpu.memref_squeeze %dma_wait3A_64 : memref<1x40xi32, #tpu.memory_space<vmem>> -> memref<40xi32, #tpu.memory_space<vmem>>
        %dma_wait3A_66 = arith.constant 0 : i32
        %dma_wait3A_67 = arith.constant 0 : i32
        %dma_wait3A_68 = tpu.memref_slice %arg9[%dma_wait3A_66, %dma_wait3A_67] : memref<10240x128xf32, #tpu.memory_space<vmem_shared>> -> memref<10240x128xf32, #tpu.memory_space<vmem_shared>>
        tpu.wait_indirect_dma semaphore(%run_scoped3A : memref<!tpu.dma_semaphore, #tpu.memory_space<semaphore_mem>>) src(%arg7 : memref<40x128xf32, #tpu.memory_space<vmem>>) dst(%dma_wait3A_68 : memref<10240x128xf32, #tpu.memory_space<vmem_shared>>)
        tpu.yield
      }) : () -> ()
    }
    %scan3A_26 = arith.constant 125 : i32
    %barrier3A_27 = arith.constant 0 : index
    tpu.barrier barrier_id(%barrier3A_27)
    "tpu.region"() ({
      %run_scoped3A = tpu.sem_alloc : memref<!tpu.dma_semaphore, #tpu.memory_space<semaphore_mem>>
      %dma_start3A = arith.constant 0 : i32
      %dma_start3A_52 = tpu.memref_slice %arg5[%add3A_19, %multiple_of3A, %dma_start3A] : memref<8x10240x128xf32, #tpu.memory_space<hbm>> -> memref<1x640x128xf32, #tpu.memory_space<hbm>>
      %dma_start3A_53 = tpu.memref_squeeze %dma_start3A_52 : memref<1x640x128xf32, #tpu.memory_space<hbm>> -> memref<640x128xf32, #tpu.memory_space<hbm>>
      %dma_start3A_54 = arith.constant 0 : i32
      %dma_start3A_55 = tpu.memref_slice %arg9[%multiple_of3A, %dma_start3A_54] : memref<10240x128xf32, #tpu.memory_space<vmem_shared>> -> memref<640x128xf32, #tpu.memory_space<vmem_shared>>
      tpu.enqueue_dma source(%dma_start3A_55 : memref<640x128xf32, #tpu.memory_space<vmem_shared>>) target(%dma_start3A_53 : memref<640x128xf32, #tpu.memory_space<hbm>>) target_semaphore(%run_scoped3A : memref<!tpu.dma_semaphore, #tpu.memory_space<semaphore_mem>>)
      %dma_wait3A = arith.constant 0 : i32
      %dma_wait3A_56 = tpu.memref_slice %arg5[%add3A_19, %multiple_of3A, %dma_wait3A] : memref<8x10240x128xf32, #tpu.memory_space<hbm>> -> memref<1x640x128xf32, #tpu.memory_space<hbm>>
      %dma_wait3A_57 = tpu.memref_squeeze %dma_wait3A_56 : memref<1x640x128xf32, #tpu.memory_space<hbm>> -> memref<640x128xf32, #tpu.memory_space<hbm>>
      %dma_wait3A_58 = arith.constant 0 : i32
      %dma_wait3A_59 = tpu.memref_slice %arg9[%multiple_of3A, %dma_wait3A_58] : memref<10240x128xf32, #tpu.memory_space<vmem_shared>> -> memref<640x128xf32, #tpu.memory_space<vmem_shared>>
      tpu.wait_dma2 semaphore(%run_scoped3A : memref<!tpu.dma_semaphore, #tpu.memory_space<semaphore_mem>>) src(%dma_wait3A_59 : memref<640x128xf32, #tpu.memory_space<vmem_shared>>) dst(%dma_wait3A_57 : memref<640x128xf32, #tpu.memory_space<hbm>>)
      tpu.yield
    }) : () -> ()
    %mul3A_28 = arith.constant 4 : i32
    %mul3A_29 = arith.muli %arg0, %mul3A_28 : i32
    %add3A_30 = arith.constant 2 : i32
    %add3A_31 = arith.addi %mul3A_29, %add3A_30 : i32
    "tpu.region"() ({
      %run_scoped3A = tpu.sem_alloc : memref<!tpu.dma_semaphore, #tpu.memory_space<semaphore_mem>>
      %dma_start3A = arith.constant 0 : i32
      %dma_start3A_52 = tpu.memref_slice %arg9[%multiple_of3A, %dma_start3A] : memref<10240x128xf32, #tpu.memory_space<vmem_shared>> -> memref<640x128xf32, #tpu.memory_space<vmem_shared>>
      %dma_start3A_53 = arith.constant 0 : i32
      %dma_start3A_54 = tpu.memref_slice %arg4[%add3A_31, %multiple_of3A, %dma_start3A_53] : memref<8x10240x128xf32, #tpu.memory_space<hbm>> -> memref<1x640x128xf32, #tpu.memory_space<hbm>>
      %dma_start3A_55 = tpu.memref_squeeze %dma_start3A_54 : memref<1x640x128xf32, #tpu.memory_space<hbm>> -> memref<640x128xf32, #tpu.memory_space<hbm>>
      tpu.enqueue_dma source(%dma_start3A_55 : memref<640x128xf32, #tpu.memory_space<hbm>>) target(%dma_start3A_52 : memref<640x128xf32, #tpu.memory_space<vmem_shared>>) target_semaphore(%run_scoped3A : memref<!tpu.dma_semaphore, #tpu.memory_space<semaphore_mem>>)
      %dma_wait3A = arith.constant 0 : i32
      %dma_wait3A_56 = tpu.memref_slice %arg9[%multiple_of3A, %dma_wait3A] : memref<10240x128xf32, #tpu.memory_space<vmem_shared>> -> memref<640x128xf32, #tpu.memory_space<vmem_shared>>
      %dma_wait3A_57 = arith.constant 0 : i32
      %dma_wait3A_58 = tpu.memref_slice %arg4[%add3A_31, %multiple_of3A, %dma_wait3A_57] : memref<8x10240x128xf32, #tpu.memory_space<hbm>> -> memref<1x640x128xf32, #tpu.memory_space<hbm>>
      %dma_wait3A_59 = tpu.memref_squeeze %dma_wait3A_58 : memref<1x640x128xf32, #tpu.memory_space<hbm>> -> memref<640x128xf32, #tpu.memory_space<hbm>>
      tpu.wait_dma2 semaphore(%run_scoped3A : memref<!tpu.dma_semaphore, #tpu.memory_space<semaphore_mem>>) src(%dma_wait3A_59 : memref<640x128xf32, #tpu.memory_space<hbm>>) dst(%dma_wait3A_56 : memref<640x128xf32, #tpu.memory_space<vmem_shared>>)
      tpu.yield
    }) : () -> ()
    %barrier3A_32 = arith.constant 0 : index
    tpu.barrier barrier_id(%barrier3A_32)
    %scan3A_33 = arith.constant 0 : i32
    %scan3A_34 = arith.constant 0 : i32
    %scan3A_35 = arith.constant 125 : i32
    %scan3A_36 = arith.addi %scan3A_34, %scan3A_35 : i32
    %scan3A_37 = arith.constant 1 : i32
    scf.for %scan3A_52 = %scan3A_34 to %scan3A_36 step %scan3A_37  : i32 {
      %mul3A_53 = arith.constant 5000 : i32
      %mul3A_54 = arith.muli %arg1, %mul3A_53 : i32
      %mul3A_55 = arith.constant 40 : i32
      %mul3A_56 = arith.muli %scan3A_52, %mul3A_55 : i32
      %add3A_57 = arith.addi %mul3A_54, %mul3A_56 : i32
      %multiple_of3A_58 = tpu.assume_multiple %add3A_57, 8 : i32
      "tpu.region"() ({
        %run_scoped3A = tpu.sem_alloc : memref<!tpu.dma_semaphore, #tpu.memory_space<semaphore_mem>>
        %dma_start3A = arith.constant 0 : i32
        %dma_start3A_59 = tpu.memref_slice %arg2[%add3A_31, %multiple_of3A_58, %dma_start3A] : memref<8x80000x128xf32, #tpu.memory_space<hbm>> -> memref<1x40x128xf32, #tpu.memory_space<hbm>>
        %dma_start3A_60 = tpu.memref_squeeze %dma_start3A_59 : memref<1x40x128xf32, #tpu.memory_space<hbm>> -> memref<40x128xf32, #tpu.memory_space<hbm>>
        %dma_start3A_61 = arith.constant 0 : i32
        %dma_start3A_62 = tpu.memref_slice %arg2[%add3A_31, %multiple_of3A_58, %dma_start3A_61] : memref<8x80000x128xf32, #tpu.memory_space<hbm>> -> memref<1x40x128xf32, #tpu.memory_space<hbm>>
        %dma_start3A_63 = tpu.memref_squeeze %dma_start3A_62 : memref<1x40x128xf32, #tpu.memory_space<hbm>> -> memref<40x128xf32, #tpu.memory_space<hbm>>
        tpu.enqueue_dma source(%dma_start3A_63 : memref<40x128xf32, #tpu.memory_space<hbm>>) target(%arg7 : memref<40x128xf32, #tpu.memory_space<vmem>>) target_semaphore(%run_scoped3A : memref<!tpu.dma_semaphore, #tpu.memory_space<semaphore_mem>>)
        %dma_wait3A = arith.constant 0 : i32
        %dma_wait3A_64 = tpu.memref_slice %arg2[%add3A_31, %multiple_of3A_58, %dma_wait3A] : memref<8x80000x128xf32, #tpu.memory_space<hbm>> -> memref<1x40x128xf32, #tpu.memory_space<hbm>>
        %dma_wait3A_65 = tpu.memref_squeeze %dma_wait3A_64 : memref<1x40x128xf32, #tpu.memory_space<hbm>> -> memref<40x128xf32, #tpu.memory_space<hbm>>
        %dma_wait3A_66 = arith.constant 0 : i32
        %dma_wait3A_67 = tpu.memref_slice %arg2[%add3A_31, %multiple_of3A_58, %dma_wait3A_66] : memref<8x80000x128xf32, #tpu.memory_space<hbm>> -> memref<1x40x128xf32, #tpu.memory_space<hbm>>
        %dma_wait3A_68 = tpu.memref_squeeze %dma_wait3A_67 : memref<1x40x128xf32, #tpu.memory_space<hbm>> -> memref<40x128xf32, #tpu.memory_space<hbm>>
        tpu.wait_dma2 semaphore(%run_scoped3A : memref<!tpu.dma_semaphore, #tpu.memory_space<semaphore_mem>>) src(%dma_wait3A_68 : memref<40x128xf32, #tpu.memory_space<hbm>>) dst(%arg7 : memref<40x128xf32, #tpu.memory_space<vmem>>)
        tpu.yield
      }) : () -> ()
      "tpu.region"() ({
        %run_scoped3A = tpu.sem_alloc : memref<!tpu.dma_semaphore, #tpu.memory_space<semaphore_mem>>
        %dma_start3A = arith.constant 0 : i32
        %dma_start3A_59 = tpu.memref_slice %arg6[%scan3A_52, %dma_start3A] : memref<125x40xi32, #tpu.memory_space<vmem>> -> memref<1x40xi32, #tpu.memory_space<vmem>>
        %dma_start3A_60 = tpu.memref_squeeze %dma_start3A_59 : memref<1x40xi32, #tpu.memory_space<vmem>> -> memref<40xi32, #tpu.memory_space<vmem>>
        %dma_start3A_61 = arith.constant 0 : i32
        %dma_start3A_62 = arith.constant 0 : i32
        %dma_start3A_63 = tpu.memref_slice %arg9[%dma_start3A_61, %dma_start3A_62] : memref<10240x128xf32, #tpu.memory_space<vmem_shared>> -> memref<10240x128xf32, #tpu.memory_space<vmem_shared>>
        tpu.enqueue_indirect_dma source(%arg7 : memref<40x128xf32, #tpu.memory_space<vmem>>) target(%dma_start3A_63 : memref<10240x128xf32, #tpu.memory_space<vmem_shared>>) offsets(%dma_start3A_60 : memref<40xi32, #tpu.memory_space<vmem>>) semaphore(%run_scoped3A : memref<!tpu.dma_semaphore, #tpu.memory_space<semaphore_mem>>) {add = true}
        %dma_wait3A = arith.constant 0 : i32
        %dma_wait3A_64 = tpu.memref_slice %arg6[%scan3A_52, %dma_wait3A] : memref<125x40xi32, #tpu.memory_space<vmem>> -> memref<1x40xi32, #tpu.memory_space<vmem>>
        %dma_wait3A_65 = tpu.memref_squeeze %dma_wait3A_64 : memref<1x40xi32, #tpu.memory_space<vmem>> -> memref<40xi32, #tpu.memory_space<vmem>>
        %dma_wait3A_66 = arith.constant 0 : i32
        %dma_wait3A_67 = arith.constant 0 : i32
        %dma_wait3A_68 = tpu.memref_slice %arg9[%dma_wait3A_66, %dma_wait3A_67] : memref<10240x128xf32, #tpu.memory_space<vmem_shared>> -> memref<10240x128xf32, #tpu.memory_space<vmem_shared>>
        tpu.wait_indirect_dma semaphore(%run_scoped3A : memref<!tpu.dma_semaphore, #tpu.memory_space<semaphore_mem>>) src(%arg7 : memref<40x128xf32, #tpu.memory_space<vmem>>) dst(%dma_wait3A_68 : memref<10240x128xf32, #tpu.memory_space<vmem_shared>>)
        tpu.yield
      }) : () -> ()
    }
    %scan3A_38 = arith.constant 125 : i32
    %barrier3A_39 = arith.constant 0 : index
    tpu.barrier barrier_id(%barrier3A_39)
    "tpu.region"() ({
      %run_scoped3A = tpu.sem_alloc : memref<!tpu.dma_semaphore, #tpu.memory_space<semaphore_mem>>
      %dma_start3A = arith.constant 0 : i32
      %dma_start3A_52 = tpu.memref_slice %arg5[%add3A_31, %multiple_of3A, %dma_start3A] : memref<8x10240x128xf32, #tpu.memory_space<hbm>> -> memref<1x640x128xf32, #tpu.memory_space<hbm>>
      %dma_start3A_53 = tpu.memref_squeeze %dma_start3A_52 : memref<1x640x128xf32, #tpu.memory_space<hbm>> -> memref<640x128xf32, #tpu.memory_space<hbm>>
      %dma_start3A_54 = arith.constant 0 : i32
      %dma_start3A_55 = tpu.memref_slice %arg9[%multiple_of3A, %dma_start3A_54] : memref<10240x128xf32, #tpu.memory_space<vmem_shared>> -> memref<640x128xf32, #tpu.memory_space<vmem_shared>>
      tpu.enqueue_dma source(%dma_start3A_55 : memref<640x128xf32, #tpu.memory_space<vmem_shared>>) target(%dma_start3A_53 : memref<640x128xf32, #tpu.memory_space<hbm>>) target_semaphore(%run_scoped3A : memref<!tpu.dma_semaphore, #tpu.memory_space<semaphore_mem>>)
      %dma_wait3A = arith.constant 0 : i32
      %dma_wait3A_56 = tpu.memref_slice %arg5[%add3A_31, %multiple_of3A, %dma_wait3A] : memref<8x10240x128xf32, #tpu.memory_space<hbm>> -> memref<1x640x128xf32, #tpu.memory_space<hbm>>
      %dma_wait3A_57 = tpu.memref_squeeze %dma_wait3A_56 : memref<1x640x128xf32, #tpu.memory_space<hbm>> -> memref<640x128xf32, #tpu.memory_space<hbm>>
      %dma_wait3A_58 = arith.constant 0 : i32
      %dma_wait3A_59 = tpu.memref_slice %arg9[%multiple_of3A, %dma_wait3A_58] : memref<10240x128xf32, #tpu.memory_space<vmem_shared>> -> memref<640x128xf32, #tpu.memory_space<vmem_shared>>
      tpu.wait_dma2 semaphore(%run_scoped3A : memref<!tpu.dma_semaphore, #tpu.memory_space<semaphore_mem>>) src(%dma_wait3A_59 : memref<640x128xf32, #tpu.memory_space<vmem_shared>>) dst(%dma_wait3A_57 : memref<640x128xf32, #tpu.memory_space<hbm>>)
      tpu.yield
    }) : () -> ()
    %mul3A_40 = arith.constant 4 : i32
    %mul3A_41 = arith.muli %arg0, %mul3A_40 : i32
    %add3A_42 = arith.constant 3 : i32
    %add3A_43 = arith.addi %mul3A_41, %add3A_42 : i32
    "tpu.region"() ({
      %run_scoped3A = tpu.sem_alloc : memref<!tpu.dma_semaphore, #tpu.memory_space<semaphore_mem>>
      %dma_start3A = arith.constant 0 : i32
      %dma_start3A_52 = tpu.memref_slice %arg9[%multiple_of3A, %dma_start3A] : memref<10240x128xf32, #tpu.memory_space<vmem_shared>> -> memref<640x128xf32, #tpu.memory_space<vmem_shared>>
      %dma_start3A_53 = arith.constant 0 : i32
      %dma_start3A_54 = tpu.memref_slice %arg4[%add3A_43, %multiple_of3A, %dma_start3A_53] : memref<8x10240x128xf32, #tpu.memory_space<hbm>> -> memref<1x640x128xf32, #tpu.memory_space<hbm>>
      %dma_start3A_55 = tpu.memref_squeeze %dma_start3A_54 : memref<1x640x128xf32, #tpu.memory_space<hbm>> -> memref<640x128xf32, #tpu.memory_space<hbm>>
      tpu.enqueue_dma source(%dma_start3A_55 : memref<640x128xf32, #tpu.memory_space<hbm>>) target(%dma_start3A_52 : memref<640x128xf32, #tpu.memory_space<vmem_shared>>) target_semaphore(%run_scoped3A : memref<!tpu.dma_semaphore, #tpu.memory_space<semaphore_mem>>)
      %dma_wait3A = arith.constant 0 : i32
      %dma_wait3A_56 = tpu.memref_slice %arg9[%multiple_of3A, %dma_wait3A] : memref<10240x128xf32, #tpu.memory_space<vmem_shared>> -> memref<640x128xf32, #tpu.memory_space<vmem_shared>>
      %dma_wait3A_57 = arith.constant 0 : i32
      %dma_wait3A_58 = tpu.memref_slice %arg4[%add3A_43, %multiple_of3A, %dma_wait3A_57] : memref<8x10240x128xf32, #tpu.memory_space<hbm>> -> memref<1x640x128xf32, #tpu.memory_space<hbm>>
      %dma_wait3A_59 = tpu.memref_squeeze %dma_wait3A_58 : memref<1x640x128xf32, #tpu.memory_space<hbm>> -> memref<640x128xf32, #tpu.memory_space<hbm>>
      tpu.wait_dma2 semaphore(%run_scoped3A : memref<!tpu.dma_semaphore, #tpu.memory_space<semaphore_mem>>) src(%dma_wait3A_59 : memref<640x128xf32, #tpu.memory_space<hbm>>) dst(%dma_wait3A_56 : memref<640x128xf32, #tpu.memory_space<vmem_shared>>)
      tpu.yield
    }) : () -> ()
    %barrier3A_44 = arith.constant 0 : index
    tpu.barrier barrier_id(%barrier3A_44)
    %scan3A_45 = arith.constant 0 : i32
    %scan3A_46 = arith.constant 0 : i32
    %scan3A_47 = arith.constant 125 : i32
    %scan3A_48 = arith.addi %scan3A_46, %scan3A_47 : i32
    %scan3A_49 = arith.constant 1 : i32
    scf.for %scan3A_52 = %scan3A_46 to %scan3A_48 step %scan3A_49  : i32 {
      %mul3A_53 = arith.constant 5000 : i32
      %mul3A_54 = arith.muli %arg1, %mul3A_53 : i32
      %mul3A_55 = arith.constant 40 : i32
      %mul3A_56 = arith.muli %scan3A_52, %mul3A_55 : i32
      %add3A_57 = arith.addi %mul3A_54, %mul3A_56 : i32
      %multiple_of3A_58 = tpu.assume_multiple %add3A_57, 8 : i32
      "tpu.region"() ({
        %run_scoped3A = tpu.sem_alloc : memref<!tpu.dma_semaphore, #tpu.memory_space<semaphore_mem>>
        %dma_start3A = arith.constant 0 : i32
        %dma_start3A_59 = tpu.memref_slice %arg2[%add3A_43, %multiple_of3A_58, %dma_start3A] : memref<8x80000x128xf32, #tpu.memory_space<hbm>> -> memref<1x40x128xf32, #tpu.memory_space<hbm>>
        %dma_start3A_60 = tpu.memref_squeeze %dma_start3A_59 : memref<1x40x128xf32, #tpu.memory_space<hbm>> -> memref<40x128xf32, #tpu.memory_space<hbm>>
        %dma_start3A_61 = arith.constant 0 : i32
        %dma_start3A_62 = tpu.memref_slice %arg2[%add3A_43, %multiple_of3A_58, %dma_start3A_61] : memref<8x80000x128xf32, #tpu.memory_space<hbm>> -> memref<1x40x128xf32, #tpu.memory_space<hbm>>
        %dma_start3A_63 = tpu.memref_squeeze %dma_start3A_62 : memref<1x40x128xf32, #tpu.memory_space<hbm>> -> memref<40x128xf32, #tpu.memory_space<hbm>>
        tpu.enqueue_dma source(%dma_start3A_63 : memref<40x128xf32, #tpu.memory_space<hbm>>) target(%arg7 : memref<40x128xf32, #tpu.memory_space<vmem>>) target_semaphore(%run_scoped3A : memref<!tpu.dma_semaphore, #tpu.memory_space<semaphore_mem>>)
        %dma_wait3A = arith.constant 0 : i32
        %dma_wait3A_64 = tpu.memref_slice %arg2[%add3A_43, %multiple_of3A_58, %dma_wait3A] : memref<8x80000x128xf32, #tpu.memory_space<hbm>> -> memref<1x40x128xf32, #tpu.memory_space<hbm>>
        %dma_wait3A_65 = tpu.memref_squeeze %dma_wait3A_64 : memref<1x40x128xf32, #tpu.memory_space<hbm>> -> memref<40x128xf32, #tpu.memory_space<hbm>>
        %dma_wait3A_66 = arith.constant 0 : i32
        %dma_wait3A_67 = tpu.memref_slice %arg2[%add3A_43, %multiple_of3A_58, %dma_wait3A_66] : memref<8x80000x128xf32, #tpu.memory_space<hbm>> -> memref<1x40x128xf32, #tpu.memory_space<hbm>>
        %dma_wait3A_68 = tpu.memref_squeeze %dma_wait3A_67 : memref<1x40x128xf32, #tpu.memory_space<hbm>> -> memref<40x128xf32, #tpu.memory_space<hbm>>
        tpu.wait_dma2 semaphore(%run_scoped3A : memref<!tpu.dma_semaphore, #tpu.memory_space<semaphore_mem>>) src(%dma_wait3A_68 : memref<40x128xf32, #tpu.memory_space<hbm>>) dst(%arg7 : memref<40x128xf32, #tpu.memory_space<vmem>>)
        tpu.yield
      }) : () -> ()
      "tpu.region"() ({
        %run_scoped3A = tpu.sem_alloc : memref<!tpu.dma_semaphore, #tpu.memory_space<semaphore_mem>>
        %dma_start3A = arith.constant 0 : i32
        %dma_start3A_59 = tpu.memref_slice %arg6[%scan3A_52, %dma_start3A] : memref<125x40xi32, #tpu.memory_space<vmem>> -> memref<1x40xi32, #tpu.memory_space<vmem>>
        %dma_start3A_60 = tpu.memref_squeeze %dma_start3A_59 : memref<1x40xi32, #tpu.memory_space<vmem>> -> memref<40xi32, #tpu.memory_space<vmem>>
        %dma_start3A_61 = arith.constant 0 : i32
        %dma_start3A_62 = arith.constant 0 : i32
        %dma_start3A_63 = tpu.memref_slice %arg9[%dma_start3A_61, %dma_start3A_62] : memref<10240x128xf32, #tpu.memory_space<vmem_shared>> -> memref<10240x128xf32, #tpu.memory_space<vmem_shared>>
        tpu.enqueue_indirect_dma source(%arg7 : memref<40x128xf32, #tpu.memory_space<vmem>>) target(%dma_start3A_63 : memref<10240x128xf32, #tpu.memory_space<vmem_shared>>) offsets(%dma_start3A_60 : memref<40xi32, #tpu.memory_space<vmem>>) semaphore(%run_scoped3A : memref<!tpu.dma_semaphore, #tpu.memory_space<semaphore_mem>>) {add = true}
        %dma_wait3A = arith.constant 0 : i32
        %dma_wait3A_64 = tpu.memref_slice %arg6[%scan3A_52, %dma_wait3A] : memref<125x40xi32, #tpu.memory_space<vmem>> -> memref<1x40xi32, #tpu.memory_space<vmem>>
        %dma_wait3A_65 = tpu.memref_squeeze %dma_wait3A_64 : memref<1x40xi32, #tpu.memory_space<vmem>> -> memref<40xi32, #tpu.memory_space<vmem>>
        %dma_wait3A_66 = arith.constant 0 : i32
        %dma_wait3A_67 = arith.constant 0 : i32
        %dma_wait3A_68 = tpu.memref_slice %arg9[%dma_wait3A_66, %dma_wait3A_67] : memref<10240x128xf32, #tpu.memory_space<vmem_shared>> -> memref<10240x128xf32, #tpu.memory_space<vmem_shared>>
        tpu.wait_indirect_dma semaphore(%run_scoped3A : memref<!tpu.dma_semaphore, #tpu.memory_space<semaphore_mem>>) src(%arg7 : memref<40x128xf32, #tpu.memory_space<vmem>>) dst(%dma_wait3A_68 : memref<10240x128xf32, #tpu.memory_space<vmem_shared>>)
        tpu.yield
      }) : () -> ()
    }
    %scan3A_50 = arith.constant 125 : i32
    %barrier3A_51 = arith.constant 0 : index
    tpu.barrier barrier_id(%barrier3A_51)
    "tpu.region"() ({
      %run_scoped3A = tpu.sem_alloc : memref<!tpu.dma_semaphore, #tpu.memory_space<semaphore_mem>>
      %dma_start3A = arith.constant 0 : i32
      %dma_start3A_52 = tpu.memref_slice %arg5[%add3A_43, %multiple_of3A, %dma_start3A] : memref<8x10240x128xf32, #tpu.memory_space<hbm>> -> memref<1x640x128xf32, #tpu.memory_space<hbm>>
      %dma_start3A_53 = tpu.memref_squeeze %dma_start3A_52 : memref<1x640x128xf32, #tpu.memory_space<hbm>> -> memref<640x128xf32, #tpu.memory_space<hbm>>
      %dma_start3A_54 = arith.constant 0 : i32
      %dma_start3A_55 = tpu.memref_slice %arg9[%multiple_of3A, %dma_start3A_54] : memref<10240x128xf32, #tpu.memory_space<vmem_shared>> -> memref<640x128xf32, #tpu.memory_space<vmem_shared>>
      tpu.enqueue_dma source(%dma_start3A_55 : memref<640x128xf32, #tpu.memory_space<vmem_shared>>) target(%dma_start3A_53 : memref<640x128xf32, #tpu.memory_space<hbm>>) target_semaphore(%run_scoped3A : memref<!tpu.dma_semaphore, #tpu.memory_space<semaphore_mem>>)
      %dma_wait3A = arith.constant 0 : i32
      %dma_wait3A_56 = tpu.memref_slice %arg5[%add3A_43, %multiple_of3A, %dma_wait3A] : memref<8x10240x128xf32, #tpu.memory_space<hbm>> -> memref<1x640x128xf32, #tpu.memory_space<hbm>>
      %dma_wait3A_57 = tpu.memref_squeeze %dma_wait3A_56 : memref<1x640x128xf32, #tpu.memory_space<hbm>> -> memref<640x128xf32, #tpu.memory_space<hbm>>
      %dma_wait3A_58 = arith.constant 0 : i32
      %dma_wait3A_59 = tpu.memref_slice %arg9[%multiple_of3A, %dma_wait3A_58] : memref<10240x128xf32, #tpu.memory_space<vmem_shared>> -> memref<640x128xf32, #tpu.memory_space<vmem_shared>>
      tpu.wait_dma2 semaphore(%run_scoped3A : memref<!tpu.dma_semaphore, #tpu.memory_space<semaphore_mem>>) src(%dma_wait3A_59 : memref<640x128xf32, #tpu.memory_space<vmem_shared>>) dst(%dma_wait3A_57 : memref<640x128xf32, #tpu.memory_space<hbm>>)
      tpu.yield
    }) : () -> ()
    return
  }
}

module attributes {stable_mosaic.version = 14 : i64} {
  func.func @_node_pre_body(%arg0: i32, %arg1: memref<400x256xf32, #tpu.memory_space<vmem>>, %arg2: memref<400x768xf32, #tpu.memory_space<vmem>>, %arg3: memref<1x256xf32, #tpu.memory_space<vmem>>, %arg4: memref<1x256xf32, #tpu.memory_space<vmem>>, %arg5: memref<256x256xf32, #tpu.memory_space<vmem>>, %arg6: memref<1x256xf32, #tpu.memory_space<vmem>>, %arg7: memref<256x256xf32, #tpu.memory_space<vmem>>, %arg8: memref<1x256xf32, #tpu.memory_space<vmem>>, %arg9: memref<256x768xf32, #tpu.memory_space<vmem>>, %arg10: memref<1x768xf32, #tpu.memory_space<vmem>>, %arg11: memref<256x256xf32, #tpu.memory_space<vmem>>, %arg12: memref<256x256xf32, #tpu.memory_space<vmem>>, %arg13: memref<256x256xf32, #tpu.memory_space<vmem>>, %arg14: memref<400x128xi32, #tpu.memory_space<vmem>>, %arg15: memref<400x896xi32, #tpu.memory_space<vmem>>, %arg16: memref<400x768xf32, #tpu.memory_space<vmem>>, %arg17: memref<400x256xf32, #tpu.memory_space<vmem>>) attributes {dimension_semantics = [#tpu.dimension_semantics<arbitrary>], iteration_bounds = array<i64: 25>, scalar_prefetch = 0 : i64, scratch_operands = 0 : i64, tpu.core_type = #tpu.core_type<tc>, window_params = [{transform_indices = @transform_0, window_bounds = array<i64: 400, 256>}, {transform_indices = @transform_1, window_bounds = array<i64: 400, 768>}, {pipeline_mode = #tpu.pipeline_mode<synchronous>, transform_indices = @transform_2, window_bounds = array<i64: 1, 256>}, {pipeline_mode = #tpu.pipeline_mode<synchronous>, transform_indices = @transform_3, window_bounds = array<i64: 1, 256>}, {pipeline_mode = #tpu.pipeline_mode<synchronous>, transform_indices = @transform_4, window_bounds = array<i64: 256, 256>}, {pipeline_mode = #tpu.pipeline_mode<synchronous>, transform_indices = @transform_5, window_bounds = array<i64: 1, 256>}, {pipeline_mode = #tpu.pipeline_mode<synchronous>, transform_indices = @transform_6, window_bounds = array<i64: 256, 256>}, {pipeline_mode = #tpu.pipeline_mode<synchronous>, transform_indices = @transform_7, window_bounds = array<i64: 1, 256>}, {pipeline_mode = #tpu.pipeline_mode<synchronous>, transform_indices = @transform_8, window_bounds = array<i64: 256, 768>}, {pipeline_mode = #tpu.pipeline_mode<synchronous>, transform_indices = @transform_9, window_bounds = array<i64: 1, 768>}, {pipeline_mode = #tpu.pipeline_mode<synchronous>, transform_indices = @transform_10, window_bounds = array<i64: 256, 256>}, {pipeline_mode = #tpu.pipeline_mode<synchronous>, transform_indices = @transform_11, window_bounds = array<i64: 256, 256>}, {pipeline_mode = #tpu.pipeline_mode<synchronous>, transform_indices = @transform_12, window_bounds = array<i64: 256, 256>}, {transform_indices = @transform_13, window_bounds = array<i64: 400, 128>}, {transform_indices = @transform_14, window_bounds = array<i64: 400, 896>}, {transform_indices = @transform_15, window_bounds = array<i64: 400, 768>}, {transform_indices = @transform_16, window_bounds = array<i64: 400, 256>}]} {
    %get3A = arith.constant 0 : index
    %get3A_0 = arith.constant 0 : index
    %get3A_1 = vector.load %arg1[%get3A, %get3A_0] : memref<400x256xf32, #tpu.memory_space<vmem>>, vector<400x256xf32>
    %reduce_sum3A = arith.constant dense<0.000000e+00> : vector<400xf32>
    %reduce_sum3A_2 = vector.multi_reduction <add>, %get3A_1, %reduce_sum3A [1] : vector<400x256xf32> to vector<400xf32>
    %broadcast_in_dim3A = vector.shape_cast %reduce_sum3A_2 : vector<400xf32> to vector<400x1xf32>
    %div3A = arith.constant 2.560000e+02 : f32
    %div3A_3 = vector.broadcast %div3A : f32 to vector<400x1xf32>
    %div3A_4 = arith.divf %broadcast_in_dim3A, %div3A_3 : vector<400x1xf32>
    %sub3A = vector.broadcast %div3A_4 : vector<400x1xf32> to vector<400x256xf32>
    %sub3A_5 = arith.subf %get3A_1, %sub3A : vector<400x256xf32>
    %mul3A = arith.mulf %sub3A_5, %sub3A_5 : vector<400x256xf32>
    %reduce_sum3A_6 = arith.constant dense<0.000000e+00> : vector<400xf32>
    %reduce_sum3A_7 = vector.multi_reduction <add>, %mul3A, %reduce_sum3A_6 [1] : vector<400x256xf32> to vector<400xf32>
    %broadcast_in_dim3A_8 = vector.shape_cast %reduce_sum3A_7 : vector<400xf32> to vector<400x1xf32>
    %div3A_9 = arith.constant 2.560000e+02 : f32
    %div3A_10 = vector.broadcast %div3A_9 : f32 to vector<400x1xf32>
    %div3A_11 = arith.divf %broadcast_in_dim3A_8, %div3A_10 : vector<400x1xf32>
    %add3A = arith.constant 9.99999974E-6 : f32
    %add3A_12 = vector.broadcast %add3A : f32 to vector<400x1xf32>
    %add3A_13 = arith.addf %div3A_11, %add3A_12 : vector<400x1xf32>
    %rsqrt3A = math.rsqrt %add3A_13 : vector<400x1xf32>
    %mul3A_14 = vector.broadcast %rsqrt3A : vector<400x1xf32> to vector<400x256xf32>
    %mul3A_15 = arith.mulf %sub3A_5, %mul3A_14 : vector<400x256xf32>
    %get3A_16 = arith.constant 0 : index
    %get3A_17 = arith.constant 0 : index
    %get3A_18 = vector.load %arg3[%get3A_16, %get3A_17] : memref<1x256xf32, #tpu.memory_space<vmem>>, vector<1x256xf32>
    %mul3A_19 = vector.broadcast %get3A_18 : vector<1x256xf32> to vector<400x256xf32>
    %mul3A_20 = arith.mulf %mul3A_15, %mul3A_19 : vector<400x256xf32>
    %get3A_21 = arith.constant 0 : index
    %get3A_22 = arith.constant 0 : index
    %get3A_23 = vector.load %arg4[%get3A_21, %get3A_22] : memref<1x256xf32, #tpu.memory_space<vmem>>, vector<1x256xf32>
    %add3A_24 = vector.broadcast %get3A_23 : vector<1x256xf32> to vector<400x256xf32>
    %add3A_25 = arith.addf %mul3A_20, %add3A_24 : vector<400x256xf32>
    %get3A_26 = arith.constant 0 : index
    %get3A_27 = arith.constant 0 : index
    %get3A_28 = vector.load %arg5[%get3A_26, %get3A_27] : memref<256x256xf32, #tpu.memory_space<vmem>>, vector<256x256xf32>
    %dot_general3A = arith.constant dense<0.000000e+00> : vector<400x256xf32>
    %dot_general3A_29 = tpu.matmul %add3A_25, %get3A_28, %dot_general3A {dimension_numbers = #tpu.dot_dimension_numbers<[1], [0], [0], [1], [0, 0, 1, 1], [], []>, transpose_lhs_hint = false} : vector<400x256xf32>, vector<256x256xf32>, vector<400x256xf32> -> vector<400x256xf32>
    %get3A_30 = arith.constant 0 : index
    %get3A_31 = arith.constant 0 : index
    %get3A_32 = vector.load %arg6[%get3A_30, %get3A_31] : memref<1x256xf32, #tpu.memory_space<vmem>>, vector<1x256xf32>
    %add3A_33 = vector.broadcast %get3A_32 : vector<1x256xf32> to vector<400x256xf32>
    %add3A_34 = arith.addf %dot_general3A_29, %add3A_33 : vector<400x256xf32>
    %slice3A = vector.extract_strided_slice %add3A_34 {offsets = [0, 0], sizes = [400, 128], strides = [1, 1]} : vector<400x256xf32> to vector<400x128xf32>
    %slice3A_35 = vector.extract_strided_slice %add3A_34 {offsets = [0, 128], sizes = [400, 128], strides = [1, 1]} : vector<400x256xf32> to vector<400x128xf32>
    %bitcast_convert_type3A = tpu.bitcast %slice3A : vector<400x128xf32> -> vector<400x128xi32>
    %bitcast_convert_type3A_36 = tpu.bitcast %slice3A_35 : vector<400x128xf32> -> vector<400x128xi32>
    %add3A_37 = arith.constant 32767 : i32
    %add3A_38 = vector.broadcast %add3A_37 : i32 to vector<400x128xi32>
    %add3A_39 = arith.addi %bitcast_convert_type3A, %add3A_38 : vector<400x128xi32>
    %shift_right_arithmetic3A = arith.constant 16 : i32
    %shift_right_arithmetic3A_40 = vector.broadcast %shift_right_arithmetic3A : i32 to vector<400x128xi32>
    %shift_right_arithmetic3A_41 = arith.shrsi %bitcast_convert_type3A, %shift_right_arithmetic3A_40 : vector<400x128xi32>
    %and3A = arith.constant 1 : i32
    %and3A_42 = vector.broadcast %and3A : i32 to vector<400x128xi32>
    %and3A_43 = arith.andi %shift_right_arithmetic3A_41, %and3A_42 : vector<400x128xi32>
    %add3A_44 = arith.addi %add3A_39, %and3A_43 : vector<400x128xi32>
    %shift_right_arithmetic3A_45 = arith.constant 16 : i32
    %shift_right_arithmetic3A_46 = vector.broadcast %shift_right_arithmetic3A_45 : i32 to vector<400x128xi32>
    %shift_right_arithmetic3A_47 = arith.shrsi %add3A_44, %shift_right_arithmetic3A_46 : vector<400x128xi32>
    %add3A_48 = arith.constant 32767 : i32
    %add3A_49 = vector.broadcast %add3A_48 : i32 to vector<400x128xi32>
    %add3A_50 = arith.addi %bitcast_convert_type3A_36, %add3A_49 : vector<400x128xi32>
    %shift_right_arithmetic3A_51 = arith.constant 16 : i32
    %shift_right_arithmetic3A_52 = vector.broadcast %shift_right_arithmetic3A_51 : i32 to vector<400x128xi32>
    %shift_right_arithmetic3A_53 = arith.shrsi %bitcast_convert_type3A_36, %shift_right_arithmetic3A_52 : vector<400x128xi32>
    %and3A_54 = arith.constant 1 : i32
    %and3A_55 = vector.broadcast %and3A_54 : i32 to vector<400x128xi32>
    %and3A_56 = arith.andi %shift_right_arithmetic3A_53, %and3A_55 : vector<400x128xi32>
    %add3A_57 = arith.addi %add3A_50, %and3A_56 : vector<400x128xi32>
    %and3A_58 = arith.constant -65536 : i32
    %and3A_59 = vector.broadcast %and3A_58 : i32 to vector<400x128xi32>
    %and3A_60 = arith.andi %add3A_57, %and3A_59 : vector<400x128xi32>
    %and3A_61 = arith.constant 65535 : i32
    %and3A_62 = vector.broadcast %and3A_61 : i32 to vector<400x128xi32>
    %and3A_63 = arith.andi %shift_right_arithmetic3A_47, %and3A_62 : vector<400x128xi32>
    %or3A = arith.ori %and3A_63, %and3A_60 : vector<400x128xi32>
    %swap3A = arith.constant 0 : index
    %swap3A_64 = arith.constant 0 : index
    %swap3A_65 = vector.load %arg14[%swap3A, %swap3A_64] : memref<400x128xi32, #tpu.memory_space<vmem>>, vector<400x128xi32>
    tpu.vector_store %arg14[%swap3A, %swap3A_64], %or3A {strides = array<i32>} : memref<400x128xi32, #tpu.memory_space<vmem>>, vector<400x128xi32>,
    %get3A_66 = arith.constant 0 : index
    %get3A_67 = arith.constant 0 : index
    %get3A_68 = vector.load %arg7[%get3A_66, %get3A_67] : memref<256x256xf32, #tpu.memory_space<vmem>>, vector<256x256xf32>
    %dot_general3A_69 = arith.constant dense<0.000000e+00> : vector<400x256xf32>
    %dot_general3A_70 = tpu.matmul %add3A_25, %get3A_68, %dot_general3A_69 {dimension_numbers = #tpu.dot_dimension_numbers<[1], [0], [0], [1], [0, 0, 1, 1], [], []>, transpose_lhs_hint = false} : vector<400x256xf32>, vector<256x256xf32>, vector<400x256xf32> -> vector<400x256xf32>
    %get3A_71 = arith.constant 0 : index
    %get3A_72 = arith.constant 0 : index
    %get3A_73 = vector.load %arg8[%get3A_71, %get3A_72] : memref<1x256xf32, #tpu.memory_space<vmem>>, vector<1x256xf32>
    %add3A_74 = vector.broadcast %get3A_73 : vector<1x256xf32> to vector<400x256xf32>
    %add3A_75 = arith.addf %dot_general3A_70, %add3A_74 : vector<400x256xf32>
    %slice3A_76 = vector.extract_strided_slice %add3A_75 {offsets = [0, 0], sizes = [400, 128], strides = [1, 1]} : vector<400x256xf32> to vector<400x128xf32>
    %slice3A_77 = vector.extract_strided_slice %add3A_75 {offsets = [0, 128], sizes = [400, 128], strides = [1, 1]} : vector<400x256xf32> to vector<400x128xf32>
    %bitcast_convert_type3A_78 = tpu.bitcast %slice3A_76 : vector<400x128xf32> -> vector<400x128xi32>
    %bitcast_convert_type3A_79 = tpu.bitcast %slice3A_77 : vector<400x128xf32> -> vector<400x128xi32>
    %add3A_80 = arith.constant 32767 : i32
    %add3A_81 = vector.broadcast %add3A_80 : i32 to vector<400x128xi32>
    %add3A_82 = arith.addi %bitcast_convert_type3A_78, %add3A_81 : vector<400x128xi32>
    %shift_right_arithmetic3A_83 = arith.constant 16 : i32
    %shift_right_arithmetic3A_84 = vector.broadcast %shift_right_arithmetic3A_83 : i32 to vector<400x128xi32>
    %shift_right_arithmetic3A_85 = arith.shrsi %bitcast_convert_type3A_78, %shift_right_arithmetic3A_84 : vector<400x128xi32>
    %and3A_86 = arith.constant 1 : i32
    %and3A_87 = vector.broadcast %and3A_86 : i32 to vector<400x128xi32>
    %and3A_88 = arith.andi %shift_right_arithmetic3A_85, %and3A_87 : vector<400x128xi32>
    %add3A_89 = arith.addi %add3A_82, %and3A_88 : vector<400x128xi32>
    %shift_right_arithmetic3A_90 = arith.constant 16 : i32
    %shift_right_arithmetic3A_91 = vector.broadcast %shift_right_arithmetic3A_90 : i32 to vector<400x128xi32>
    %shift_right_arithmetic3A_92 = arith.shrsi %add3A_89, %shift_right_arithmetic3A_91 : vector<400x128xi32>
    %add3A_93 = arith.constant 32767 : i32
    %add3A_94 = vector.broadcast %add3A_93 : i32 to vector<400x128xi32>
    %add3A_95 = arith.addi %bitcast_convert_type3A_79, %add3A_94 : vector<400x128xi32>
    %shift_right_arithmetic3A_96 = arith.constant 16 : i32
    %shift_right_arithmetic3A_97 = vector.broadcast %shift_right_arithmetic3A_96 : i32 to vector<400x128xi32>
    %shift_right_arithmetic3A_98 = arith.shrsi %bitcast_convert_type3A_79, %shift_right_arithmetic3A_97 : vector<400x128xi32>
    %and3A_99 = arith.constant 1 : i32
    %and3A_100 = vector.broadcast %and3A_99 : i32 to vector<400x128xi32>
    %and3A_101 = arith.andi %shift_right_arithmetic3A_98, %and3A_100 : vector<400x128xi32>
    %add3A_102 = arith.addi %add3A_95, %and3A_101 : vector<400x128xi32>
    %and3A_103 = arith.constant -65536 : i32
    %and3A_104 = vector.broadcast %and3A_103 : i32 to vector<400x128xi32>
    %and3A_105 = arith.andi %add3A_102, %and3A_104 : vector<400x128xi32>
    %and3A_106 = arith.constant 65535 : i32
    %and3A_107 = vector.broadcast %and3A_106 : i32 to vector<400x128xi32>
    %and3A_108 = arith.andi %shift_right_arithmetic3A_92, %and3A_107 : vector<400x128xi32>
    %or3A_109 = arith.ori %and3A_108, %and3A_105 : vector<400x128xi32>
    %swap3A_110 = arith.constant 0 : index
    %swap3A_111 = arith.constant 0 : index
    %swap3A_112 = vector.load %arg15[%swap3A_110, %swap3A_111] : memref<400x896xi32, #tpu.memory_space<vmem>>, vector<400x128xi32>
    tpu.vector_store %arg15[%swap3A_110, %swap3A_111], %or3A_109 {strides = array<i32>} : memref<400x896xi32, #tpu.memory_space<vmem>>, vector<400x128xi32>,
    %get3A_113 = arith.constant 0 : index
    %get3A_114 = arith.constant 0 : index
    %get3A_115 = vector.load %arg9[%get3A_113, %get3A_114] : memref<256x768xf32, #tpu.memory_space<vmem>>, vector<256x768xf32>
    %dot_general3A_116 = arith.constant dense<0.000000e+00> : vector<400x768xf32>
    %dot_general3A_117 = tpu.matmul %add3A_25, %get3A_115, %dot_general3A_116 {dimension_numbers = #tpu.dot_dimension_numbers<[1], [0], [0], [1], [0, 0, 1, 1], [], []>, transpose_lhs_hint = false} : vector<400x256xf32>, vector<256x768xf32>, vector<400x768xf32> -> vector<400x768xf32>
    %get3A_118 = arith.constant 0 : index
    %get3A_119 = arith.constant 0 : index
    %get3A_120 = vector.load %arg10[%get3A_118, %get3A_119] : memref<1x768xf32, #tpu.memory_space<vmem>>, vector<1x768xf32>
    %add3A_121 = vector.broadcast %get3A_120 : vector<1x768xf32> to vector<400x768xf32>
    %add3A_122 = arith.addf %dot_general3A_117, %add3A_121 : vector<400x768xf32>
    %slice3A_123 = vector.extract_strided_slice %add3A_122 {offsets = [0, 0], sizes = [400, 128], strides = [1, 1]} : vector<400x768xf32> to vector<400x128xf32>
    %slice3A_124 = vector.extract_strided_slice %add3A_122 {offsets = [0, 128], sizes = [400, 128], strides = [1, 1]} : vector<400x768xf32> to vector<400x128xf32>
    %bitcast_convert_type3A_125 = tpu.bitcast %slice3A_123 : vector<400x128xf32> -> vector<400x128xi32>
    %bitcast_convert_type3A_126 = tpu.bitcast %slice3A_124 : vector<400x128xf32> -> vector<400x128xi32>
    %add3A_127 = arith.constant 32767 : i32
    %add3A_128 = vector.broadcast %add3A_127 : i32 to vector<400x128xi32>
    %add3A_129 = arith.addi %bitcast_convert_type3A_125, %add3A_128 : vector<400x128xi32>
    %shift_right_arithmetic3A_130 = arith.constant 16 : i32
    %shift_right_arithmetic3A_131 = vector.broadcast %shift_right_arithmetic3A_130 : i32 to vector<400x128xi32>
    %shift_right_arithmetic3A_132 = arith.shrsi %bitcast_convert_type3A_125, %shift_right_arithmetic3A_131 : vector<400x128xi32>
    %and3A_133 = arith.constant 1 : i32
    %and3A_134 = vector.broadcast %and3A_133 : i32 to vector<400x128xi32>
    %and3A_135 = arith.andi %shift_right_arithmetic3A_132, %and3A_134 : vector<400x128xi32>
    %add3A_136 = arith.addi %add3A_129, %and3A_135 : vector<400x128xi32>
    %shift_right_arithmetic3A_137 = arith.constant 16 : i32
    %shift_right_arithmetic3A_138 = vector.broadcast %shift_right_arithmetic3A_137 : i32 to vector<400x128xi32>
    %shift_right_arithmetic3A_139 = arith.shrsi %add3A_136, %shift_right_arithmetic3A_138 : vector<400x128xi32>
    %add3A_140 = arith.constant 32767 : i32
    %add3A_141 = vector.broadcast %add3A_140 : i32 to vector<400x128xi32>
    %add3A_142 = arith.addi %bitcast_convert_type3A_126, %add3A_141 : vector<400x128xi32>
    %shift_right_arithmetic3A_143 = arith.constant 16 : i32
    %shift_right_arithmetic3A_144 = vector.broadcast %shift_right_arithmetic3A_143 : i32 to vector<400x128xi32>
    %shift_right_arithmetic3A_145 = arith.shrsi %bitcast_convert_type3A_126, %shift_right_arithmetic3A_144 : vector<400x128xi32>
    %and3A_146 = arith.constant 1 : i32
    %and3A_147 = vector.broadcast %and3A_146 : i32 to vector<400x128xi32>
    %and3A_148 = arith.andi %shift_right_arithmetic3A_145, %and3A_147 : vector<400x128xi32>
    %add3A_149 = arith.addi %add3A_142, %and3A_148 : vector<400x128xi32>
    %and3A_150 = arith.constant -65536 : i32
    %and3A_151 = vector.broadcast %and3A_150 : i32 to vector<400x128xi32>
    %and3A_152 = arith.andi %add3A_149, %and3A_151 : vector<400x128xi32>
    %and3A_153 = arith.constant 65535 : i32
    %and3A_154 = vector.broadcast %and3A_153 : i32 to vector<400x128xi32>
    %and3A_155 = arith.andi %shift_right_arithmetic3A_139, %and3A_154 : vector<400x128xi32>
    %or3A_156 = arith.ori %and3A_155, %and3A_152 : vector<400x128xi32>
    %swap3A_157 = arith.constant 0 : index
    %swap3A_158 = arith.constant 128 : index
    %swap3A_159 = vector.load %arg15[%swap3A_157, %swap3A_158] : memref<400x896xi32, #tpu.memory_space<vmem>>, vector<400x128xi32>
    tpu.vector_store %arg15[%swap3A_157, %swap3A_158], %or3A_156 {strides = array<i32>} : memref<400x896xi32, #tpu.memory_space<vmem>>, vector<400x128xi32>,
    %slice3A_160 = vector.extract_strided_slice %add3A_122 {offsets = [0, 256], sizes = [400, 128], strides = [1, 1]} : vector<400x768xf32> to vector<400x128xf32>
    %slice3A_161 = vector.extract_strided_slice %add3A_122 {offsets = [0, 384], sizes = [400, 128], strides = [1, 1]} : vector<400x768xf32> to vector<400x128xf32>
    %bitcast_convert_type3A_162 = tpu.bitcast %slice3A_160 : vector<400x128xf32> -> vector<400x128xi32>
    %bitcast_convert_type3A_163 = tpu.bitcast %slice3A_161 : vector<400x128xf32> -> vector<400x128xi32>
    %add3A_164 = arith.constant 32767 : i32
    %add3A_165 = vector.broadcast %add3A_164 : i32 to vector<400x128xi32>
    %add3A_166 = arith.addi %bitcast_convert_type3A_162, %add3A_165 : vector<400x128xi32>
    %shift_right_arithmetic3A_167 = arith.constant 16 : i32
    %shift_right_arithmetic3A_168 = vector.broadcast %shift_right_arithmetic3A_167 : i32 to vector<400x128xi32>
    %shift_right_arithmetic3A_169 = arith.shrsi %bitcast_convert_type3A_162, %shift_right_arithmetic3A_168 : vector<400x128xi32>
    %and3A_170 = arith.constant 1 : i32
    %and3A_171 = vector.broadcast %and3A_170 : i32 to vector<400x128xi32>
    %and3A_172 = arith.andi %shift_right_arithmetic3A_169, %and3A_171 : vector<400x128xi32>
    %add3A_173 = arith.addi %add3A_166, %and3A_172 : vector<400x128xi32>
    %shift_right_arithmetic3A_174 = arith.constant 16 : i32
    %shift_right_arithmetic3A_175 = vector.broadcast %shift_right_arithmetic3A_174 : i32 to vector<400x128xi32>
    %shift_right_arithmetic3A_176 = arith.shrsi %add3A_173, %shift_right_arithmetic3A_175 : vector<400x128xi32>
    %add3A_177 = arith.constant 32767 : i32
    %add3A_178 = vector.broadcast %add3A_177 : i32 to vector<400x128xi32>
    %add3A_179 = arith.addi %bitcast_convert_type3A_163, %add3A_178 : vector<400x128xi32>
    %shift_right_arithmetic3A_180 = arith.constant 16 : i32
    %shift_right_arithmetic3A_181 = vector.broadcast %shift_right_arithmetic3A_180 : i32 to vector<400x128xi32>
    %shift_right_arithmetic3A_182 = arith.shrsi %bitcast_convert_type3A_163, %shift_right_arithmetic3A_181 : vector<400x128xi32>
    %and3A_183 = arith.constant 1 : i32
    %and3A_184 = vector.broadcast %and3A_183 : i32 to vector<400x128xi32>
    %and3A_185 = arith.andi %shift_right_arithmetic3A_182, %and3A_184 : vector<400x128xi32>
    %add3A_186 = arith.addi %add3A_179, %and3A_185 : vector<400x128xi32>
    %and3A_187 = arith.constant -65536 : i32
    %and3A_188 = vector.broadcast %and3A_187 : i32 to vector<400x128xi32>
    %and3A_189 = arith.andi %add3A_186, %and3A_188 : vector<400x128xi32>
    %and3A_190 = arith.constant 65535 : i32
    %and3A_191 = vector.broadcast %and3A_190 : i32 to vector<400x128xi32>
    %and3A_192 = arith.andi %shift_right_arithmetic3A_176, %and3A_191 : vector<400x128xi32>
    %or3A_193 = arith.ori %and3A_192, %and3A_189 : vector<400x128xi32>
    %swap3A_194 = arith.constant 0 : index
    %swap3A_195 = arith.constant 256 : index
    %swap3A_196 = vector.load %arg15[%swap3A_194, %swap3A_195] : memref<400x896xi32, #tpu.memory_space<vmem>>, vector<400x128xi32>
    tpu.vector_store %arg15[%swap3A_194, %swap3A_195], %or3A_193 {strides = array<i32>} : memref<400x896xi32, #tpu.memory_space<vmem>>, vector<400x128xi32>,
    %slice3A_197 = vector.extract_strided_slice %add3A_122 {offsets = [0, 512], sizes = [400, 128], strides = [1, 1]} : vector<400x768xf32> to vector<400x128xf32>
    %slice3A_198 = vector.extract_strided_slice %add3A_122 {offsets = [0, 640], sizes = [400, 128], strides = [1, 1]} : vector<400x768xf32> to vector<400x128xf32>
    %bitcast_convert_type3A_199 = tpu.bitcast %slice3A_197 : vector<400x128xf32> -> vector<400x128xi32>
    %bitcast_convert_type3A_200 = tpu.bitcast %slice3A_198 : vector<400x128xf32> -> vector<400x128xi32>
    %add3A_201 = arith.constant 32767 : i32
    %add3A_202 = vector.broadcast %add3A_201 : i32 to vector<400x128xi32>
    %add3A_203 = arith.addi %bitcast_convert_type3A_199, %add3A_202 : vector<400x128xi32>
    %shift_right_arithmetic3A_204 = arith.constant 16 : i32
    %shift_right_arithmetic3A_205 = vector.broadcast %shift_right_arithmetic3A_204 : i32 to vector<400x128xi32>
    %shift_right_arithmetic3A_206 = arith.shrsi %bitcast_convert_type3A_199, %shift_right_arithmetic3A_205 : vector<400x128xi32>
    %and3A_207 = arith.constant 1 : i32
    %and3A_208 = vector.broadcast %and3A_207 : i32 to vector<400x128xi32>
    %and3A_209 = arith.andi %shift_right_arithmetic3A_206, %and3A_208 : vector<400x128xi32>
    %add3A_210 = arith.addi %add3A_203, %and3A_209 : vector<400x128xi32>
    %shift_right_arithmetic3A_211 = arith.constant 16 : i32
    %shift_right_arithmetic3A_212 = vector.broadcast %shift_right_arithmetic3A_211 : i32 to vector<400x128xi32>
    %shift_right_arithmetic3A_213 = arith.shrsi %add3A_210, %shift_right_arithmetic3A_212 : vector<400x128xi32>
    %add3A_214 = arith.constant 32767 : i32
    %add3A_215 = vector.broadcast %add3A_214 : i32 to vector<400x128xi32>
    %add3A_216 = arith.addi %bitcast_convert_type3A_200, %add3A_215 : vector<400x128xi32>
    %shift_right_arithmetic3A_217 = arith.constant 16 : i32
    %shift_right_arithmetic3A_218 = vector.broadcast %shift_right_arithmetic3A_217 : i32 to vector<400x128xi32>
    %shift_right_arithmetic3A_219 = arith.shrsi %bitcast_convert_type3A_200, %shift_right_arithmetic3A_218 : vector<400x128xi32>
    %and3A_220 = arith.constant 1 : i32
    %and3A_221 = vector.broadcast %and3A_220 : i32 to vector<400x128xi32>
    %and3A_222 = arith.andi %shift_right_arithmetic3A_219, %and3A_221 : vector<400x128xi32>
    %add3A_223 = arith.addi %add3A_216, %and3A_222 : vector<400x128xi32>
    %and3A_224 = arith.constant -65536 : i32
    %and3A_225 = vector.broadcast %and3A_224 : i32 to vector<400x128xi32>
    %and3A_226 = arith.andi %add3A_223, %and3A_225 : vector<400x128xi32>
    %and3A_227 = arith.constant 65535 : i32
    %and3A_228 = vector.broadcast %and3A_227 : i32 to vector<400x128xi32>
    %and3A_229 = arith.andi %shift_right_arithmetic3A_213, %and3A_228 : vector<400x128xi32>
    %or3A_230 = arith.ori %and3A_229, %and3A_226 : vector<400x128xi32>
    %swap3A_231 = arith.constant 0 : index
    %swap3A_232 = arith.constant 384 : index
    %swap3A_233 = vector.load %arg15[%swap3A_231, %swap3A_232] : memref<400x896xi32, #tpu.memory_space<vmem>>, vector<400x128xi32>
    tpu.vector_store %arg15[%swap3A_231, %swap3A_232], %or3A_230 {strides = array<i32>} : memref<400x896xi32, #tpu.memory_space<vmem>>, vector<400x128xi32>,
    %iota3A = tpu.iota {dimensions = array<i32: 0>} : vector<256x256xi32>
    %iota3A_234 = tpu.iota {dimensions = array<i32: 1>} : vector<256x256xi32>
    %mul3A_235 = arith.constant 2 : i32
    %mul3A_236 = vector.broadcast %mul3A_235 : i32 to vector<256x256xi32>
    %mul3A_237 = arith.muli %mul3A_236, %iota3A_234 : vector<256x256xi32>
    %ge3A = arith.constant 128 : i32
    %ge3A_238 = vector.broadcast %ge3A : i32 to vector<256x256xi32>
    %ge3A_239 = arith.cmpi sge, %iota3A_234, %ge3A_238 : vector<256x256xi32>
    %convert_element_type3A = arith.extui %ge3A_239 : vector<256x256xi1> to vector<256x256xi32>
    %mul3A_240 = arith.constant 255 : i32
    %mul3A_241 = vector.broadcast %mul3A_240 : i32 to vector<256x256xi32>
    %mul3A_242 = arith.muli %mul3A_241, %convert_element_type3A : vector<256x256xi32>
    %sub3A_243 = arith.subi %mul3A_237, %mul3A_242 : vector<256x256xi32>
    %eq3A = arith.cmpi eq, %iota3A, %sub3A_243 : vector<256x256xi32>
    %convert_element_type3A_244 = arith.extui %eq3A : vector<256x256xi1> to vector<256x256xi32>
    %convert_element_type3A_245 = arith.sitofp %convert_element_type3A_244 : vector<256x256xi32> to vector<256x256xf32>
    %get3A_246 = arith.constant 0 : index
    %get3A_247 = arith.constant 0 : index
    %get3A_248 = vector.load %arg2[%get3A_246, %get3A_247] : memref<400x768xf32, #tpu.memory_space<vmem>>, vector<400x768xf32>
    %broadcast_in_dim3A_249 = arith.constant 0.000000e+00 : f32
    %broadcast_in_dim3A_250 = vector.broadcast %broadcast_in_dim3A_249 : f32 to vector<400x256xf32>
    %slice3A_251 = vector.extract_strided_slice %get3A_248 {offsets = [0, 0], sizes = [400, 256], strides = [1, 1]} : vector<400x768xf32> to vector<400x256xf32>
    %get3A_252 = arith.constant 0 : index
    %get3A_253 = arith.constant 0 : index
    %get3A_254 = vector.load %arg11[%get3A_252, %get3A_253] : memref<256x256xf32, #tpu.memory_space<vmem>>, vector<256x256xf32>
    %dot_general3A_255 = arith.constant dense<0.000000e+00> : vector<400x256xf32>
    %dot_general3A_256 = tpu.matmul %slice3A_251, %get3A_254, %dot_general3A_255 {dimension_numbers = #tpu.dot_dimension_numbers<[1], [0], [0], [1], [0, 0, 1, 1], [], []>, transpose_lhs_hint = false} : vector<400x256xf32>, vector<256x256xf32>, vector<400x256xf32> -> vector<400x256xf32>
    %get3A_257 = arith.constant 0 : index
    %get3A_258 = arith.constant 0 : index
    %get3A_259 = vector.load %arg12[%get3A_257, %get3A_258] : memref<256x256xf32, #tpu.memory_space<vmem>>, vector<256x256xf32>
    %dot_general3A_260 = arith.constant dense<0.000000e+00> : vector<400x256xf32>
    %dot_general3A_261 = tpu.matmul %slice3A_251, %get3A_259, %dot_general3A_260 {dimension_numbers = #tpu.dot_dimension_numbers<[1], [0], [0], [1], [0, 0, 1, 1], [], []>, transpose_lhs_hint = false} : vector<400x256xf32>, vector<256x256xf32>, vector<400x256xf32> -> vector<400x256xf32>
    %get3A_262 = arith.constant 0 : index
    %get3A_263 = arith.constant 0 : index
    %get3A_264 = vector.load %arg13[%get3A_262, %get3A_263] : memref<256x256xf32, #tpu.memory_space<vmem>>, vector<256x256xf32>
    %dot_general3A_265 = arith.constant dense<0.000000e+00> : vector<400x256xf32>
    %dot_general3A_266 = tpu.matmul %slice3A_251, %get3A_264, %dot_general3A_265 {dimension_numbers = #tpu.dot_dimension_numbers<[1], [0], [0], [1], [0, 0, 1, 1], [], []>, transpose_lhs_hint = false} : vector<400x256xf32>, vector<256x256xf32>, vector<400x256xf32> -> vector<400x256xf32>
    %mul3A_267 = arith.mulf %dot_general3A_256, %dot_general3A_261 : vector<400x256xf32>
    %add3A_268 = arith.addf %broadcast_in_dim3A_250, %mul3A_267 : vector<400x256xf32>
    %swap3A_269 = arith.constant 0 : index
    %swap3A_270 = arith.constant 0 : index
    %swap3A_271 = vector.load %arg16[%swap3A_269, %swap3A_270] : memref<400x768xf32, #tpu.memory_space<vmem>>, vector<400x256xf32>
    tpu.vector_store %arg16[%swap3A_269, %swap3A_270], %dot_general3A_266 {strides = array<i32>} : memref<400x768xf32, #tpu.memory_space<vmem>>, vector<400x256xf32>,
    %dot_general3A_272 = arith.constant dense<0.000000e+00> : vector<400x256xf32>
    %dot_general3A_273 = tpu.matmul %slice3A_251, %convert_element_type3A_245, %dot_general3A_272 {dimension_numbers = #tpu.dot_dimension_numbers<[1], [0], [0], [1], [0, 0, 1, 1], [], []>, transpose_lhs_hint = false} : vector<400x256xf32>, vector<256x256xf32>, vector<400x256xf32> -> vector<400x256xf32>
    %slice3A_274 = vector.extract_strided_slice %dot_general3A_273 {offsets = [0, 0], sizes = [400, 128], strides = [1, 1]} : vector<400x256xf32> to vector<400x128xf32>
    %slice3A_275 = vector.extract_strided_slice %dot_general3A_273 {offsets = [0, 128], sizes = [400, 128], strides = [1, 1]} : vector<400x256xf32> to vector<400x128xf32>
    %bitcast_convert_type3A_276 = tpu.bitcast %slice3A_274 : vector<400x128xf32> -> vector<400x128xi32>
    %bitcast_convert_type3A_277 = tpu.bitcast %slice3A_275 : vector<400x128xf32> -> vector<400x128xi32>
    %add3A_278 = arith.constant 32767 : i32
    %add3A_279 = vector.broadcast %add3A_278 : i32 to vector<400x128xi32>
    %add3A_280 = arith.addi %bitcast_convert_type3A_276, %add3A_279 : vector<400x128xi32>
    %shift_right_arithmetic3A_281 = arith.constant 16 : i32
    %shift_right_arithmetic3A_282 = vector.broadcast %shift_right_arithmetic3A_281 : i32 to vector<400x128xi32>
    %shift_right_arithmetic3A_283 = arith.shrsi %bitcast_convert_type3A_276, %shift_right_arithmetic3A_282 : vector<400x128xi32>
    %and3A_284 = arith.constant 1 : i32
    %and3A_285 = vector.broadcast %and3A_284 : i32 to vector<400x128xi32>
    %and3A_286 = arith.andi %shift_right_arithmetic3A_283, %and3A_285 : vector<400x128xi32>
    %add3A_287 = arith.addi %add3A_280, %and3A_286 : vector<400x128xi32>
    %shift_right_arithmetic3A_288 = arith.constant 16 : i32
    %shift_right_arithmetic3A_289 = vector.broadcast %shift_right_arithmetic3A_288 : i32 to vector<400x128xi32>
    %shift_right_arithmetic3A_290 = arith.shrsi %add3A_287, %shift_right_arithmetic3A_289 : vector<400x128xi32>
    %add3A_291 = arith.constant 32767 : i32
    %add3A_292 = vector.broadcast %add3A_291 : i32 to vector<400x128xi32>
    %add3A_293 = arith.addi %bitcast_convert_type3A_277, %add3A_292 : vector<400x128xi32>
    %shift_right_arithmetic3A_294 = arith.constant 16 : i32
    %shift_right_arithmetic3A_295 = vector.broadcast %shift_right_arithmetic3A_294 : i32 to vector<400x128xi32>
    %shift_right_arithmetic3A_296 = arith.shrsi %bitcast_convert_type3A_277, %shift_right_arithmetic3A_295 : vector<400x128xi32>
    %and3A_297 = arith.constant 1 : i32
    %and3A_298 = vector.broadcast %and3A_297 : i32 to vector<400x128xi32>
    %and3A_299 = arith.andi %shift_right_arithmetic3A_296, %and3A_298 : vector<400x128xi32>
    %add3A_300 = arith.addi %add3A_293, %and3A_299 : vector<400x128xi32>
    %and3A_301 = arith.constant -65536 : i32
    %and3A_302 = vector.broadcast %and3A_301 : i32 to vector<400x128xi32>
    %and3A_303 = arith.andi %add3A_300, %and3A_302 : vector<400x128xi32>
    %and3A_304 = arith.constant 65535 : i32
    %and3A_305 = vector.broadcast %and3A_304 : i32 to vector<400x128xi32>
    %and3A_306 = arith.andi %shift_right_arithmetic3A_290, %and3A_305 : vector<400x128xi32>
    %or3A_307 = arith.ori %and3A_306, %and3A_303 : vector<400x128xi32>
    %swap3A_308 = arith.constant 0 : index
    %swap3A_309 = arith.constant 512 : index
    %swap3A_310 = vector.load %arg15[%swap3A_308, %swap3A_309] : memref<400x896xi32, #tpu.memory_space<vmem>>, vector<400x128xi32>
    tpu.vector_store %arg15[%swap3A_308, %swap3A_309], %or3A_307 {strides = array<i32>} : memref<400x896xi32, #tpu.memory_space<vmem>>, vector<400x128xi32>,
    %slice3A_311 = vector.extract_strided_slice %get3A_248 {offsets = [0, 256], sizes = [400, 256], strides = [1, 1]} : vector<400x768xf32> to vector<400x256xf32>
    %get3A_312 = arith.constant 0 : index
    %get3A_313 = arith.constant 0 : index
    %get3A_314 = vector.load %arg11[%get3A_312, %get3A_313] : memref<256x256xf32, #tpu.memory_space<vmem>>, vector<256x256xf32>
    %dot_general3A_315 = arith.constant dense<0.000000e+00> : vector<400x256xf32>
    %dot_general3A_316 = tpu.matmul %slice3A_311, %get3A_314, %dot_general3A_315 {dimension_numbers = #tpu.dot_dimension_numbers<[1], [0], [0], [1], [0, 0, 1, 1], [], []>, transpose_lhs_hint = false} : vector<400x256xf32>, vector<256x256xf32>, vector<400x256xf32> -> vector<400x256xf32>
    %get3A_317 = arith.constant 0 : index
    %get3A_318 = arith.constant 0 : index
    %get3A_319 = vector.load %arg12[%get3A_317, %get3A_318] : memref<256x256xf32, #tpu.memory_space<vmem>>, vector<256x256xf32>
    %dot_general3A_320 = arith.constant dense<0.000000e+00> : vector<400x256xf32>
    %dot_general3A_321 = tpu.matmul %slice3A_311, %get3A_319, %dot_general3A_320 {dimension_numbers = #tpu.dot_dimension_numbers<[1], [0], [0], [1], [0, 0, 1, 1], [], []>, transpose_lhs_hint = false} : vector<400x256xf32>, vector<256x256xf32>, vector<400x256xf32> -> vector<400x256xf32>
    %get3A_322 = arith.constant 0 : index
    %get3A_323 = arith.constant 0 : index
    %get3A_324 = vector.load %arg13[%get3A_322, %get3A_323] : memref<256x256xf32, #tpu.memory_space<vmem>>, vector<256x256xf32>
    %dot_general3A_325 = arith.constant dense<0.000000e+00> : vector<400x256xf32>
    %dot_general3A_326 = tpu.matmul %slice3A_311, %get3A_324, %dot_general3A_325 {dimension_numbers = #tpu.dot_dimension_numbers<[1], [0], [0], [1], [0, 0, 1, 1], [], []>, transpose_lhs_hint = false} : vector<400x256xf32>, vector<256x256xf32>, vector<400x256xf32> -> vector<400x256xf32>
    %mul3A_327 = arith.mulf %dot_general3A_316, %dot_general3A_321 : vector<400x256xf32>
    %add3A_328 = arith.addf %add3A_268, %mul3A_327 : vector<400x256xf32>
    %swap3A_329 = arith.constant 0 : index
    %swap3A_330 = arith.constant 256 : index
    %swap3A_331 = vector.load %arg16[%swap3A_329, %swap3A_330] : memref<400x768xf32, #tpu.memory_space<vmem>>, vector<400x256xf32>
    tpu.vector_store %arg16[%swap3A_329, %swap3A_330], %dot_general3A_326 {strides = array<i32>} : memref<400x768xf32, #tpu.memory_space<vmem>>, vector<400x256xf32>,
    %dot_general3A_332 = arith.constant dense<0.000000e+00> : vector<400x256xf32>
    %dot_general3A_333 = tpu.matmul %slice3A_311, %convert_element_type3A_245, %dot_general3A_332 {dimension_numbers = #tpu.dot_dimension_numbers<[1], [0], [0], [1], [0, 0, 1, 1], [], []>, transpose_lhs_hint = false} : vector<400x256xf32>, vector<256x256xf32>, vector<400x256xf32> -> vector<400x256xf32>
    %slice3A_334 = vector.extract_strided_slice %dot_general3A_333 {offsets = [0, 0], sizes = [400, 128], strides = [1, 1]} : vector<400x256xf32> to vector<400x128xf32>
    %slice3A_335 = vector.extract_strided_slice %dot_general3A_333 {offsets = [0, 128], sizes = [400, 128], strides = [1, 1]} : vector<400x256xf32> to vector<400x128xf32>
    %bitcast_convert_type3A_336 = tpu.bitcast %slice3A_334 : vector<400x128xf32> -> vector<400x128xi32>
    %bitcast_convert_type3A_337 = tpu.bitcast %slice3A_335 : vector<400x128xf32> -> vector<400x128xi32>
    %add3A_338 = arith.constant 32767 : i32
    %add3A_339 = vector.broadcast %add3A_338 : i32 to vector<400x128xi32>
    %add3A_340 = arith.addi %bitcast_convert_type3A_336, %add3A_339 : vector<400x128xi32>
    %shift_right_arithmetic3A_341 = arith.constant 16 : i32
    %shift_right_arithmetic3A_342 = vector.broadcast %shift_right_arithmetic3A_341 : i32 to vector<400x128xi32>
    %shift_right_arithmetic3A_343 = arith.shrsi %bitcast_convert_type3A_336, %shift_right_arithmetic3A_342 : vector<400x128xi32>
    %and3A_344 = arith.constant 1 : i32
    %and3A_345 = vector.broadcast %and3A_344 : i32 to vector<400x128xi32>
    %and3A_346 = arith.andi %shift_right_arithmetic3A_343, %and3A_345 : vector<400x128xi32>
    %add3A_347 = arith.addi %add3A_340, %and3A_346 : vector<400x128xi32>
    %shift_right_arithmetic3A_348 = arith.constant 16 : i32
    %shift_right_arithmetic3A_349 = vector.broadcast %shift_right_arithmetic3A_348 : i32 to vector<400x128xi32>
    %shift_right_arithmetic3A_350 = arith.shrsi %add3A_347, %shift_right_arithmetic3A_349 : vector<400x128xi32>
    %add3A_351 = arith.constant 32767 : i32
    %add3A_352 = vector.broadcast %add3A_351 : i32 to vector<400x128xi32>
    %add3A_353 = arith.addi %bitcast_convert_type3A_337, %add3A_352 : vector<400x128xi32>
    %shift_right_arithmetic3A_354 = arith.constant 16 : i32
    %shift_right_arithmetic3A_355 = vector.broadcast %shift_right_arithmetic3A_354 : i32 to vector<400x128xi32>
    %shift_right_arithmetic3A_356 = arith.shrsi %bitcast_convert_type3A_337, %shift_right_arithmetic3A_355 : vector<400x128xi32>
    %and3A_357 = arith.constant 1 : i32
    %and3A_358 = vector.broadcast %and3A_357 : i32 to vector<400x128xi32>
    %and3A_359 = arith.andi %shift_right_arithmetic3A_356, %and3A_358 : vector<400x128xi32>
    %add3A_360 = arith.addi %add3A_353, %and3A_359 : vector<400x128xi32>
    %and3A_361 = arith.constant -65536 : i32
    %and3A_362 = vector.broadcast %and3A_361 : i32 to vector<400x128xi32>
    %and3A_363 = arith.andi %add3A_360, %and3A_362 : vector<400x128xi32>
    %and3A_364 = arith.constant 65535 : i32
    %and3A_365 = vector.broadcast %and3A_364 : i32 to vector<400x128xi32>
    %and3A_366 = arith.andi %shift_right_arithmetic3A_350, %and3A_365 : vector<400x128xi32>
    %or3A_367 = arith.ori %and3A_366, %and3A_363 : vector<400x128xi32>
    %swap3A_368 = arith.constant 0 : index
    %swap3A_369 = arith.constant 640 : index
    %swap3A_370 = vector.load %arg15[%swap3A_368, %swap3A_369] : memref<400x896xi32, #tpu.memory_space<vmem>>, vector<400x128xi32>
    tpu.vector_store %arg15[%swap3A_368, %swap3A_369], %or3A_367 {strides = array<i32>} : memref<400x896xi32, #tpu.memory_space<vmem>>, vector<400x128xi32>,
    %slice3A_371 = vector.extract_strided_slice %get3A_248 {offsets = [0, 512], sizes = [400, 256], strides = [1, 1]} : vector<400x768xf32> to vector<400x256xf32>
    %get3A_372 = arith.constant 0 : index
    %get3A_373 = arith.constant 0 : index
    %get3A_374 = vector.load %arg11[%get3A_372, %get3A_373] : memref<256x256xf32, #tpu.memory_space<vmem>>, vector<256x256xf32>
    %dot_general3A_375 = arith.constant dense<0.000000e+00> : vector<400x256xf32>
    %dot_general3A_376 = tpu.matmul %slice3A_371, %get3A_374, %dot_general3A_375 {dimension_numbers = #tpu.dot_dimension_numbers<[1], [0], [0], [1], [0, 0, 1, 1], [], []>, transpose_lhs_hint = false} : vector<400x256xf32>, vector<256x256xf32>, vector<400x256xf32> -> vector<400x256xf32>
    %get3A_377 = arith.constant 0 : index
    %get3A_378 = arith.constant 0 : index
    %get3A_379 = vector.load %arg12[%get3A_377, %get3A_378] : memref<256x256xf32, #tpu.memory_space<vmem>>, vector<256x256xf32>
    %dot_general3A_380 = arith.constant dense<0.000000e+00> : vector<400x256xf32>
    %dot_general3A_381 = tpu.matmul %slice3A_371, %get3A_379, %dot_general3A_380 {dimension_numbers = #tpu.dot_dimension_numbers<[1], [0], [0], [1], [0, 0, 1, 1], [], []>, transpose_lhs_hint = false} : vector<400x256xf32>, vector<256x256xf32>, vector<400x256xf32> -> vector<400x256xf32>
    %get3A_382 = arith.constant 0 : index
    %get3A_383 = arith.constant 0 : index
    %get3A_384 = vector.load %arg13[%get3A_382, %get3A_383] : memref<256x256xf32, #tpu.memory_space<vmem>>, vector<256x256xf32>
    %dot_general3A_385 = arith.constant dense<0.000000e+00> : vector<400x256xf32>
    %dot_general3A_386 = tpu.matmul %slice3A_371, %get3A_384, %dot_general3A_385 {dimension_numbers = #tpu.dot_dimension_numbers<[1], [0], [0], [1], [0, 0, 1, 1], [], []>, transpose_lhs_hint = false} : vector<400x256xf32>, vector<256x256xf32>, vector<400x256xf32> -> vector<400x256xf32>
    %mul3A_387 = arith.mulf %dot_general3A_376, %dot_general3A_381 : vector<400x256xf32>
    %add3A_388 = arith.addf %add3A_328, %mul3A_387 : vector<400x256xf32>
    %swap3A_389 = arith.constant 0 : index
    %swap3A_390 = arith.constant 512 : index
    %swap3A_391 = vector.load %arg16[%swap3A_389, %swap3A_390] : memref<400x768xf32, #tpu.memory_space<vmem>>, vector<400x256xf32>
    tpu.vector_store %arg16[%swap3A_389, %swap3A_390], %dot_general3A_386 {strides = array<i32>} : memref<400x768xf32, #tpu.memory_space<vmem>>, vector<400x256xf32>,
    %dot_general3A_392 = arith.constant dense<0.000000e+00> : vector<400x256xf32>
    %dot_general3A_393 = tpu.matmul %slice3A_371, %convert_element_type3A_245, %dot_general3A_392 {dimension_numbers = #tpu.dot_dimension_numbers<[1], [0], [0], [1], [0, 0, 1, 1], [], []>, transpose_lhs_hint = false} : vector<400x256xf32>, vector<256x256xf32>, vector<400x256xf32> -> vector<400x256xf32>
    %slice3A_394 = vector.extract_strided_slice %dot_general3A_393 {offsets = [0, 0], sizes = [400, 128], strides = [1, 1]} : vector<400x256xf32> to vector<400x128xf32>
    %slice3A_395 = vector.extract_strided_slice %dot_general3A_393 {offsets = [0, 128], sizes = [400, 128], strides = [1, 1]} : vector<400x256xf32> to vector<400x128xf32>
    %bitcast_convert_type3A_396 = tpu.bitcast %slice3A_394 : vector<400x128xf32> -> vector<400x128xi32>
    %bitcast_convert_type3A_397 = tpu.bitcast %slice3A_395 : vector<400x128xf32> -> vector<400x128xi32>
    %add3A_398 = arith.constant 32767 : i32
    %add3A_399 = vector.broadcast %add3A_398 : i32 to vector<400x128xi32>
    %add3A_400 = arith.addi %bitcast_convert_type3A_396, %add3A_399 : vector<400x128xi32>
    %shift_right_arithmetic3A_401 = arith.constant 16 : i32
    %shift_right_arithmetic3A_402 = vector.broadcast %shift_right_arithmetic3A_401 : i32 to vector<400x128xi32>
    %shift_right_arithmetic3A_403 = arith.shrsi %bitcast_convert_type3A_396, %shift_right_arithmetic3A_402 : vector<400x128xi32>
    %and3A_404 = arith.constant 1 : i32
    %and3A_405 = vector.broadcast %and3A_404 : i32 to vector<400x128xi32>
    %and3A_406 = arith.andi %shift_right_arithmetic3A_403, %and3A_405 : vector<400x128xi32>
    %add3A_407 = arith.addi %add3A_400, %and3A_406 : vector<400x128xi32>
    %shift_right_arithmetic3A_408 = arith.constant 16 : i32
    %shift_right_arithmetic3A_409 = vector.broadcast %shift_right_arithmetic3A_408 : i32 to vector<400x128xi32>
    %shift_right_arithmetic3A_410 = arith.shrsi %add3A_407, %shift_right_arithmetic3A_409 : vector<400x128xi32>
    %add3A_411 = arith.constant 32767 : i32
    %add3A_412 = vector.broadcast %add3A_411 : i32 to vector<400x128xi32>
    %add3A_413 = arith.addi %bitcast_convert_type3A_397, %add3A_412 : vector<400x128xi32>
    %shift_right_arithmetic3A_414 = arith.constant 16 : i32
    %shift_right_arithmetic3A_415 = vector.broadcast %shift_right_arithmetic3A_414 : i32 to vector<400x128xi32>
    %shift_right_arithmetic3A_416 = arith.shrsi %bitcast_convert_type3A_397, %shift_right_arithmetic3A_415 : vector<400x128xi32>
    %and3A_417 = arith.constant 1 : i32
    %and3A_418 = vector.broadcast %and3A_417 : i32 to vector<400x128xi32>
    %and3A_419 = arith.andi %shift_right_arithmetic3A_416, %and3A_418 : vector<400x128xi32>
    %add3A_420 = arith.addi %add3A_413, %and3A_419 : vector<400x128xi32>
    %and3A_421 = arith.constant -65536 : i32
    %and3A_422 = vector.broadcast %and3A_421 : i32 to vector<400x128xi32>
    %and3A_423 = arith.andi %add3A_420, %and3A_422 : vector<400x128xi32>
    %and3A_424 = arith.constant 65535 : i32
    %and3A_425 = vector.broadcast %and3A_424 : i32 to vector<400x128xi32>
    %and3A_426 = arith.andi %shift_right_arithmetic3A_410, %and3A_425 : vector<400x128xi32>
    %or3A_427 = arith.ori %and3A_426, %and3A_423 : vector<400x128xi32>
    %swap3A_428 = arith.constant 0 : index
    %swap3A_429 = arith.constant 768 : index
    %swap3A_430 = vector.load %arg15[%swap3A_428, %swap3A_429] : memref<400x896xi32, #tpu.memory_space<vmem>>, vector<400x128xi32>
    tpu.vector_store %arg15[%swap3A_428, %swap3A_429], %or3A_427 {strides = array<i32>} : memref<400x896xi32, #tpu.memory_space<vmem>>, vector<400x128xi32>,
    %swap3A_431 = arith.constant 0 : index
    %swap3A_432 = arith.constant 0 : index
    %swap3A_433 = vector.load %arg17[%swap3A_431, %swap3A_432] : memref<400x256xf32, #tpu.memory_space<vmem>>, vector<400x256xf32>
    tpu.vector_store %arg17[%swap3A_431, %swap3A_432], %add3A_388 {strides = array<i32>} : memref<400x256xf32, #tpu.memory_space<vmem>>, vector<400x256xf32>,
    return
  }
  func.func @transform_0(%arg0: i32) -> (i32, i32) {
    %c0_i32 = arith.constant 0 : i32
    %c0_i32_0 = arith.constant 0 : i32
    return %arg0, %c0_i32 : i32, i32
  }
  func.func @transform_1(%arg0: i32) -> (i32, i32) {
    %c0_i32 = arith.constant 0 : i32
    %c0_i32_0 = arith.constant 0 : i32
    return %arg0, %c0_i32 : i32, i32
  }
  func.func @transform_2(%arg0: i32) -> (i32, i32) {
    %c0_i32 = arith.constant 0 : i32
    %c0_i32_0 = arith.constant 0 : i32
    %c0_i32_1 = arith.constant 0 : i32
    return %c0_i32, %c0_i32_0 : i32, i32
  }
  func.func @transform_3(%arg0: i32) -> (i32, i32) {
    %c0_i32 = arith.constant 0 : i32
    %c0_i32_0 = arith.constant 0 : i32
    %c0_i32_1 = arith.constant 0 : i32
    return %c0_i32, %c0_i32_0 : i32, i32
  }
  func.func @transform_4(%arg0: i32) -> (i32, i32) {
    %c0_i32 = arith.constant 0 : i32
    %c0_i32_0 = arith.constant 0 : i32
    %c0_i32_1 = arith.constant 0 : i32
    return %c0_i32, %c0_i32_0 : i32, i32
  }
  func.func @transform_5(%arg0: i32) -> (i32, i32) {
    %c0_i32 = arith.constant 0 : i32
    %c0_i32_0 = arith.constant 0 : i32
    %c0_i32_1 = arith.constant 0 : i32
    return %c0_i32, %c0_i32_0 : i32, i32
  }
  func.func @transform_6(%arg0: i32) -> (i32, i32) {
    %c0_i32 = arith.constant 0 : i32
    %c0_i32_0 = arith.constant 0 : i32
    %c0_i32_1 = arith.constant 0 : i32
    return %c0_i32, %c0_i32_0 : i32, i32
  }
  func.func @transform_7(%arg0: i32) -> (i32, i32) {
    %c0_i32 = arith.constant 0 : i32
    %c0_i32_0 = arith.constant 0 : i32
    %c0_i32_1 = arith.constant 0 : i32
    return %c0_i32, %c0_i32_0 : i32, i32
  }
  func.func @transform_8(%arg0: i32) -> (i32, i32) {
    %c0_i32 = arith.constant 0 : i32
    %c0_i32_0 = arith.constant 0 : i32
    %c0_i32_1 = arith.constant 0 : i32
    return %c0_i32, %c0_i32_0 : i32, i32
  }
  func.func @transform_9(%arg0: i32) -> (i32, i32) {
    %c0_i32 = arith.constant 0 : i32
    %c0_i32_0 = arith.constant 0 : i32
    %c0_i32_1 = arith.constant 0 : i32
    return %c0_i32, %c0_i32_0 : i32, i32
  }
  func.func @transform_10(%arg0: i32) -> (i32, i32) {
    %c0_i32 = arith.constant 0 : i32
    %c0_i32_0 = arith.constant 0 : i32
    %c0_i32_1 = arith.constant 0 : i32
    return %c0_i32, %c0_i32_0 : i32, i32
  }
  func.func @transform_11(%arg0: i32) -> (i32, i32) {
    %c0_i32 = arith.constant 0 : i32
    %c0_i32_0 = arith.constant 0 : i32
    %c0_i32_1 = arith.constant 0 : i32
    return %c0_i32, %c0_i32_0 : i32, i32
  }
  func.func @transform_12(%arg0: i32) -> (i32, i32) {
    %c0_i32 = arith.constant 0 : i32
    %c0_i32_0 = arith.constant 0 : i32
    %c0_i32_1 = arith.constant 0 : i32
    return %c0_i32, %c0_i32_0 : i32, i32
  }
  func.func @transform_13(%arg0: i32) -> (i32, i32) {
    %c0_i32 = arith.constant 0 : i32
    %c0_i32_0 = arith.constant 0 : i32
    return %arg0, %c0_i32 : i32, i32
  }
  func.func @transform_14(%arg0: i32) -> (i32, i32) {
    %c0_i32 = arith.constant 0 : i32
    %c0_i32_0 = arith.constant 0 : i32
    return %arg0, %c0_i32 : i32, i32
  }
  func.func @transform_15(%arg0: i32) -> (i32, i32) {
    %c0_i32 = arith.constant 0 : i32
    %c0_i32_0 = arith.constant 0 : i32
    return %arg0, %c0_i32 : i32, i32
  }
  func.func @transform_16(%arg0: i32) -> (i32, i32) {
    %c0_i32 = arith.constant 0 : i32
    %c0_i32_0 = arith.constant 0 : i32
    return %arg0, %c0_i32 : i32, i32
  }
}

module attributes {stable_mosaic.version = 14 : i64} {
  func.func @_edge_body(%arg0: i32, %arg1: memref<640x64xf32, #tpu.memory_space<vmem>>, %arg2: memref<640x1xf32, #tpu.memory_space<vmem>>, %arg3: memref<640x3xf32, #tpu.memory_space<vmem>>, %arg4: memref<640x128xi32, #tpu.memory_space<vmem>>, %arg5: memref<640x896xi32, #tpu.memory_space<vmem>>, %arg6: memref<64x256xbf16, #tpu.memory_space<vmem>>, %arg7: memref<1x256xf32, #tpu.memory_space<vmem>>, %arg8: memref<64x768xbf16, #tpu.memory_space<vmem>>, %arg9: memref<1x768xf32, #tpu.memory_space<vmem>>, %arg10: memref<8x640x128xf32, #tpu.memory_space<vmem>>) attributes {dimension_semantics = [#tpu.dimension_semantics<arbitrary>], iteration_bounds = array<i64: 125>, scalar_prefetch = 0 : i64, scratch_operands = 0 : i64, tpu.core_type = #tpu.core_type<tc>, window_params = [{transform_indices = @transform_0, window_bounds = array<i64: 640, 64>}, {transform_indices = @transform_1, window_bounds = array<i64: 640, 1>}, {transform_indices = @transform_2, window_bounds = array<i64: 640, 3>}, {transform_indices = @transform_3, window_bounds = array<i64: 640, 128>}, {transform_indices = @transform_4, window_bounds = array<i64: 640, 896>}, {pipeline_mode = #tpu.pipeline_mode<synchronous>, transform_indices = @transform_5, window_bounds = array<i64: 64, 256>}, {pipeline_mode = #tpu.pipeline_mode<synchronous>, transform_indices = @transform_6, window_bounds = array<i64: 1, 256>}, {pipeline_mode = #tpu.pipeline_mode<synchronous>, transform_indices = @transform_7, window_bounds = array<i64: 64, 768>}, {pipeline_mode = #tpu.pipeline_mode<synchronous>, transform_indices = @transform_8, window_bounds = array<i64: 1, 768>}, {transform_indices = @transform_9, window_bounds = array<i64: 8, 640, 128>}]} {
    %get3A = arith.constant 0 : index
    %get3A_0 = arith.constant 0 : index
    %get3A_1 = vector.load %arg1[%get3A, %get3A_0] : memref<640x64xf32, #tpu.memory_space<vmem>>, vector<640x64xf32>
    %convert_element_type3A = arith.truncf %get3A_1 : vector<640x64xf32> to vector<640x64xbf16>
    %get3A_2 = arith.constant 0 : index
    %get3A_3 = arith.constant 0 : index
    %get3A_4 = vector.load %arg6[%get3A_2, %get3A_3] : memref<64x256xbf16, #tpu.memory_space<vmem>>, vector<64x256xbf16>
    %dot_general3A = arith.constant dense<0.000000e+00> : vector<640x256xf32>
    %dot_general3A_5 = tpu.matmul %convert_element_type3A, %get3A_4, %dot_general3A {dimension_numbers = #tpu.dot_dimension_numbers<[1], [0], [0], [1], [0, 0, 1, 1], [], []>, transpose_lhs_hint = false} : vector<640x64xbf16>, vector<64x256xbf16>, vector<640x256xf32> -> vector<640x256xf32>
    %get3A_6 = arith.constant 0 : index
    %get3A_7 = arith.constant 0 : index
    %get3A_8 = vector.load %arg7[%get3A_6, %get3A_7] : memref<1x256xf32, #tpu.memory_space<vmem>>, vector<1x256xf32>
    %add3A = vector.broadcast %get3A_8 : vector<1x256xf32> to vector<640x256xf32>
    %add3A_9 = arith.addf %dot_general3A_5, %add3A : vector<640x256xf32>
    %logistic3A = arith.negf %add3A_9 : vector<640x256xf32>
    %logistic3A_10 = math.exp %logistic3A : vector<640x256xf32>
    %logistic3A_11 = arith.constant 1.000000e+00 : f32
    %logistic3A_12 = vector.broadcast %logistic3A_11 : f32 to vector<640x256xf32>
    %logistic3A_13 = arith.addf %logistic3A_12, %logistic3A_10 : vector<640x256xf32>
    %logistic3A_14 = arith.divf %logistic3A_12, %logistic3A_13 : vector<640x256xf32>
    %mul3A = arith.mulf %add3A_9, %logistic3A_14 : vector<640x256xf32>
    %get3A_15 = arith.constant 0 : index
    %get3A_16 = arith.constant 0 : index
    %get3A_17 = vector.load %arg8[%get3A_15, %get3A_16] : memref<64x768xbf16, #tpu.memory_space<vmem>>, vector<64x768xbf16>
    %dot_general3A_18 = arith.constant dense<0.000000e+00> : vector<640x768xf32>
    %dot_general3A_19 = tpu.matmul %convert_element_type3A, %get3A_17, %dot_general3A_18 {dimension_numbers = #tpu.dot_dimension_numbers<[1], [0], [0], [1], [0, 0, 1, 1], [], []>, transpose_lhs_hint = false} : vector<640x64xbf16>, vector<64x768xbf16>, vector<640x768xf32> -> vector<640x768xf32>
    %get3A_20 = arith.constant 0 : index
    %get3A_21 = arith.constant 0 : index
    %get3A_22 = vector.load %arg9[%get3A_20, %get3A_21] : memref<1x768xf32, #tpu.memory_space<vmem>>, vector<1x768xf32>
    %add3A_23 = vector.broadcast %get3A_22 : vector<1x768xf32> to vector<640x768xf32>
    %add3A_24 = arith.addf %dot_general3A_19, %add3A_23 : vector<640x768xf32>
    %logistic3A_25 = arith.negf %add3A_24 : vector<640x768xf32>
    %logistic3A_26 = math.exp %logistic3A_25 : vector<640x768xf32>
    %logistic3A_27 = arith.constant 1.000000e+00 : f32
    %logistic3A_28 = vector.broadcast %logistic3A_27 : f32 to vector<640x768xf32>
    %logistic3A_29 = arith.addf %logistic3A_28, %logistic3A_26 : vector<640x768xf32>
    %logistic3A_30 = arith.divf %logistic3A_28, %logistic3A_29 : vector<640x768xf32>
    %mul3A_31 = arith.mulf %add3A_24, %logistic3A_30 : vector<640x768xf32>
    %get3A_32 = arith.constant 0 : index
    %get3A_33 = arith.constant 0 : index
    %get3A_34 = vector.load %arg5[%get3A_32, %get3A_33] : memref<640x896xi32, #tpu.memory_space<vmem>>, vector<640x896xi32>
    %shift_left3A = arith.constant 16 : i32
    %shift_left3A_35 = vector.broadcast %shift_left3A : i32 to vector<640x896xi32>
    %shift_left3A_36 = arith.shli %get3A_34, %shift_left3A_35 : vector<640x896xi32>
    %bitcast_convert_type3A = tpu.bitcast %shift_left3A_36 : vector<640x896xi32> -> vector<640x896xf32>
    %and3A = arith.constant -65536 : i32
    %and3A_37 = vector.broadcast %and3A : i32 to vector<640x896xi32>
    %and3A_38 = arith.andi %get3A_34, %and3A_37 : vector<640x896xi32>
    %bitcast_convert_type3A_39 = tpu.bitcast %and3A_38 : vector<640x896xi32> -> vector<640x896xf32>
    %get3A_40 = arith.constant 0 : index
    %get3A_41 = arith.constant 0 : index
    %get3A_42 = vector.load %arg4[%get3A_40, %get3A_41] : memref<640x128xi32, #tpu.memory_space<vmem>>, vector<640x128xi32>
    %shift_left3A_43 = arith.constant 16 : i32
    %shift_left3A_44 = vector.broadcast %shift_left3A_43 : i32 to vector<640x128xi32>
    %shift_left3A_45 = arith.shli %get3A_42, %shift_left3A_44 : vector<640x128xi32>
    %bitcast_convert_type3A_46 = tpu.bitcast %shift_left3A_45 : vector<640x128xi32> -> vector<640x128xf32>
    %and3A_47 = arith.constant -65536 : i32
    %and3A_48 = vector.broadcast %and3A_47 : i32 to vector<640x128xi32>
    %and3A_49 = arith.andi %get3A_42, %and3A_48 : vector<640x128xi32>
    %bitcast_convert_type3A_50 = tpu.bitcast %and3A_49 : vector<640x128xi32> -> vector<640x128xf32>
    %slice3A = vector.extract_strided_slice %bitcast_convert_type3A {offsets = [0, 0], sizes = [640, 128], strides = [1, 1]} : vector<640x896xf32> to vector<640x128xf32>
    %mul3A_51 = arith.mulf %bitcast_convert_type3A_46, %slice3A : vector<640x128xf32>
    %slice3A_52 = vector.extract_strided_slice %mul3A {offsets = [0, 0], sizes = [640, 128], strides = [1, 1]} : vector<640x256xf32> to vector<640x128xf32>
    %mul3A_53 = arith.mulf %mul3A_51, %slice3A_52 : vector<640x128xf32>
    %slice3A_54 = vector.extract_strided_slice %bitcast_convert_type3A_39 {offsets = [0, 0], sizes = [640, 128], strides = [1, 1]} : vector<640x896xf32> to vector<640x128xf32>
    %mul3A_55 = arith.mulf %bitcast_convert_type3A_50, %slice3A_54 : vector<640x128xf32>
    %slice3A_56 = vector.extract_strided_slice %mul3A {offsets = [0, 128], sizes = [640, 128], strides = [1, 1]} : vector<640x256xf32> to vector<640x128xf32>
    %mul3A_57 = arith.mulf %mul3A_55, %slice3A_56 : vector<640x128xf32>
    %add3A_58 = arith.addf %mul3A_53, %mul3A_57 : vector<640x128xf32>
    %iota3A = tpu.iota {dimensions = array<i32: 0>} : vector<128x128xi32>
    %jit3A = arith.constant 16 : i32
    %div3A = vector.broadcast %jit3A : i32 to vector<128x128xi32>
    %div3A_59 = arith.divsi %iota3A, %div3A : vector<128x128xi32>
    %sign3A = arith.constant 0 : i32
    %sign3A_60 = vector.broadcast %sign3A : i32 to vector<128x128xi32>
    %sign3A_61 = arith.cmpi sgt, %iota3A, %sign3A_60 : vector<128x128xi32>
    %sign3A_62 = arith.extui %sign3A_61 : vector<128x128xi1> to vector<128x128xi32>
    %sign3A_63 = arith.constant 0 : i32
    %sign3A_64 = vector.broadcast %sign3A_63 : i32 to vector<128x128xi32>
    %sign3A_65 = arith.cmpi slt, %iota3A, %sign3A_64 : vector<128x128xi32>
    %sign3A_66 = arith.extui %sign3A_65 : vector<128x128xi1> to vector<128x128xi32>
    %sign3A_67 = arith.subi %sign3A_62, %sign3A_66 : vector<128x128xi32>
    %sign3A_68 = arith.constant 0 : i32
    %sign3A_69 = arith.cmpi sgt, %jit3A, %sign3A_68 : i32
    %sign3A_70 = arith.extui %sign3A_69 : i1 to i32
    %sign3A_71 = arith.constant 0 : i32
    %sign3A_72 = arith.cmpi slt, %jit3A, %sign3A_71 : i32
    %sign3A_73 = arith.extui %sign3A_72 : i1 to i32
    %sign3A_74 = arith.subi %sign3A_70, %sign3A_73 : i32
    %ne3A = vector.broadcast %sign3A_74 : i32 to vector<128x128xi32>
    %ne3A_75 = arith.cmpi ne, %sign3A_67, %ne3A : vector<128x128xi32>
    %rem3A = vector.broadcast %jit3A : i32 to vector<128x128xi32>
    %rem3A_76 = arith.remsi %iota3A, %rem3A : vector<128x128xi32>
    %ne3A_77 = arith.constant 0 : i32
    %ne3A_78 = vector.broadcast %ne3A_77 : i32 to vector<128x128xi32>
    %ne3A_79 = arith.cmpi ne, %rem3A_76, %ne3A_78 : vector<128x128xi32>
    %and3A_80 = arith.andi %ne3A_75, %ne3A_79 : vector<128x128xi1>
    %sub3A = arith.constant 1 : i32
    %sub3A_81 = vector.broadcast %sub3A : i32 to vector<128x128xi32>
    %sub3A_82 = arith.subi %div3A_59, %sub3A_81 : vector<128x128xi32>
    %select_n3A = arith.select %and3A_80, %sub3A_82, %div3A_59 : vector<128x128xi1>, vector<128x128xi32>
    %iota3A_83 = tpu.iota {dimensions = array<i32: 1>} : vector<128x128xi32>
    %jit3A_84 = arith.constant 16 : i32
    %div3A_85 = vector.broadcast %jit3A_84 : i32 to vector<128x128xi32>
    %div3A_86 = arith.divsi %iota3A_83, %div3A_85 : vector<128x128xi32>
    %sign3A_87 = arith.constant 0 : i32
    %sign3A_88 = vector.broadcast %sign3A_87 : i32 to vector<128x128xi32>
    %sign3A_89 = arith.cmpi sgt, %iota3A_83, %sign3A_88 : vector<128x128xi32>
    %sign3A_90 = arith.extui %sign3A_89 : vector<128x128xi1> to vector<128x128xi32>
    %sign3A_91 = arith.constant 0 : i32
    %sign3A_92 = vector.broadcast %sign3A_91 : i32 to vector<128x128xi32>
    %sign3A_93 = arith.cmpi slt, %iota3A_83, %sign3A_92 : vector<128x128xi32>
    %sign3A_94 = arith.extui %sign3A_93 : vector<128x128xi1> to vector<128x128xi32>
    %sign3A_95 = arith.subi %sign3A_90, %sign3A_94 : vector<128x128xi32>
    %sign3A_96 = arith.constant 0 : i32
    %sign3A_97 = arith.cmpi sgt, %jit3A_84, %sign3A_96 : i32
    %sign3A_98 = arith.extui %sign3A_97 : i1 to i32
    %sign3A_99 = arith.constant 0 : i32
    %sign3A_100 = arith.cmpi slt, %jit3A_84, %sign3A_99 : i32
    %sign3A_101 = arith.extui %sign3A_100 : i1 to i32
    %sign3A_102 = arith.subi %sign3A_98, %sign3A_101 : i32
    %ne3A_103 = vector.broadcast %sign3A_102 : i32 to vector<128x128xi32>
    %ne3A_104 = arith.cmpi ne, %sign3A_95, %ne3A_103 : vector<128x128xi32>
    %rem3A_105 = vector.broadcast %jit3A_84 : i32 to vector<128x128xi32>
    %rem3A_106 = arith.remsi %iota3A_83, %rem3A_105 : vector<128x128xi32>
    %ne3A_107 = arith.constant 0 : i32
    %ne3A_108 = vector.broadcast %ne3A_107 : i32 to vector<128x128xi32>
    %ne3A_109 = arith.cmpi ne, %rem3A_106, %ne3A_108 : vector<128x128xi32>
    %and3A_110 = arith.andi %ne3A_104, %ne3A_109 : vector<128x128xi1>
    %sub3A_111 = arith.constant 1 : i32
    %sub3A_112 = vector.broadcast %sub3A_111 : i32 to vector<128x128xi32>
    %sub3A_113 = arith.subi %div3A_86, %sub3A_112 : vector<128x128xi32>
    %select_n3A_114 = arith.select %and3A_110, %sub3A_113, %div3A_86 : vector<128x128xi1>, vector<128x128xi32>
    %eq3A = arith.cmpi eq, %select_n3A, %select_n3A_114 : vector<128x128xi32>
    %convert_element_type3A_115 = arith.extui %eq3A : vector<128x128xi1> to vector<128x128xi32>
    %convert_element_type3A_116 = arith.sitofp %convert_element_type3A_115 : vector<128x128xi32> to vector<128x128xf32>
    %convert_element_type3A_117 = arith.truncf %convert_element_type3A_116 : vector<128x128xf32> to vector<128x128xbf16>
    %convert_element_type3A_118 = arith.truncf %add3A_58 : vector<640x128xf32> to vector<640x128xbf16>
    %dot_general3A_119 = arith.constant dense<0.000000e+00> : vector<640x128xf32>
    %dot_general3A_120 = tpu.matmul %convert_element_type3A_118, %convert_element_type3A_117, %dot_general3A_119 {dimension_numbers = #tpu.dot_dimension_numbers<[1], [0], [0], [1], [0, 0, 1, 1], [], []>, transpose_lhs_hint = false} : vector<640x128xbf16>, vector<128x128xbf16>, vector<640x128xf32> -> vector<640x128xf32>
    %get3A_121 = arith.constant 0 : index
    %get3A_122 = arith.constant 0 : index
    %get3A_123 = vector.load %arg2[%get3A_121, %get3A_122] : memref<640x1xf32, #tpu.memory_space<vmem>>, vector<640x1xf32>
    %mul3A_124 = arith.constant 0.628318548 : f32
    %mul3A_125 = vector.broadcast %mul3A_124 : f32 to vector<640x1xf32>
    %mul3A_126 = arith.mulf %get3A_123, %mul3A_125 : vector<640x1xf32>
    %cos3A = math.cos %mul3A_126 : vector<640x1xf32>
    %add3A_127 = arith.constant 1.000000e+00 : f32
    %add3A_128 = vector.broadcast %add3A_127 : f32 to vector<640x1xf32>
    %add3A_129 = arith.addf %cos3A, %add3A_128 : vector<640x1xf32>
    %mul3A_130 = arith.constant 5.000000e-01 : f32
    %mul3A_131 = vector.broadcast %mul3A_130 : f32 to vector<640x1xf32>
    %mul3A_132 = arith.mulf %mul3A_131, %add3A_129 : vector<640x1xf32>
    %lt3A = arith.constant 5.000000e+00 : f32
    %lt3A_133 = vector.broadcast %lt3A : f32 to vector<640x1xf32>
    %lt3A_134 = arith.cmpf olt, %get3A_123, %lt3A_133 : vector<640x1xf32>
    %convert_element_type3A_135 = arith.extui %lt3A_134 : vector<640x1xi1> to vector<640x1xi32>
    %convert_element_type3A_136 = arith.sitofp %convert_element_type3A_135 : vector<640x1xi32> to vector<640x1xf32>
    %mul3A_137 = arith.mulf %mul3A_132, %convert_element_type3A_136 : vector<640x1xf32>
    %logistic3A_138 = arith.negf %dot_general3A_120 : vector<640x128xf32>
    %logistic3A_139 = math.exp %logistic3A_138 : vector<640x128xf32>
    %logistic3A_140 = arith.constant 1.000000e+00 : f32
    %logistic3A_141 = vector.broadcast %logistic3A_140 : f32 to vector<640x128xf32>
    %logistic3A_142 = arith.addf %logistic3A_141, %logistic3A_139 : vector<640x128xf32>
    %logistic3A_143 = arith.divf %logistic3A_141, %logistic3A_142 : vector<640x128xf32>
    %mul3A_144 = arith.mulf %dot_general3A_120, %logistic3A_143 : vector<640x128xf32>
    %mul3A_145 = vector.broadcast %mul3A_137 : vector<640x1xf32> to vector<640x128xf32>
    %mul3A_146 = arith.mulf %mul3A_144, %mul3A_145 : vector<640x128xf32>
    %slice3A_147 = vector.extract_strided_slice %bitcast_convert_type3A {offsets = [0, 128], sizes = [640, 128], strides = [1, 1]} : vector<640x896xf32> to vector<640x128xf32>
    %slice3A_148 = vector.extract_strided_slice %mul3A_31 {offsets = [0, 0], sizes = [640, 128], strides = [1, 1]} : vector<640x768xf32> to vector<640x128xf32>
    %mul3A_149 = arith.mulf %slice3A_147, %slice3A_148 : vector<640x128xf32>
    %mul3A_150 = arith.mulf %mul3A_149, %mul3A_146 : vector<640x128xf32>
    %swap3A = arith.constant 0 : index
    %swap3A_151 = arith.constant 0 : index
    %swap3A_152 = arith.constant 0 : index
    %swap3A_153 = vector.load %arg10[%swap3A, %swap3A_151, %swap3A_152] : memref<8x640x128xf32, #tpu.memory_space<vmem>>, vector<1x640x128xf32>
    %swap3A_154 = vector.shape_cast %swap3A_153 : vector<1x640x128xf32> to vector<640x128xf32>
    %swap3A_155 = vector.shape_cast %mul3A_150 : vector<640x128xf32> to vector<1x640x128xf32>
    tpu.vector_store %arg10[%swap3A, %swap3A_151, %swap3A_152], %swap3A_155 {strides = array<i32>} : memref<8x640x128xf32, #tpu.memory_space<vmem>>, vector<1x640x128xf32>,
    %slice3A_156 = vector.extract_strided_slice %bitcast_convert_type3A_39 {offsets = [0, 128], sizes = [640, 128], strides = [1, 1]} : vector<640x896xf32> to vector<640x128xf32>
    %slice3A_157 = vector.extract_strided_slice %mul3A_31 {offsets = [0, 128], sizes = [640, 128], strides = [1, 1]} : vector<640x768xf32> to vector<640x128xf32>
    %mul3A_158 = arith.mulf %slice3A_156, %slice3A_157 : vector<640x128xf32>
    %mul3A_159 = arith.mulf %mul3A_158, %mul3A_146 : vector<640x128xf32>
    %swap3A_160 = arith.constant 1 : index
    %swap3A_161 = arith.constant 0 : index
    %swap3A_162 = arith.constant 0 : index
    %swap3A_163 = vector.load %arg10[%swap3A_160, %swap3A_161, %swap3A_162] : memref<8x640x128xf32, #tpu.memory_space<vmem>>, vector<1x640x128xf32>
    %swap3A_164 = vector.shape_cast %swap3A_163 : vector<1x640x128xf32> to vector<640x128xf32>
    %swap3A_165 = vector.shape_cast %mul3A_159 : vector<640x128xf32> to vector<1x640x128xf32>
    tpu.vector_store %arg10[%swap3A_160, %swap3A_161, %swap3A_162], %swap3A_165 {strides = array<i32>} : memref<8x640x128xf32, #tpu.memory_space<vmem>>, vector<1x640x128xf32>,
    %slice3A_166 = vector.extract_strided_slice %bitcast_convert_type3A {offsets = [0, 256], sizes = [640, 128], strides = [1, 1]} : vector<640x896xf32> to vector<640x128xf32>
    %slice3A_167 = vector.extract_strided_slice %mul3A_31 {offsets = [0, 256], sizes = [640, 128], strides = [1, 1]} : vector<640x768xf32> to vector<640x128xf32>
    %mul3A_168 = arith.mulf %slice3A_166, %slice3A_167 : vector<640x128xf32>
    %slice3A_169 = vector.extract_strided_slice %bitcast_convert_type3A_39 {offsets = [0, 256], sizes = [640, 128], strides = [1, 1]} : vector<640x896xf32> to vector<640x128xf32>
    %slice3A_170 = vector.extract_strided_slice %mul3A_31 {offsets = [0, 384], sizes = [640, 128], strides = [1, 1]} : vector<640x768xf32> to vector<640x128xf32>
    %mul3A_171 = arith.mulf %slice3A_169, %slice3A_170 : vector<640x128xf32>
    %slice3A_172 = vector.extract_strided_slice %bitcast_convert_type3A {offsets = [0, 384], sizes = [640, 128], strides = [1, 1]} : vector<640x896xf32> to vector<640x128xf32>
    %slice3A_173 = vector.extract_strided_slice %mul3A_31 {offsets = [0, 512], sizes = [640, 128], strides = [1, 1]} : vector<640x768xf32> to vector<640x128xf32>
    %mul3A_174 = arith.mulf %slice3A_172, %slice3A_173 : vector<640x128xf32>
    %slice3A_175 = vector.extract_strided_slice %bitcast_convert_type3A_39 {offsets = [0, 384], sizes = [640, 128], strides = [1, 1]} : vector<640x896xf32> to vector<640x128xf32>
    %slice3A_176 = vector.extract_strided_slice %mul3A_31 {offsets = [0, 640], sizes = [640, 128], strides = [1, 1]} : vector<640x768xf32> to vector<640x128xf32>
    %mul3A_177 = arith.mulf %slice3A_175, %slice3A_176 : vector<640x128xf32>
    %get3A_178 = arith.constant 0 : index
    %get3A_179 = arith.constant 0 : index
    %get3A_180 = vector.load %arg3[%get3A_178, %get3A_179] : memref<640x3xf32, #tpu.memory_space<vmem>>, vector<640x3xf32>
    %slice3A_181 = vector.extract_strided_slice %get3A_180 {offsets = [0, 0], sizes = [640, 1], strides = [1, 1]} : vector<640x3xf32> to vector<640x1xf32>
    %slice3A_182 = vector.extract_strided_slice %bitcast_convert_type3A {offsets = [0, 512], sizes = [640, 128], strides = [1, 1]} : vector<640x896xf32> to vector<640x128xf32>
    %mul3A_183 = arith.mulf %slice3A_182, %mul3A_168 : vector<640x128xf32>
    %mul3A_184 = vector.broadcast %slice3A_181 : vector<640x1xf32> to vector<640x128xf32>
    %mul3A_185 = arith.mulf %mul3A_184, %mul3A_174 : vector<640x128xf32>
    %add3A_186 = arith.addf %mul3A_183, %mul3A_185 : vector<640x128xf32>
    %swap3A_187 = arith.constant 2 : index
    %swap3A_188 = arith.constant 0 : index
    %swap3A_189 = arith.constant 0 : index
    %swap3A_190 = vector.load %arg10[%swap3A_187, %swap3A_188, %swap3A_189] : memref<8x640x128xf32, #tpu.memory_space<vmem>>, vector<1x640x128xf32>
    %swap3A_191 = vector.shape_cast %swap3A_190 : vector<1x640x128xf32> to vector<640x128xf32>
    %swap3A_192 = vector.shape_cast %add3A_186 : vector<640x128xf32> to vector<1x640x128xf32>
    tpu.vector_store %arg10[%swap3A_187, %swap3A_188, %swap3A_189], %swap3A_192 {strides = array<i32>} : memref<8x640x128xf32, #tpu.memory_space<vmem>>, vector<1x640x128xf32>,
    %slice3A_193 = vector.extract_strided_slice %bitcast_convert_type3A_39 {offsets = [0, 512], sizes = [640, 128], strides = [1, 1]} : vector<640x896xf32> to vector<640x128xf32>
    %mul3A_194 = arith.mulf %slice3A_193, %mul3A_171 : vector<640x128xf32>
    %mul3A_195 = vector.broadcast %slice3A_181 : vector<640x1xf32> to vector<640x128xf32>
    %mul3A_196 = arith.mulf %mul3A_195, %mul3A_177 : vector<640x128xf32>
    %add3A_197 = arith.addf %mul3A_194, %mul3A_196 : vector<640x128xf32>
    %swap3A_198 = arith.constant 3 : index
    %swap3A_199 = arith.constant 0 : index
    %swap3A_200 = arith.constant 0 : index
    %swap3A_201 = vector.load %arg10[%swap3A_198, %swap3A_199, %swap3A_200] : memref<8x640x128xf32, #tpu.memory_space<vmem>>, vector<1x640x128xf32>
    %swap3A_202 = vector.shape_cast %swap3A_201 : vector<1x640x128xf32> to vector<640x128xf32>
    %swap3A_203 = vector.shape_cast %add3A_197 : vector<640x128xf32> to vector<1x640x128xf32>
    tpu.vector_store %arg10[%swap3A_198, %swap3A_199, %swap3A_200], %swap3A_203 {strides = array<i32>} : memref<8x640x128xf32, #tpu.memory_space<vmem>>, vector<1x640x128xf32>,
    %slice3A_204 = vector.extract_strided_slice %get3A_180 {offsets = [0, 1], sizes = [640, 1], strides = [1, 1]} : vector<640x3xf32> to vector<640x1xf32>
    %slice3A_205 = vector.extract_strided_slice %bitcast_convert_type3A {offsets = [0, 640], sizes = [640, 128], strides = [1, 1]} : vector<640x896xf32> to vector<640x128xf32>
    %mul3A_206 = arith.mulf %slice3A_205, %mul3A_168 : vector<640x128xf32>
    %mul3A_207 = vector.broadcast %slice3A_204 : vector<640x1xf32> to vector<640x128xf32>
    %mul3A_208 = arith.mulf %mul3A_207, %mul3A_174 : vector<640x128xf32>
    %add3A_209 = arith.addf %mul3A_206, %mul3A_208 : vector<640x128xf32>
    %swap3A_210 = arith.constant 4 : index
    %swap3A_211 = arith.constant 0 : index
    %swap3A_212 = arith.constant 0 : index
    %swap3A_213 = vector.load %arg10[%swap3A_210, %swap3A_211, %swap3A_212] : memref<8x640x128xf32, #tpu.memory_space<vmem>>, vector<1x640x128xf32>
    %swap3A_214 = vector.shape_cast %swap3A_213 : vector<1x640x128xf32> to vector<640x128xf32>
    %swap3A_215 = vector.shape_cast %add3A_209 : vector<640x128xf32> to vector<1x640x128xf32>
    tpu.vector_store %arg10[%swap3A_210, %swap3A_211, %swap3A_212], %swap3A_215 {strides = array<i32>} : memref<8x640x128xf32, #tpu.memory_space<vmem>>, vector<1x640x128xf32>,
    %slice3A_216 = vector.extract_strided_slice %bitcast_convert_type3A_39 {offsets = [0, 640], sizes = [640, 128], strides = [1, 1]} : vector<640x896xf32> to vector<640x128xf32>
    %mul3A_217 = arith.mulf %slice3A_216, %mul3A_171 : vector<640x128xf32>
    %mul3A_218 = vector.broadcast %slice3A_204 : vector<640x1xf32> to vector<640x128xf32>
    %mul3A_219 = arith.mulf %mul3A_218, %mul3A_177 : vector<640x128xf32>
    %add3A_220 = arith.addf %mul3A_217, %mul3A_219 : vector<640x128xf32>
    %swap3A_221 = arith.constant 5 : index
    %swap3A_222 = arith.constant 0 : index
    %swap3A_223 = arith.constant 0 : index
    %swap3A_224 = vector.load %arg10[%swap3A_221, %swap3A_222, %swap3A_223] : memref<8x640x128xf32, #tpu.memory_space<vmem>>, vector<1x640x128xf32>
    %swap3A_225 = vector.shape_cast %swap3A_224 : vector<1x640x128xf32> to vector<640x128xf32>
    %swap3A_226 = vector.shape_cast %add3A_220 : vector<640x128xf32> to vector<1x640x128xf32>
    tpu.vector_store %arg10[%swap3A_221, %swap3A_222, %swap3A_223], %swap3A_226 {strides = array<i32>} : memref<8x640x128xf32, #tpu.memory_space<vmem>>, vector<1x640x128xf32>,
    %slice3A_227 = vector.extract_strided_slice %get3A_180 {offsets = [0, 2], sizes = [640, 1], strides = [1, 1]} : vector<640x3xf32> to vector<640x1xf32>
    %slice3A_228 = vector.extract_strided_slice %bitcast_convert_type3A {offsets = [0, 768], sizes = [640, 128], strides = [1, 1]} : vector<640x896xf32> to vector<640x128xf32>
    %mul3A_229 = arith.mulf %slice3A_228, %mul3A_168 : vector<640x128xf32>
    %mul3A_230 = vector.broadcast %slice3A_227 : vector<640x1xf32> to vector<640x128xf32>
    %mul3A_231 = arith.mulf %mul3A_230, %mul3A_174 : vector<640x128xf32>
    %add3A_232 = arith.addf %mul3A_229, %mul3A_231 : vector<640x128xf32>
    %swap3A_233 = arith.constant 6 : index
    %swap3A_234 = arith.constant 0 : index
    %swap3A_235 = arith.constant 0 : index
    %swap3A_236 = vector.load %arg10[%swap3A_233, %swap3A_234, %swap3A_235] : memref<8x640x128xf32, #tpu.memory_space<vmem>>, vector<1x640x128xf32>
    %swap3A_237 = vector.shape_cast %swap3A_236 : vector<1x640x128xf32> to vector<640x128xf32>
    %swap3A_238 = vector.shape_cast %add3A_232 : vector<640x128xf32> to vector<1x640x128xf32>
    tpu.vector_store %arg10[%swap3A_233, %swap3A_234, %swap3A_235], %swap3A_238 {strides = array<i32>} : memref<8x640x128xf32, #tpu.memory_space<vmem>>, vector<1x640x128xf32>,
    %slice3A_239 = vector.extract_strided_slice %bitcast_convert_type3A_39 {offsets = [0, 768], sizes = [640, 128], strides = [1, 1]} : vector<640x896xf32> to vector<640x128xf32>
    %mul3A_240 = arith.mulf %slice3A_239, %mul3A_171 : vector<640x128xf32>
    %mul3A_241 = vector.broadcast %slice3A_227 : vector<640x1xf32> to vector<640x128xf32>
    %mul3A_242 = arith.mulf %mul3A_241, %mul3A_177 : vector<640x128xf32>
    %add3A_243 = arith.addf %mul3A_240, %mul3A_242 : vector<640x128xf32>
    %swap3A_244 = arith.constant 7 : index
    %swap3A_245 = arith.constant 0 : index
    %swap3A_246 = arith.constant 0 : index
    %swap3A_247 = vector.load %arg10[%swap3A_244, %swap3A_245, %swap3A_246] : memref<8x640x128xf32, #tpu.memory_space<vmem>>, vector<1x640x128xf32>
    %swap3A_248 = vector.shape_cast %swap3A_247 : vector<1x640x128xf32> to vector<640x128xf32>
    %swap3A_249 = vector.shape_cast %add3A_243 : vector<640x128xf32> to vector<1x640x128xf32>
    tpu.vector_store %arg10[%swap3A_244, %swap3A_245, %swap3A_246], %swap3A_249 {strides = array<i32>} : memref<8x640x128xf32, #tpu.memory_space<vmem>>, vector<1x640x128xf32>,
    return
  }
  func.func @transform_0(%arg0: i32) -> (i32, i32) {
    %add3A = arith.constant 0 : i32
    %add3A_0 = arith.addi %arg0, %add3A : i32
    %c0_i32 = arith.constant 0 : i32
    %c0_i32_1 = arith.constant 0 : i32
    return %add3A_0, %c0_i32 : i32, i32
  }
  func.func @transform_1(%arg0: i32) -> (i32, i32) {
    %add3A = arith.constant 0 : i32
    %add3A_0 = arith.addi %arg0, %add3A : i32
    %c0_i32 = arith.constant 0 : i32
    %c0_i32_1 = arith.constant 0 : i32
    return %add3A_0, %c0_i32 : i32, i32
  }
  func.func @transform_2(%arg0: i32) -> (i32, i32) {
    %add3A = arith.constant 0 : i32
    %add3A_0 = arith.addi %arg0, %add3A : i32
    %c0_i32 = arith.constant 0 : i32
    %c0_i32_1 = arith.constant 0 : i32
    return %add3A_0, %c0_i32 : i32, i32
  }
  func.func @transform_3(%arg0: i32) -> (i32, i32) {
    %add3A = arith.constant 0 : i32
    %add3A_0 = arith.addi %arg0, %add3A : i32
    %c0_i32 = arith.constant 0 : i32
    %c0_i32_1 = arith.constant 0 : i32
    return %add3A_0, %c0_i32 : i32, i32
  }
  func.func @transform_4(%arg0: i32) -> (i32, i32) {
    %add3A = arith.constant 0 : i32
    %add3A_0 = arith.addi %arg0, %add3A : i32
    %c0_i32 = arith.constant 0 : i32
    %c0_i32_1 = arith.constant 0 : i32
    return %add3A_0, %c0_i32 : i32, i32
  }
  func.func @transform_5(%arg0: i32) -> (i32, i32) {
    %c0_i32 = arith.constant 0 : i32
    %c0_i32_0 = arith.constant 0 : i32
    %c0_i32_1 = arith.constant 0 : i32
    return %c0_i32, %c0_i32_0 : i32, i32
  }
  func.func @transform_6(%arg0: i32) -> (i32, i32) {
    %c0_i32 = arith.constant 0 : i32
    %c0_i32_0 = arith.constant 0 : i32
    %c0_i32_1 = arith.constant 0 : i32
    return %c0_i32, %c0_i32_0 : i32, i32
  }
  func.func @transform_7(%arg0: i32) -> (i32, i32) {
    %c0_i32 = arith.constant 0 : i32
    %c0_i32_0 = arith.constant 0 : i32
    %c0_i32_1 = arith.constant 0 : i32
    return %c0_i32, %c0_i32_0 : i32, i32
  }
  func.func @transform_8(%arg0: i32) -> (i32, i32) {
    %c0_i32 = arith.constant 0 : i32
    %c0_i32_0 = arith.constant 0 : i32
    %c0_i32_1 = arith.constant 0 : i32
    return %c0_i32, %c0_i32_0 : i32, i32
  }
  func.func @transform_9(%arg0: i32) -> (i32, i32, i32) {
    %c0_i32 = arith.constant 0 : i32
    %c0_i32_0 = arith.constant 0 : i32
    %c0_i32_1 = arith.constant 0 : i32
    return %c0_i32, %arg0, %c0_i32_0 : i32, i32, i32
  }
}

module attributes {stable_mosaic.version = 14 : i64} {
  func.func @_edge_body(%arg0: i32, %arg1: memref<640x64xf32, #tpu.memory_space<vmem>>, %arg2: memref<640x1xf32, #tpu.memory_space<vmem>>, %arg3: memref<640x3xf32, #tpu.memory_space<vmem>>, %arg4: memref<640x128xi32, #tpu.memory_space<vmem>>, %arg5: memref<640x896xi32, #tpu.memory_space<vmem>>, %arg6: memref<64x256xbf16, #tpu.memory_space<vmem>>, %arg7: memref<1x256xf32, #tpu.memory_space<vmem>>, %arg8: memref<64x768xbf16, #tpu.memory_space<vmem>>, %arg9: memref<1x768xf32, #tpu.memory_space<vmem>>, %arg10: memref<8x640x128xf32, #tpu.memory_space<vmem>>) attributes {dimension_semantics = [#tpu.dimension_semantics<arbitrary>], iteration_bounds = array<i64: 125>, scalar_prefetch = 0 : i64, scratch_operands = 0 : i64, tpu.core_type = #tpu.core_type<tc>, window_params = [{transform_indices = @transform_0, window_bounds = array<i64: 640, 64>}, {transform_indices = @transform_1, window_bounds = array<i64: 640, 1>}, {transform_indices = @transform_2, window_bounds = array<i64: 640, 3>}, {transform_indices = @transform_3, window_bounds = array<i64: 640, 128>}, {transform_indices = @transform_4, window_bounds = array<i64: 640, 896>}, {pipeline_mode = #tpu.pipeline_mode<synchronous>, transform_indices = @transform_5, window_bounds = array<i64: 64, 256>}, {pipeline_mode = #tpu.pipeline_mode<synchronous>, transform_indices = @transform_6, window_bounds = array<i64: 1, 256>}, {pipeline_mode = #tpu.pipeline_mode<synchronous>, transform_indices = @transform_7, window_bounds = array<i64: 64, 768>}, {pipeline_mode = #tpu.pipeline_mode<synchronous>, transform_indices = @transform_8, window_bounds = array<i64: 1, 768>}, {transform_indices = @transform_9, window_bounds = array<i64: 8, 640, 128>}]} {
    %get3A = arith.constant 0 : index
    %get3A_0 = arith.constant 0 : index
    %get3A_1 = vector.load %arg1[%get3A, %get3A_0] : memref<640x64xf32, #tpu.memory_space<vmem>>, vector<640x64xf32>
    %convert_element_type3A = arith.truncf %get3A_1 : vector<640x64xf32> to vector<640x64xbf16>
    %get3A_2 = arith.constant 0 : index
    %get3A_3 = arith.constant 0 : index
    %get3A_4 = vector.load %arg6[%get3A_2, %get3A_3] : memref<64x256xbf16, #tpu.memory_space<vmem>>, vector<64x256xbf16>
    %dot_general3A = arith.constant dense<0.000000e+00> : vector<640x256xf32>
    %dot_general3A_5 = tpu.matmul %convert_element_type3A, %get3A_4, %dot_general3A {dimension_numbers = #tpu.dot_dimension_numbers<[1], [0], [0], [1], [0, 0, 1, 1], [], []>, transpose_lhs_hint = false} : vector<640x64xbf16>, vector<64x256xbf16>, vector<640x256xf32> -> vector<640x256xf32>
    %get3A_6 = arith.constant 0 : index
    %get3A_7 = arith.constant 0 : index
    %get3A_8 = vector.load %arg7[%get3A_6, %get3A_7] : memref<1x256xf32, #tpu.memory_space<vmem>>, vector<1x256xf32>
    %add3A = vector.broadcast %get3A_8 : vector<1x256xf32> to vector<640x256xf32>
    %add3A_9 = arith.addf %dot_general3A_5, %add3A : vector<640x256xf32>
    %logistic3A = arith.negf %add3A_9 : vector<640x256xf32>
    %logistic3A_10 = math.exp %logistic3A : vector<640x256xf32>
    %logistic3A_11 = arith.constant 1.000000e+00 : f32
    %logistic3A_12 = vector.broadcast %logistic3A_11 : f32 to vector<640x256xf32>
    %logistic3A_13 = arith.addf %logistic3A_12, %logistic3A_10 : vector<640x256xf32>
    %logistic3A_14 = arith.divf %logistic3A_12, %logistic3A_13 : vector<640x256xf32>
    %mul3A = arith.mulf %add3A_9, %logistic3A_14 : vector<640x256xf32>
    %get3A_15 = arith.constant 0 : index
    %get3A_16 = arith.constant 0 : index
    %get3A_17 = vector.load %arg8[%get3A_15, %get3A_16] : memref<64x768xbf16, #tpu.memory_space<vmem>>, vector<64x768xbf16>
    %dot_general3A_18 = arith.constant dense<0.000000e+00> : vector<640x768xf32>
    %dot_general3A_19 = tpu.matmul %convert_element_type3A, %get3A_17, %dot_general3A_18 {dimension_numbers = #tpu.dot_dimension_numbers<[1], [0], [0], [1], [0, 0, 1, 1], [], []>, transpose_lhs_hint = false} : vector<640x64xbf16>, vector<64x768xbf16>, vector<640x768xf32> -> vector<640x768xf32>
    %get3A_20 = arith.constant 0 : index
    %get3A_21 = arith.constant 0 : index
    %get3A_22 = vector.load %arg9[%get3A_20, %get3A_21] : memref<1x768xf32, #tpu.memory_space<vmem>>, vector<1x768xf32>
    %add3A_23 = vector.broadcast %get3A_22 : vector<1x768xf32> to vector<640x768xf32>
    %add3A_24 = arith.addf %dot_general3A_19, %add3A_23 : vector<640x768xf32>
    %logistic3A_25 = arith.negf %add3A_24 : vector<640x768xf32>
    %logistic3A_26 = math.exp %logistic3A_25 : vector<640x768xf32>
    %logistic3A_27 = arith.constant 1.000000e+00 : f32
    %logistic3A_28 = vector.broadcast %logistic3A_27 : f32 to vector<640x768xf32>
    %logistic3A_29 = arith.addf %logistic3A_28, %logistic3A_26 : vector<640x768xf32>
    %logistic3A_30 = arith.divf %logistic3A_28, %logistic3A_29 : vector<640x768xf32>
    %mul3A_31 = arith.mulf %add3A_24, %logistic3A_30 : vector<640x768xf32>
    %get3A_32 = arith.constant 0 : index
    %get3A_33 = arith.constant 0 : index
    %get3A_34 = vector.load %arg5[%get3A_32, %get3A_33] : memref<640x896xi32, #tpu.memory_space<vmem>>, vector<640x896xi32>
    %shift_left3A = arith.constant 16 : i32
    %shift_left3A_35 = vector.broadcast %shift_left3A : i32 to vector<640x896xi32>
    %shift_left3A_36 = arith.shli %get3A_34, %shift_left3A_35 : vector<640x896xi32>
    %bitcast_convert_type3A = tpu.bitcast %shift_left3A_36 : vector<640x896xi32> -> vector<640x896xf32>
    %and3A = arith.constant -65536 : i32
    %and3A_37 = vector.broadcast %and3A : i32 to vector<640x896xi32>
    %and3A_38 = arith.andi %get3A_34, %and3A_37 : vector<640x896xi32>
    %bitcast_convert_type3A_39 = tpu.bitcast %and3A_38 : vector<640x896xi32> -> vector<640x896xf32>
    %get3A_40 = arith.constant 0 : index
    %get3A_41 = arith.constant 0 : index
    %get3A_42 = vector.load %arg4[%get3A_40, %get3A_41] : memref<640x128xi32, #tpu.memory_space<vmem>>, vector<640x128xi32>
    %shift_left3A_43 = arith.constant 16 : i32
    %shift_left3A_44 = vector.broadcast %shift_left3A_43 : i32 to vector<640x128xi32>
    %shift_left3A_45 = arith.shli %get3A_42, %shift_left3A_44 : vector<640x128xi32>
    %bitcast_convert_type3A_46 = tpu.bitcast %shift_left3A_45 : vector<640x128xi32> -> vector<640x128xf32>
    %and3A_47 = arith.constant -65536 : i32
    %and3A_48 = vector.broadcast %and3A_47 : i32 to vector<640x128xi32>
    %and3A_49 = arith.andi %get3A_42, %and3A_48 : vector<640x128xi32>
    %bitcast_convert_type3A_50 = tpu.bitcast %and3A_49 : vector<640x128xi32> -> vector<640x128xf32>
    %slice3A = vector.extract_strided_slice %bitcast_convert_type3A {offsets = [0, 0], sizes = [640, 128], strides = [1, 1]} : vector<640x896xf32> to vector<640x128xf32>
    %mul3A_51 = arith.mulf %bitcast_convert_type3A_46, %slice3A : vector<640x128xf32>
    %slice3A_52 = vector.extract_strided_slice %mul3A {offsets = [0, 0], sizes = [640, 128], strides = [1, 1]} : vector<640x256xf32> to vector<640x128xf32>
    %mul3A_53 = arith.mulf %mul3A_51, %slice3A_52 : vector<640x128xf32>
    %slice3A_54 = vector.extract_strided_slice %bitcast_convert_type3A_39 {offsets = [0, 0], sizes = [640, 128], strides = [1, 1]} : vector<640x896xf32> to vector<640x128xf32>
    %mul3A_55 = arith.mulf %bitcast_convert_type3A_50, %slice3A_54 : vector<640x128xf32>
    %slice3A_56 = vector.extract_strided_slice %mul3A {offsets = [0, 128], sizes = [640, 128], strides = [1, 1]} : vector<640x256xf32> to vector<640x128xf32>
    %mul3A_57 = arith.mulf %mul3A_55, %slice3A_56 : vector<640x128xf32>
    %add3A_58 = arith.addf %mul3A_53, %mul3A_57 : vector<640x128xf32>
    %iota3A = tpu.iota {dimensions = array<i32: 0>} : vector<128x128xi32>
    %jit3A = arith.constant 16 : i32
    %div3A = vector.broadcast %jit3A : i32 to vector<128x128xi32>
    %div3A_59 = arith.divsi %iota3A, %div3A : vector<128x128xi32>
    %sign3A = arith.constant 0 : i32
    %sign3A_60 = vector.broadcast %sign3A : i32 to vector<128x128xi32>
    %sign3A_61 = arith.cmpi sgt, %iota3A, %sign3A_60 : vector<128x128xi32>
    %sign3A_62 = arith.extui %sign3A_61 : vector<128x128xi1> to vector<128x128xi32>
    %sign3A_63 = arith.constant 0 : i32
    %sign3A_64 = vector.broadcast %sign3A_63 : i32 to vector<128x128xi32>
    %sign3A_65 = arith.cmpi slt, %iota3A, %sign3A_64 : vector<128x128xi32>
    %sign3A_66 = arith.extui %sign3A_65 : vector<128x128xi1> to vector<128x128xi32>
    %sign3A_67 = arith.subi %sign3A_62, %sign3A_66 : vector<128x128xi32>
    %sign3A_68 = arith.constant 0 : i32
    %sign3A_69 = arith.cmpi sgt, %jit3A, %sign3A_68 : i32
    %sign3A_70 = arith.extui %sign3A_69 : i1 to i32
    %sign3A_71 = arith.constant 0 : i32
    %sign3A_72 = arith.cmpi slt, %jit3A, %sign3A_71 : i32
    %sign3A_73 = arith.extui %sign3A_72 : i1 to i32
    %sign3A_74 = arith.subi %sign3A_70, %sign3A_73 : i32
    %ne3A = vector.broadcast %sign3A_74 : i32 to vector<128x128xi32>
    %ne3A_75 = arith.cmpi ne, %sign3A_67, %ne3A : vector<128x128xi32>
    %rem3A = vector.broadcast %jit3A : i32 to vector<128x128xi32>
    %rem3A_76 = arith.remsi %iota3A, %rem3A : vector<128x128xi32>
    %ne3A_77 = arith.constant 0 : i32
    %ne3A_78 = vector.broadcast %ne3A_77 : i32 to vector<128x128xi32>
    %ne3A_79 = arith.cmpi ne, %rem3A_76, %ne3A_78 : vector<128x128xi32>
    %and3A_80 = arith.andi %ne3A_75, %ne3A_79 : vector<128x128xi1>
    %sub3A = arith.constant 1 : i32
    %sub3A_81 = vector.broadcast %sub3A : i32 to vector<128x128xi32>
    %sub3A_82 = arith.subi %div3A_59, %sub3A_81 : vector<128x128xi32>
    %select_n3A = arith.select %and3A_80, %sub3A_82, %div3A_59 : vector<128x128xi1>, vector<128x128xi32>
    %iota3A_83 = tpu.iota {dimensions = array<i32: 1>} : vector<128x128xi32>
    %jit3A_84 = arith.constant 16 : i32
    %div3A_85 = vector.broadcast %jit3A_84 : i32 to vector<128x128xi32>
    %div3A_86 = arith.divsi %iota3A_83, %div3A_85 : vector<128x128xi32>
    %sign3A_87 = arith.constant 0 : i32
    %sign3A_88 = vector.broadcast %sign3A_87 : i32 to vector<128x128xi32>
    %sign3A_89 = arith.cmpi sgt, %iota3A_83, %sign3A_88 : vector<128x128xi32>
    %sign3A_90 = arith.extui %sign3A_89 : vector<128x128xi1> to vector<128x128xi32>
    %sign3A_91 = arith.constant 0 : i32
    %sign3A_92 = vector.broadcast %sign3A_91 : i32 to vector<128x128xi32>
    %sign3A_93 = arith.cmpi slt, %iota3A_83, %sign3A_92 : vector<128x128xi32>
    %sign3A_94 = arith.extui %sign3A_93 : vector<128x128xi1> to vector<128x128xi32>
    %sign3A_95 = arith.subi %sign3A_90, %sign3A_94 : vector<128x128xi32>
    %sign3A_96 = arith.constant 0 : i32
    %sign3A_97 = arith.cmpi sgt, %jit3A_84, %sign3A_96 : i32
    %sign3A_98 = arith.extui %sign3A_97 : i1 to i32
    %sign3A_99 = arith.constant 0 : i32
    %sign3A_100 = arith.cmpi slt, %jit3A_84, %sign3A_99 : i32
    %sign3A_101 = arith.extui %sign3A_100 : i1 to i32
    %sign3A_102 = arith.subi %sign3A_98, %sign3A_101 : i32
    %ne3A_103 = vector.broadcast %sign3A_102 : i32 to vector<128x128xi32>
    %ne3A_104 = arith.cmpi ne, %sign3A_95, %ne3A_103 : vector<128x128xi32>
    %rem3A_105 = vector.broadcast %jit3A_84 : i32 to vector<128x128xi32>
    %rem3A_106 = arith.remsi %iota3A_83, %rem3A_105 : vector<128x128xi32>
    %ne3A_107 = arith.constant 0 : i32
    %ne3A_108 = vector.broadcast %ne3A_107 : i32 to vector<128x128xi32>
    %ne3A_109 = arith.cmpi ne, %rem3A_106, %ne3A_108 : vector<128x128xi32>
    %and3A_110 = arith.andi %ne3A_104, %ne3A_109 : vector<128x128xi1>
    %sub3A_111 = arith.constant 1 : i32
    %sub3A_112 = vector.broadcast %sub3A_111 : i32 to vector<128x128xi32>
    %sub3A_113 = arith.subi %div3A_86, %sub3A_112 : vector<128x128xi32>
    %select_n3A_114 = arith.select %and3A_110, %sub3A_113, %div3A_86 : vector<128x128xi1>, vector<128x128xi32>
    %eq3A = arith.cmpi eq, %select_n3A, %select_n3A_114 : vector<128x128xi32>
    %convert_element_type3A_115 = arith.extui %eq3A : vector<128x128xi1> to vector<128x128xi32>
    %convert_element_type3A_116 = arith.sitofp %convert_element_type3A_115 : vector<128x128xi32> to vector<128x128xf32>
    %convert_element_type3A_117 = arith.truncf %convert_element_type3A_116 : vector<128x128xf32> to vector<128x128xbf16>
    %convert_element_type3A_118 = arith.truncf %add3A_58 : vector<640x128xf32> to vector<640x128xbf16>
    %dot_general3A_119 = arith.constant dense<0.000000e+00> : vector<640x128xf32>
    %dot_general3A_120 = tpu.matmul %convert_element_type3A_118, %convert_element_type3A_117, %dot_general3A_119 {dimension_numbers = #tpu.dot_dimension_numbers<[1], [0], [0], [1], [0, 0, 1, 1], [], []>, transpose_lhs_hint = false} : vector<640x128xbf16>, vector<128x128xbf16>, vector<640x128xf32> -> vector<640x128xf32>
    %get3A_121 = arith.constant 0 : index
    %get3A_122 = arith.constant 0 : index
    %get3A_123 = vector.load %arg2[%get3A_121, %get3A_122] : memref<640x1xf32, #tpu.memory_space<vmem>>, vector<640x1xf32>
    %mul3A_124 = arith.constant 0.628318548 : f32
    %mul3A_125 = vector.broadcast %mul3A_124 : f32 to vector<640x1xf32>
    %mul3A_126 = arith.mulf %get3A_123, %mul3A_125 : vector<640x1xf32>
    %cos3A = math.cos %mul3A_126 : vector<640x1xf32>
    %add3A_127 = arith.constant 1.000000e+00 : f32
    %add3A_128 = vector.broadcast %add3A_127 : f32 to vector<640x1xf32>
    %add3A_129 = arith.addf %cos3A, %add3A_128 : vector<640x1xf32>
    %mul3A_130 = arith.constant 5.000000e-01 : f32
    %mul3A_131 = vector.broadcast %mul3A_130 : f32 to vector<640x1xf32>
    %mul3A_132 = arith.mulf %mul3A_131, %add3A_129 : vector<640x1xf32>
    %lt3A = arith.constant 5.000000e+00 : f32
    %lt3A_133 = vector.broadcast %lt3A : f32 to vector<640x1xf32>
    %lt3A_134 = arith.cmpf olt, %get3A_123, %lt3A_133 : vector<640x1xf32>
    %convert_element_type3A_135 = arith.extui %lt3A_134 : vector<640x1xi1> to vector<640x1xi32>
    %convert_element_type3A_136 = arith.sitofp %convert_element_type3A_135 : vector<640x1xi32> to vector<640x1xf32>
    %mul3A_137 = arith.mulf %mul3A_132, %convert_element_type3A_136 : vector<640x1xf32>
    %logistic3A_138 = arith.negf %dot_general3A_120 : vector<640x128xf32>
    %logistic3A_139 = math.exp %logistic3A_138 : vector<640x128xf32>
    %logistic3A_140 = arith.constant 1.000000e+00 : f32
    %logistic3A_141 = vector.broadcast %logistic3A_140 : f32 to vector<640x128xf32>
    %logistic3A_142 = arith.addf %logistic3A_141, %logistic3A_139 : vector<640x128xf32>
    %logistic3A_143 = arith.divf %logistic3A_141, %logistic3A_142 : vector<640x128xf32>
    %mul3A_144 = arith.mulf %dot_general3A_120, %logistic3A_143 : vector<640x128xf32>
    %mul3A_145 = vector.broadcast %mul3A_137 : vector<640x1xf32> to vector<640x128xf32>
    %mul3A_146 = arith.mulf %mul3A_144, %mul3A_145 : vector<640x128xf32>
    %slice3A_147 = vector.extract_strided_slice %bitcast_convert_type3A {offsets = [0, 128], sizes = [640, 128], strides = [1, 1]} : vector<640x896xf32> to vector<640x128xf32>
    %slice3A_148 = vector.extract_strided_slice %mul3A_31 {offsets = [0, 0], sizes = [640, 128], strides = [1, 1]} : vector<640x768xf32> to vector<640x128xf32>
    %mul3A_149 = arith.mulf %slice3A_147, %slice3A_148 : vector<640x128xf32>
    %mul3A_150 = arith.mulf %mul3A_149, %mul3A_146 : vector<640x128xf32>
    %swap3A = arith.constant 0 : index
    %swap3A_151 = arith.constant 0 : index
    %swap3A_152 = arith.constant 0 : index
    %swap3A_153 = vector.load %arg10[%swap3A, %swap3A_151, %swap3A_152] : memref<8x640x128xf32, #tpu.memory_space<vmem>>, vector<1x640x128xf32>
    %swap3A_154 = vector.shape_cast %swap3A_153 : vector<1x640x128xf32> to vector<640x128xf32>
    %swap3A_155 = vector.shape_cast %mul3A_150 : vector<640x128xf32> to vector<1x640x128xf32>
    tpu.vector_store %arg10[%swap3A, %swap3A_151, %swap3A_152], %swap3A_155 {strides = array<i32>} : memref<8x640x128xf32, #tpu.memory_space<vmem>>, vector<1x640x128xf32>,
    %slice3A_156 = vector.extract_strided_slice %bitcast_convert_type3A_39 {offsets = [0, 128], sizes = [640, 128], strides = [1, 1]} : vector<640x896xf32> to vector<640x128xf32>
    %slice3A_157 = vector.extract_strided_slice %mul3A_31 {offsets = [0, 128], sizes = [640, 128], strides = [1, 1]} : vector<640x768xf32> to vector<640x128xf32>
    %mul3A_158 = arith.mulf %slice3A_156, %slice3A_157 : vector<640x128xf32>
    %mul3A_159 = arith.mulf %mul3A_158, %mul3A_146 : vector<640x128xf32>
    %swap3A_160 = arith.constant 1 : index
    %swap3A_161 = arith.constant 0 : index
    %swap3A_162 = arith.constant 0 : index
    %swap3A_163 = vector.load %arg10[%swap3A_160, %swap3A_161, %swap3A_162] : memref<8x640x128xf32, #tpu.memory_space<vmem>>, vector<1x640x128xf32>
    %swap3A_164 = vector.shape_cast %swap3A_163 : vector<1x640x128xf32> to vector<640x128xf32>
    %swap3A_165 = vector.shape_cast %mul3A_159 : vector<640x128xf32> to vector<1x640x128xf32>
    tpu.vector_store %arg10[%swap3A_160, %swap3A_161, %swap3A_162], %swap3A_165 {strides = array<i32>} : memref<8x640x128xf32, #tpu.memory_space<vmem>>, vector<1x640x128xf32>,
    %slice3A_166 = vector.extract_strided_slice %bitcast_convert_type3A {offsets = [0, 256], sizes = [640, 128], strides = [1, 1]} : vector<640x896xf32> to vector<640x128xf32>
    %slice3A_167 = vector.extract_strided_slice %mul3A_31 {offsets = [0, 256], sizes = [640, 128], strides = [1, 1]} : vector<640x768xf32> to vector<640x128xf32>
    %mul3A_168 = arith.mulf %slice3A_166, %slice3A_167 : vector<640x128xf32>
    %slice3A_169 = vector.extract_strided_slice %bitcast_convert_type3A_39 {offsets = [0, 256], sizes = [640, 128], strides = [1, 1]} : vector<640x896xf32> to vector<640x128xf32>
    %slice3A_170 = vector.extract_strided_slice %mul3A_31 {offsets = [0, 384], sizes = [640, 128], strides = [1, 1]} : vector<640x768xf32> to vector<640x128xf32>
    %mul3A_171 = arith.mulf %slice3A_169, %slice3A_170 : vector<640x128xf32>
    %slice3A_172 = vector.extract_strided_slice %bitcast_convert_type3A {offsets = [0, 384], sizes = [640, 128], strides = [1, 1]} : vector<640x896xf32> to vector<640x128xf32>
    %slice3A_173 = vector.extract_strided_slice %mul3A_31 {offsets = [0, 512], sizes = [640, 128], strides = [1, 1]} : vector<640x768xf32> to vector<640x128xf32>
    %mul3A_174 = arith.mulf %slice3A_172, %slice3A_173 : vector<640x128xf32>
    %slice3A_175 = vector.extract_strided_slice %bitcast_convert_type3A_39 {offsets = [0, 384], sizes = [640, 128], strides = [1, 1]} : vector<640x896xf32> to vector<640x128xf32>
    %slice3A_176 = vector.extract_strided_slice %mul3A_31 {offsets = [0, 640], sizes = [640, 128], strides = [1, 1]} : vector<640x768xf32> to vector<640x128xf32>
    %mul3A_177 = arith.mulf %slice3A_175, %slice3A_176 : vector<640x128xf32>
    %get3A_178 = arith.constant 0 : index
    %get3A_179 = arith.constant 0 : index
    %get3A_180 = vector.load %arg3[%get3A_178, %get3A_179] : memref<640x3xf32, #tpu.memory_space<vmem>>, vector<640x3xf32>
    %slice3A_181 = vector.extract_strided_slice %get3A_180 {offsets = [0, 0], sizes = [640, 1], strides = [1, 1]} : vector<640x3xf32> to vector<640x1xf32>
    %slice3A_182 = vector.extract_strided_slice %bitcast_convert_type3A {offsets = [0, 512], sizes = [640, 128], strides = [1, 1]} : vector<640x896xf32> to vector<640x128xf32>
    %mul3A_183 = arith.mulf %slice3A_182, %mul3A_168 : vector<640x128xf32>
    %mul3A_184 = vector.broadcast %slice3A_181 : vector<640x1xf32> to vector<640x128xf32>
    %mul3A_185 = arith.mulf %mul3A_184, %mul3A_174 : vector<640x128xf32>
    %add3A_186 = arith.addf %mul3A_183, %mul3A_185 : vector<640x128xf32>
    %swap3A_187 = arith.constant 2 : index
    %swap3A_188 = arith.constant 0 : index
    %swap3A_189 = arith.constant 0 : index
    %swap3A_190 = vector.load %arg10[%swap3A_187, %swap3A_188, %swap3A_189] : memref<8x640x128xf32, #tpu.memory_space<vmem>>, vector<1x640x128xf32>
    %swap3A_191 = vector.shape_cast %swap3A_190 : vector<1x640x128xf32> to vector<640x128xf32>
    %swap3A_192 = vector.shape_cast %add3A_186 : vector<640x128xf32> to vector<1x640x128xf32>
    tpu.vector_store %arg10[%swap3A_187, %swap3A_188, %swap3A_189], %swap3A_192 {strides = array<i32>} : memref<8x640x128xf32, #tpu.memory_space<vmem>>, vector<1x640x128xf32>,
    %slice3A_193 = vector.extract_strided_slice %bitcast_convert_type3A_39 {offsets = [0, 512], sizes = [640, 128], strides = [1, 1]} : vector<640x896xf32> to vector<640x128xf32>
    %mul3A_194 = arith.mulf %slice3A_193, %mul3A_171 : vector<640x128xf32>
    %mul3A_195 = vector.broadcast %slice3A_181 : vector<640x1xf32> to vector<640x128xf32>
    %mul3A_196 = arith.mulf %mul3A_195, %mul3A_177 : vector<640x128xf32>
    %add3A_197 = arith.addf %mul3A_194, %mul3A_196 : vector<640x128xf32>
    %swap3A_198 = arith.constant 3 : index
    %swap3A_199 = arith.constant 0 : index
    %swap3A_200 = arith.constant 0 : index
    %swap3A_201 = vector.load %arg10[%swap3A_198, %swap3A_199, %swap3A_200] : memref<8x640x128xf32, #tpu.memory_space<vmem>>, vector<1x640x128xf32>
    %swap3A_202 = vector.shape_cast %swap3A_201 : vector<1x640x128xf32> to vector<640x128xf32>
    %swap3A_203 = vector.shape_cast %add3A_197 : vector<640x128xf32> to vector<1x640x128xf32>
    tpu.vector_store %arg10[%swap3A_198, %swap3A_199, %swap3A_200], %swap3A_203 {strides = array<i32>} : memref<8x640x128xf32, #tpu.memory_space<vmem>>, vector<1x640x128xf32>,
    %slice3A_204 = vector.extract_strided_slice %get3A_180 {offsets = [0, 1], sizes = [640, 1], strides = [1, 1]} : vector<640x3xf32> to vector<640x1xf32>
    %slice3A_205 = vector.extract_strided_slice %bitcast_convert_type3A {offsets = [0, 640], sizes = [640, 128], strides = [1, 1]} : vector<640x896xf32> to vector<640x128xf32>
    %mul3A_206 = arith.mulf %slice3A_205, %mul3A_168 : vector<640x128xf32>
    %mul3A_207 = vector.broadcast %slice3A_204 : vector<640x1xf32> to vector<640x128xf32>
    %mul3A_208 = arith.mulf %mul3A_207, %mul3A_174 : vector<640x128xf32>
    %add3A_209 = arith.addf %mul3A_206, %mul3A_208 : vector<640x128xf32>
    %swap3A_210 = arith.constant 4 : index
    %swap3A_211 = arith.constant 0 : index
    %swap3A_212 = arith.constant 0 : index
    %swap3A_213 = vector.load %arg10[%swap3A_210, %swap3A_211, %swap3A_212] : memref<8x640x128xf32, #tpu.memory_space<vmem>>, vector<1x640x128xf32>
    %swap3A_214 = vector.shape_cast %swap3A_213 : vector<1x640x128xf32> to vector<640x128xf32>
    %swap3A_215 = vector.shape_cast %add3A_209 : vector<640x128xf32> to vector<1x640x128xf32>
    tpu.vector_store %arg10[%swap3A_210, %swap3A_211, %swap3A_212], %swap3A_215 {strides = array<i32>} : memref<8x640x128xf32, #tpu.memory_space<vmem>>, vector<1x640x128xf32>,
    %slice3A_216 = vector.extract_strided_slice %bitcast_convert_type3A_39 {offsets = [0, 640], sizes = [640, 128], strides = [1, 1]} : vector<640x896xf32> to vector<640x128xf32>
    %mul3A_217 = arith.mulf %slice3A_216, %mul3A_171 : vector<640x128xf32>
    %mul3A_218 = vector.broadcast %slice3A_204 : vector<640x1xf32> to vector<640x128xf32>
    %mul3A_219 = arith.mulf %mul3A_218, %mul3A_177 : vector<640x128xf32>
    %add3A_220 = arith.addf %mul3A_217, %mul3A_219 : vector<640x128xf32>
    %swap3A_221 = arith.constant 5 : index
    %swap3A_222 = arith.constant 0 : index
    %swap3A_223 = arith.constant 0 : index
    %swap3A_224 = vector.load %arg10[%swap3A_221, %swap3A_222, %swap3A_223] : memref<8x640x128xf32, #tpu.memory_space<vmem>>, vector<1x640x128xf32>
    %swap3A_225 = vector.shape_cast %swap3A_224 : vector<1x640x128xf32> to vector<640x128xf32>
    %swap3A_226 = vector.shape_cast %add3A_220 : vector<640x128xf32> to vector<1x640x128xf32>
    tpu.vector_store %arg10[%swap3A_221, %swap3A_222, %swap3A_223], %swap3A_226 {strides = array<i32>} : memref<8x640x128xf32, #tpu.memory_space<vmem>>, vector<1x640x128xf32>,
    %slice3A_227 = vector.extract_strided_slice %get3A_180 {offsets = [0, 2], sizes = [640, 1], strides = [1, 1]} : vector<640x3xf32> to vector<640x1xf32>
    %slice3A_228 = vector.extract_strided_slice %bitcast_convert_type3A {offsets = [0, 768], sizes = [640, 128], strides = [1, 1]} : vector<640x896xf32> to vector<640x128xf32>
    %mul3A_229 = arith.mulf %slice3A_228, %mul3A_168 : vector<640x128xf32>
    %mul3A_230 = vector.broadcast %slice3A_227 : vector<640x1xf32> to vector<640x128xf32>
    %mul3A_231 = arith.mulf %mul3A_230, %mul3A_174 : vector<640x128xf32>
    %add3A_232 = arith.addf %mul3A_229, %mul3A_231 : vector<640x128xf32>
    %swap3A_233 = arith.constant 6 : index
    %swap3A_234 = arith.constant 0 : index
    %swap3A_235 = arith.constant 0 : index
    %swap3A_236 = vector.load %arg10[%swap3A_233, %swap3A_234, %swap3A_235] : memref<8x640x128xf32, #tpu.memory_space<vmem>>, vector<1x640x128xf32>
    %swap3A_237 = vector.shape_cast %swap3A_236 : vector<1x640x128xf32> to vector<640x128xf32>
    %swap3A_238 = vector.shape_cast %add3A_232 : vector<640x128xf32> to vector<1x640x128xf32>
    tpu.vector_store %arg10[%swap3A_233, %swap3A_234, %swap3A_235], %swap3A_238 {strides = array<i32>} : memref<8x640x128xf32, #tpu.memory_space<vmem>>, vector<1x640x128xf32>,
    %slice3A_239 = vector.extract_strided_slice %bitcast_convert_type3A_39 {offsets = [0, 768], sizes = [640, 128], strides = [1, 1]} : vector<640x896xf32> to vector<640x128xf32>
    %mul3A_240 = arith.mulf %slice3A_239, %mul3A_171 : vector<640x128xf32>
    %mul3A_241 = vector.broadcast %slice3A_227 : vector<640x1xf32> to vector<640x128xf32>
    %mul3A_242 = arith.mulf %mul3A_241, %mul3A_177 : vector<640x128xf32>
    %add3A_243 = arith.addf %mul3A_240, %mul3A_242 : vector<640x128xf32>
    %swap3A_244 = arith.constant 7 : index
    %swap3A_245 = arith.constant 0 : index
    %swap3A_246 = arith.constant 0 : index
    %swap3A_247 = vector.load %arg10[%swap3A_244, %swap3A_245, %swap3A_246] : memref<8x640x128xf32, #tpu.memory_space<vmem>>, vector<1x640x128xf32>
    %swap3A_248 = vector.shape_cast %swap3A_247 : vector<1x640x128xf32> to vector<640x128xf32>
    %swap3A_249 = vector.shape_cast %add3A_243 : vector<640x128xf32> to vector<1x640x128xf32>
    tpu.vector_store %arg10[%swap3A_244, %swap3A_245, %swap3A_246], %swap3A_249 {strides = array<i32>} : memref<8x640x128xf32, #tpu.memory_space<vmem>>, vector<1x640x128xf32>,
    return
  }
  func.func @transform_0(%arg0: i32) -> (i32, i32) {
    %add3A = arith.constant 125 : i32
    %add3A_0 = arith.addi %arg0, %add3A : i32
    %c0_i32 = arith.constant 0 : i32
    %c0_i32_1 = arith.constant 0 : i32
    return %add3A_0, %c0_i32 : i32, i32
  }
  func.func @transform_1(%arg0: i32) -> (i32, i32) {
    %add3A = arith.constant 125 : i32
    %add3A_0 = arith.addi %arg0, %add3A : i32
    %c0_i32 = arith.constant 0 : i32
    %c0_i32_1 = arith.constant 0 : i32
    return %add3A_0, %c0_i32 : i32, i32
  }
  func.func @transform_2(%arg0: i32) -> (i32, i32) {
    %add3A = arith.constant 125 : i32
    %add3A_0 = arith.addi %arg0, %add3A : i32
    %c0_i32 = arith.constant 0 : i32
    %c0_i32_1 = arith.constant 0 : i32
    return %add3A_0, %c0_i32 : i32, i32
  }
  func.func @transform_3(%arg0: i32) -> (i32, i32) {
    %add3A = arith.constant 125 : i32
    %add3A_0 = arith.addi %arg0, %add3A : i32
    %c0_i32 = arith.constant 0 : i32
    %c0_i32_1 = arith.constant 0 : i32
    return %add3A_0, %c0_i32 : i32, i32
  }
  func.func @transform_4(%arg0: i32) -> (i32, i32) {
    %add3A = arith.constant 125 : i32
    %add3A_0 = arith.addi %arg0, %add3A : i32
    %c0_i32 = arith.constant 0 : i32
    %c0_i32_1 = arith.constant 0 : i32
    return %add3A_0, %c0_i32 : i32, i32
  }
  func.func @transform_5(%arg0: i32) -> (i32, i32) {
    %c0_i32 = arith.constant 0 : i32
    %c0_i32_0 = arith.constant 0 : i32
    %c0_i32_1 = arith.constant 0 : i32
    return %c0_i32, %c0_i32_0 : i32, i32
  }
  func.func @transform_6(%arg0: i32) -> (i32, i32) {
    %c0_i32 = arith.constant 0 : i32
    %c0_i32_0 = arith.constant 0 : i32
    %c0_i32_1 = arith.constant 0 : i32
    return %c0_i32, %c0_i32_0 : i32, i32
  }
  func.func @transform_7(%arg0: i32) -> (i32, i32) {
    %c0_i32 = arith.constant 0 : i32
    %c0_i32_0 = arith.constant 0 : i32
    %c0_i32_1 = arith.constant 0 : i32
    return %c0_i32, %c0_i32_0 : i32, i32
  }
  func.func @transform_8(%arg0: i32) -> (i32, i32) {
    %c0_i32 = arith.constant 0 : i32
    %c0_i32_0 = arith.constant 0 : i32
    %c0_i32_1 = arith.constant 0 : i32
    return %c0_i32, %c0_i32_0 : i32, i32
  }
  func.func @transform_9(%arg0: i32) -> (i32, i32, i32) {
    %c0_i32 = arith.constant 0 : i32
    %c0_i32_0 = arith.constant 0 : i32
    %c0_i32_1 = arith.constant 0 : i32
    return %c0_i32, %arg0, %c0_i32_0 : i32, i32, i32
  }
}

module attributes {stable_mosaic.version = 14 : i64} {
  func.func @_node_post_body(%arg0: i32, %arg1: memref<8x400x128xf32, #tpu.memory_space<vmem>>, %arg2: memref<400x256xf32, #tpu.memory_space<vmem>>, %arg3: memref<400x768xf32, #tpu.memory_space<vmem>>, %arg4: memref<256x768xf32, #tpu.memory_space<vmem>>, %arg5: memref<1x768xf32, #tpu.memory_space<vmem>>, %arg6: memref<400x256xf32, #tpu.memory_space<vmem>>, %arg7: memref<400x768xf32, #tpu.memory_space<vmem>>) attributes {dimension_semantics = [#tpu.dimension_semantics<arbitrary>], iteration_bounds = array<i64: 25>, scalar_prefetch = 0 : i64, scratch_operands = 0 : i64, tpu.core_type = #tpu.core_type<tc>, window_params = [{transform_indices = @transform_0, window_bounds = array<i64: 8, 400, 128>}, {transform_indices = @transform_1, window_bounds = array<i64: 400, 256>}, {transform_indices = @transform_2, window_bounds = array<i64: 400, 768>}, {pipeline_mode = #tpu.pipeline_mode<synchronous>, transform_indices = @transform_3, window_bounds = array<i64: 256, 768>}, {pipeline_mode = #tpu.pipeline_mode<synchronous>, transform_indices = @transform_4, window_bounds = array<i64: 1, 768>}, {transform_indices = @transform_5, window_bounds = array<i64: 400, 256>}, {transform_indices = @transform_6, window_bounds = array<i64: 400, 768>}]} {
    %get3A = arith.constant 0 : index
    %get3A_0 = arith.constant 0 : index
    %get3A_1 = arith.constant 0 : index
    %get3A_2 = vector.load %arg1[%get3A, %get3A_0, %get3A_1] : memref<8x400x128xf32, #tpu.memory_space<vmem>>, vector<8x400x128xf32>
    %slice3A = vector.extract_strided_slice %get3A_2 {offsets = [0, 0, 0], sizes = [1, 400, 128], strides = [1, 1, 1]} : vector<8x400x128xf32> to vector<1x400x128xf32>
    %squeeze3A = vector.shape_cast %slice3A : vector<1x400x128xf32> to vector<400x128xf32>
    %slice3A_3 = vector.extract_strided_slice %get3A_2 {offsets = [1, 0, 0], sizes = [1, 400, 128], strides = [1, 1, 1]} : vector<8x400x128xf32> to vector<1x400x128xf32>
    %squeeze3A_4 = vector.shape_cast %slice3A_3 : vector<1x400x128xf32> to vector<400x128xf32>
    %concatenate3A = tpu.concatenate %squeeze3A, %squeeze3A_4 in 1 : vector<400x128xf32>, vector<400x128xf32> -> vector<400x256xf32>
    %get3A_5 = arith.constant 0 : index
    %get3A_6 = arith.constant 0 : index
    %get3A_7 = vector.load %arg4[%get3A_5, %get3A_6] : memref<256x768xf32, #tpu.memory_space<vmem>>, vector<256x768xf32>
    %dot_general3A = arith.constant dense<0.000000e+00> : vector<400x768xf32>
    %dot_general3A_8 = tpu.matmul %concatenate3A, %get3A_7, %dot_general3A {dimension_numbers = #tpu.dot_dimension_numbers<[1], [0], [0], [1], [0, 0, 1, 1], [], []>, transpose_lhs_hint = false} : vector<400x256xf32>, vector<256x768xf32>, vector<400x768xf32> -> vector<400x768xf32>
    %get3A_9 = arith.constant 0 : index
    %get3A_10 = arith.constant 0 : index
    %get3A_11 = vector.load %arg5[%get3A_9, %get3A_10] : memref<1x768xf32, #tpu.memory_space<vmem>>, vector<1x768xf32>
    %add3A = vector.broadcast %get3A_11 : vector<1x768xf32> to vector<400x768xf32>
    %add3A_12 = arith.addf %dot_general3A_8, %add3A : vector<400x768xf32>
    %slice3A_13 = vector.extract_strided_slice %add3A_12 {offsets = [0, 0], sizes = [400, 256], strides = [1, 1]} : vector<400x768xf32> to vector<400x256xf32>
    %slice3A_14 = vector.extract_strided_slice %add3A_12 {offsets = [0, 256], sizes = [400, 256], strides = [1, 1]} : vector<400x768xf32> to vector<400x256xf32>
    %slice3A_15 = vector.extract_strided_slice %add3A_12 {offsets = [0, 512], sizes = [400, 256], strides = [1, 1]} : vector<400x768xf32> to vector<400x256xf32>
    %get3A_16 = arith.constant 0 : index
    %get3A_17 = arith.constant 0 : index
    %get3A_18 = vector.load %arg2[%get3A_16, %get3A_17] : memref<400x256xf32, #tpu.memory_space<vmem>>, vector<400x256xf32>
    %mul3A = arith.mulf %get3A_18, %slice3A_14 : vector<400x256xf32>
    %add3A_19 = arith.addf %mul3A, %slice3A_15 : vector<400x256xf32>
    %swap3A = arith.constant 0 : index
    %swap3A_20 = arith.constant 0 : index
    %swap3A_21 = vector.load %arg6[%swap3A, %swap3A_20] : memref<400x256xf32, #tpu.memory_space<vmem>>, vector<400x256xf32>
    tpu.vector_store %arg6[%swap3A, %swap3A_20], %add3A_19 {strides = array<i32>} : memref<400x256xf32, #tpu.memory_space<vmem>>, vector<400x256xf32>,
    %iota3A = tpu.iota {dimensions = array<i32: 0>} : vector<256x256xi32>
    %iota3A_22 = tpu.iota {dimensions = array<i32: 1>} : vector<256x256xi32>
    %mul3A_23 = arith.constant 2 : i32
    %mul3A_24 = vector.broadcast %mul3A_23 : i32 to vector<256x256xi32>
    %mul3A_25 = arith.muli %mul3A_24, %iota3A : vector<256x256xi32>
    %ge3A = arith.constant 128 : i32
    %ge3A_26 = vector.broadcast %ge3A : i32 to vector<256x256xi32>
    %ge3A_27 = arith.cmpi sge, %iota3A, %ge3A_26 : vector<256x256xi32>
    %convert_element_type3A = arith.extui %ge3A_27 : vector<256x256xi1> to vector<256x256xi32>
    %mul3A_28 = arith.constant 255 : i32
    %mul3A_29 = vector.broadcast %mul3A_28 : i32 to vector<256x256xi32>
    %mul3A_30 = arith.muli %mul3A_29, %convert_element_type3A : vector<256x256xi32>
    %sub3A = arith.subi %mul3A_25, %mul3A_30 : vector<256x256xi32>
    %eq3A = arith.cmpi eq, %iota3A_22, %sub3A : vector<256x256xi32>
    %convert_element_type3A_31 = arith.extui %eq3A : vector<256x256xi1> to vector<256x256xi32>
    %convert_element_type3A_32 = arith.sitofp %convert_element_type3A_31 : vector<256x256xi32> to vector<256x256xf32>
    %get3A_33 = arith.constant 0 : index
    %get3A_34 = arith.constant 0 : index
    %get3A_35 = vector.load %arg3[%get3A_33, %get3A_34] : memref<400x768xf32, #tpu.memory_space<vmem>>, vector<400x768xf32>
    %slice3A_36 = vector.extract_strided_slice %get3A_2 {offsets = [2, 0, 0], sizes = [1, 400, 128], strides = [1, 1, 1]} : vector<8x400x128xf32> to vector<1x400x128xf32>
    %squeeze3A_37 = vector.shape_cast %slice3A_36 : vector<1x400x128xf32> to vector<400x128xf32>
    %slice3A_38 = vector.extract_strided_slice %get3A_2 {offsets = [3, 0, 0], sizes = [1, 400, 128], strides = [1, 1, 1]} : vector<8x400x128xf32> to vector<1x400x128xf32>
    %squeeze3A_39 = vector.shape_cast %slice3A_38 : vector<1x400x128xf32> to vector<400x128xf32>
    %concatenate3A_40 = tpu.concatenate %squeeze3A_37, %squeeze3A_39 in 1 : vector<400x128xf32>, vector<400x128xf32> -> vector<400x256xf32>
    %dot_general3A_41 = arith.constant dense<0.000000e+00> : vector<400x256xf32>
    %dot_general3A_42 = tpu.matmul %concatenate3A_40, %convert_element_type3A_32, %dot_general3A_41 {dimension_numbers = #tpu.dot_dimension_numbers<[1], [0], [0], [1], [0, 0, 1, 1], [], []>, transpose_lhs_hint = false} : vector<400x256xf32>, vector<256x256xf32>, vector<400x256xf32> -> vector<400x256xf32>
    %slice3A_43 = vector.extract_strided_slice %get3A_35 {offsets = [0, 0], sizes = [400, 256], strides = [1, 1]} : vector<400x768xf32> to vector<400x256xf32>
    %mul3A_44 = arith.mulf %slice3A_43, %slice3A_13 : vector<400x256xf32>
    %add3A_45 = arith.addf %mul3A_44, %dot_general3A_42 : vector<400x256xf32>
    %swap3A_46 = arith.constant 0 : index
    %swap3A_47 = arith.constant 0 : index
    %swap3A_48 = vector.load %arg7[%swap3A_46, %swap3A_47] : memref<400x768xf32, #tpu.memory_space<vmem>>, vector<400x256xf32>
    tpu.vector_store %arg7[%swap3A_46, %swap3A_47], %add3A_45 {strides = array<i32>} : memref<400x768xf32, #tpu.memory_space<vmem>>, vector<400x256xf32>,
    %slice3A_49 = vector.extract_strided_slice %get3A_2 {offsets = [4, 0, 0], sizes = [1, 400, 128], strides = [1, 1, 1]} : vector<8x400x128xf32> to vector<1x400x128xf32>
    %squeeze3A_50 = vector.shape_cast %slice3A_49 : vector<1x400x128xf32> to vector<400x128xf32>
    %slice3A_51 = vector.extract_strided_slice %get3A_2 {offsets = [5, 0, 0], sizes = [1, 400, 128], strides = [1, 1, 1]} : vector<8x400x128xf32> to vector<1x400x128xf32>
    %squeeze3A_52 = vector.shape_cast %slice3A_51 : vector<1x400x128xf32> to vector<400x128xf32>
    %concatenate3A_53 = tpu.concatenate %squeeze3A_50, %squeeze3A_52 in 1 : vector<400x128xf32>, vector<400x128xf32> -> vector<400x256xf32>
    %dot_general3A_54 = arith.constant dense<0.000000e+00> : vector<400x256xf32>
    %dot_general3A_55 = tpu.matmul %concatenate3A_53, %convert_element_type3A_32, %dot_general3A_54 {dimension_numbers = #tpu.dot_dimension_numbers<[1], [0], [0], [1], [0, 0, 1, 1], [], []>, transpose_lhs_hint = false} : vector<400x256xf32>, vector<256x256xf32>, vector<400x256xf32> -> vector<400x256xf32>
    %slice3A_56 = vector.extract_strided_slice %get3A_35 {offsets = [0, 256], sizes = [400, 256], strides = [1, 1]} : vector<400x768xf32> to vector<400x256xf32>
    %mul3A_57 = arith.mulf %slice3A_56, %slice3A_13 : vector<400x256xf32>
    %add3A_58 = arith.addf %mul3A_57, %dot_general3A_55 : vector<400x256xf32>
    %swap3A_59 = arith.constant 0 : index
    %swap3A_60 = arith.constant 256 : index
    %swap3A_61 = vector.load %arg7[%swap3A_59, %swap3A_60] : memref<400x768xf32, #tpu.memory_space<vmem>>, vector<400x256xf32>
    tpu.vector_store %arg7[%swap3A_59, %swap3A_60], %add3A_58 {strides = array<i32>} : memref<400x768xf32, #tpu.memory_space<vmem>>, vector<400x256xf32>,
    %slice3A_62 = vector.extract_strided_slice %get3A_2 {offsets = [6, 0, 0], sizes = [1, 400, 128], strides = [1, 1, 1]} : vector<8x400x128xf32> to vector<1x400x128xf32>
    %squeeze3A_63 = vector.shape_cast %slice3A_62 : vector<1x400x128xf32> to vector<400x128xf32>
    %slice3A_64 = vector.extract_strided_slice %get3A_2 {offsets = [7, 0, 0], sizes = [1, 400, 128], strides = [1, 1, 1]} : vector<8x400x128xf32> to vector<1x400x128xf32>
    %squeeze3A_65 = vector.shape_cast %slice3A_64 : vector<1x400x128xf32> to vector<400x128xf32>
    %concatenate3A_66 = tpu.concatenate %squeeze3A_63, %squeeze3A_65 in 1 : vector<400x128xf32>, vector<400x128xf32> -> vector<400x256xf32>
    %dot_general3A_67 = arith.constant dense<0.000000e+00> : vector<400x256xf32>
    %dot_general3A_68 = tpu.matmul %concatenate3A_66, %convert_element_type3A_32, %dot_general3A_67 {dimension_numbers = #tpu.dot_dimension_numbers<[1], [0], [0], [1], [0, 0, 1, 1], [], []>, transpose_lhs_hint = false} : vector<400x256xf32>, vector<256x256xf32>, vector<400x256xf32> -> vector<400x256xf32>
    %slice3A_69 = vector.extract_strided_slice %get3A_35 {offsets = [0, 512], sizes = [400, 256], strides = [1, 1]} : vector<400x768xf32> to vector<400x256xf32>
    %mul3A_70 = arith.mulf %slice3A_69, %slice3A_13 : vector<400x256xf32>
    %add3A_71 = arith.addf %mul3A_70, %dot_general3A_68 : vector<400x256xf32>
    %swap3A_72 = arith.constant 0 : index
    %swap3A_73 = arith.constant 512 : index
    %swap3A_74 = vector.load %arg7[%swap3A_72, %swap3A_73] : memref<400x768xf32, #tpu.memory_space<vmem>>, vector<400x256xf32>
    tpu.vector_store %arg7[%swap3A_72, %swap3A_73], %add3A_71 {strides = array<i32>} : memref<400x768xf32, #tpu.memory_space<vmem>>, vector<400x256xf32>,
    return
  }
  func.func @transform_0(%arg0: i32) -> (i32, i32, i32) {
    %c0_i32 = arith.constant 0 : i32
    %c0_i32_0 = arith.constant 0 : i32
    %c0_i32_1 = arith.constant 0 : i32
    return %c0_i32, %arg0, %c0_i32_0 : i32, i32, i32
  }
  func.func @transform_1(%arg0: i32) -> (i32, i32) {
    %c0_i32 = arith.constant 0 : i32
    %c0_i32_0 = arith.constant 0 : i32
    return %arg0, %c0_i32 : i32, i32
  }
  func.func @transform_2(%arg0: i32) -> (i32, i32) {
    %c0_i32 = arith.constant 0 : i32
    %c0_i32_0 = arith.constant 0 : i32
    return %arg0, %c0_i32 : i32, i32
  }
  func.func @transform_3(%arg0: i32) -> (i32, i32) {
    %c0_i32 = arith.constant 0 : i32
    %c0_i32_0 = arith.constant 0 : i32
    %c0_i32_1 = arith.constant 0 : i32
    return %c0_i32, %c0_i32_0 : i32, i32
  }
  func.func @transform_4(%arg0: i32) -> (i32, i32) {
    %c0_i32 = arith.constant 0 : i32
    %c0_i32_0 = arith.constant 0 : i32
    %c0_i32_1 = arith.constant 0 : i32
    return %c0_i32, %c0_i32_0 : i32, i32
  }
  func.func @transform_5(%arg0: i32) -> (i32, i32) {
    %c0_i32 = arith.constant 0 : i32
    %c0_i32_0 = arith.constant 0 : i32
    return %arg0, %c0_i32 : i32, i32
  }
  func.func @transform_6(%arg0: i32) -> (i32, i32) {
    %c0_i32 = arith.constant 0 : i32
    %c0_i32_0 = arith.constant 0 : i32
    return %arg0, %c0_i32 : i32, i32
  }
}

</mosaic_0001>

<sc_bundles>
// kernel: kernel.12.cloned.1.call-start
scs
__scs_entry_jumppad:
0x0: {  	(pc) =	sbr.rel $0x88, $3  }
0x1: {  	(tag) =	ssettag $0x0;
	lr =	simm.s32 $0x1  }
0x2: {  	[smem:$0x3F8C] =	sst lr;
	_ =	strace $0xD0000000  }
0x3: {  	_ = 	snop  }
0x4: {  	_ = 	snop  }
0x5: {  	_ = 	snop  }
0x6: {  	_ = 	snop  }
0x7: {  	_ = 	snop  }
__scs_overlays_trampoline_lowered:
0x8: {  	[smem:$0x3F9B] =	sst s0  }
0x9: {  	[smem:$0x3F9C] =	sst s1  }
0xa: {  	[smem:$0x3F9D] =	sst s2  }
0xb: {  	[smem:$0x3F9E] =	sst s3  }
0xc: {  	[smem:$0x3F9F] =	sst s4  }
0xd: {  	[smem:$0x3FA0] =	sst s5  }
0xe: {  	[smem:$0x3FA1] =	sst s6  }
0xf: {  	[smem:$0x3FA2] =	sst s7  }
0x10: {  	[smem:$0x3FA3] =	sst s8  }
0x11: {  	[smem:$0x3FA4] =	sst s9;
	s0 =	simm.s32 @!p0 $0x0  }
0x12: {  	s1 =	sld [smem:$0x3F8A];
	s0 =	simm.s32 @p0 $0x1  }
0x13: {  	[smem:$0x3FA5] =	sst s0;
	s0 =	simm.s32 @!p1 $0x0  }
0x14: {  	s2 =	sld [smem:$0x3F89];
	s0 =	simm.s32 @p1 $0x1  }
0x15: {  	[smem:$0x3FA6] =	sst s0;
	s0 =	simm.s32 @!p2 $0x0  }
0x16: {  	s3 =	sld [smem:$0x3FDB];
	s0 =	simm.s32 @p2 $0x1  }
0x17: {  	s4 =	simm.s32 $0x1BF5;
	[smem:$0x3FA8] =	sst s0  }
0x18: {  	s0 =	sld [smem:$0x3F8B];
	_ =	swait.ge [sflag:s4], $0x0  }
0x19: {  	s7 =	sld [smem:$0x3F8C]  }
0x1a: {  	s8 =	sadd.s32 $0xFFFFE003, lr  }
0x1b: {  	s9 =	sadd.s32 $0xFFFFFEF7, lr;
	s5 =	simm.s32 $0xFFFFFFFF;
	p2 =	slt.u32 s8, $0xFFFFF086  }
0x1c: {  	p1 =	slt.u32 s9, $0xF7A;
	s5 =	simm.s32 @!p2 $0x0  }
0x1d: {  	s5 =	simm.s32 @p1 $0x1;
	p0 =	seq.s32 s7, s2  }
0x1e: {  	s7 =	smul.u32 @!p0 $0xF7A, s2;
	p2 =	seq.s32 @!p0 s5, $0x0  }
0x1f: {  	s9 =	smul.u32 $0xF7A, s1;
	s8 =	simm.s32 @!p0 $0x1BF5;
	p2 =	por !p2, p0  }
0x20: {  	[sflag:s8] =	ssyncset.s32 @!p0 $0xFFFFF086;
	s6 =	sadd.s32 @!p0 s3, s7;
	s7 =	simm.s32 @!p0 $0x108  }
0x21: {  	s3 =	sadd.s32 s3, s9;
	s6 =	sadd.s32 @!p0 $0x88, s6;
	s7 =	simm.s32 @p2 $0x1082  }
0x22: {  	[simem:s7], [sflag:s8] =	dma.local @!p0 [hbm:s6], $0xF7A  }
0x23: {  	s9 =	sor.u32 $0xD0000000, s2;
	s6 =	simm.s32 $0x108;
	_ =	swait.ge @!p0 [sflag:s8], $0x0  }
0x24: {  	s3 =	sadd.s32 $0x88, s3;
	s6 =	simm.s32 @!p1 $0x1082;
	[sflag:s4] =	ssyncset.s32 $0xFFFFF086  }
0x25: {  	[simem:s6], [sflag:s4] =	dma.local [hbm:s3], $0xF7A  }
0x26: {  	[smem:$0x3F8C] =	sst s1;
	(tag) =	ssettag s2;
	_ =	strace s9  }
0x27: {  	s1 =	sld [smem:$0x3F9C]  }
0x28: {  	s2 =	sld [smem:$0x3F9D]  }
0x29: {  	s4 =	sld [smem:$0x3F9F]  }
0x2a: {  	p0 =	seq.s32 s5, $0x0;
	s5 =	sld [smem:$0x3FA0]  }
0x2b: {  	s6 =	sld [smem:$0x3FA1]  }
0x2c: {  	s7 =	sld [smem:$0x3FA2]  }
0x2d: {  	s3 =	simm.s32 $0x108;
	s8 =	sld [smem:$0x3FA3]  }
0x2e: {  	s3 =	simm.s32 @!p0 $0x1082;
	s9 =	sld [smem:$0x3FA4]  }
0x2f: {  	lr =	sadd.s32 s0, s3;
	s0 =	sld [smem:$0x3F9B]  }
0x30: {  	s3 =	sld [smem:$0x3F9E]  }
0x31: {  	[smem:$0x3FA7] =	sst s10  }
0x32: {  	s10 =	sld [smem:$0x3FA5];
	_ =	sdelay $0x3  }
0x33: {  	p0 =	seq.s32 s10, $0x1;
	s10 =	sld [smem:$0x3FA7];
	_ =	sdelay $0x3  }
0x34: {  	[smem:$0x3FA7] =	sst s10  }
0x35: {  	s10 =	sld [smem:$0x3FA6];
	_ =	sdelay $0x3  }
0x36: {  	p1 =	seq.s32 s10, $0x1;
	s10 =	sld [smem:$0x3FA7];
	_ =	sdelay $0x3  }
0x37: {  	[smem:$0x3FA7] =	sst s10  }
0x38: {  	s10 =	sld [smem:$0x3FA8]  }
0x39: {  	_ = 	snop;
	(pc) =	sbr.ind lr, $3  }
0x3a: {  	_ = 	snop  }
0x3b: {  	_ = 	snop  }
0x3c: {  	p2 =	seq.s32 s10, $0x1;
	s10 =	sld [smem:$0x3FA7]  }
0x3d: {  	_ =	shalt  }
0x3e: {  	_ =	shalt  }
0x3f: {  	_ =	shalt  }
0x40: {  	_ =	shalt  }
0x41: {  	_ =	shalt  }
0x42: {  	_ =	shalt  }
0x43: {  	_ =	shalt  }
0x44: {  	_ =	shalt  }
0x45: {  	_ =	shalt  }
0x46: {  	_ =	shalt  }
0x47: {  	_ =	shalt  }
0x48: {  	_ =	shalt  }
0x49: {  	_ =	shalt  }
0x4a: {  	_ =	shalt  }
0x4b: {  	_ =	shalt  }
0x4c: {  	_ =	shalt  }
0x4d: {  	_ =	shalt  }
0x4e: {  	_ =	shalt  }
0x4f: {  	_ =	shalt  }
0x50: {  	_ =	shalt  }
0x51: {  	_ =	shalt  }
0x52: {  	_ =	shalt  }
0x53: {  	_ =	shalt  }
0x54: {  	_ =	shalt  }
0x55: {  	_ =	shalt  }
0x56: {  	_ =	shalt  }
0x57: {  	_ =	shalt  }
0x58: {  	_ =	shalt  }
0x59: {  	_ =	shalt  }
0x5a: {  	_ =	shalt  }
0x5b: {  	_ =	shalt  }
0x5c: {  	_ =	shalt  }
0x5d: {  	_ =	shalt  }
0x5e: {  	_ =	shalt  }
0x5f: {  	_ =	shalt  }
0x60: {  	_ =	shalt  }
0x61: {  	_ =	shalt  }
0x62: {  	_ =	shalt  }
0x63: {  	_ =	shalt  }
0x64: {  	_ =	shalt  }
0x65: {  	_ =	shalt  }
0x66: {  	_ =	shalt  }
0x67: {  	_ =	shalt  }
0x68: {  	_ =	shalt  }
0x69: {  	_ =	shalt  }
0x6a: {  	_ =	shalt  }
0x6b: {  	_ =	shalt  }
0x6c: {  	_ =	shalt  }
0x6d: {  	_ =	shalt  }
0x6e: {  	_ =	shalt  }
0x6f: {  	_ =	shalt  }
0x70: {  	_ =	shalt  }
0x71: {  	_ =	shalt  }
0x72: {  	_ =	shalt  }
0x73: {  	_ =	shalt  }
0x74: {  	_ =	shalt  }
0x75: {  	_ =	shalt  }
0x76: {  	_ =	shalt  }
0x77: {  	_ =	shalt  }
0x78: {  	_ =	shalt  }
0x79: {  	_ =	shalt  }
0x7a: {  	_ =	shalt  }
0x7b: {  	_ =	shalt  }
0x7c: {  	_ =	shalt  }
0x7d: {  	_ =	shalt  }
0x7e: {  	_ =	shalt  }
0x7f: {  	_ =	shalt  }
0x80: {  	_ =	shalt  }
0x81: {  	_ =	shalt  }
0x82: {  	_ =	shalt  }
0x83: {  	_ =	shalt  }
0x84: {  	_ =	shalt  }
0x85: {  	_ =	shalt  }
0x86: {  	_ =	shalt  }
0x87: {  	_ =	shalt  }
.Lfunc_end0:
.L_simem_size_0:
called_computation.1_lowered:
.L_overlay_start_0:
0x88: {  	s2 =	sld [smem:$0x3FD9]  }
0x89: {  	s3 =	sld [smem:$0x3FFE];
	_ =	sdelay $0x1  }
0x8a: {  	s1 =	srdreg.scid  }
0x8b: {  	s0 =	sand.u32 $0x1, s1  }
0x8c: {  	s16 =	sshll.u32 s0, $0xA;
	s2 =	sadd.s32 s3, s2  }
0x8d: {  	s2 =	sadd.s32 s2, s16  }
0x8e: {  	[smem:$0x3FB3] =	sst s2  }
0x8f: {  	_ = 	snop  }
0x90: {  	(tm) =	ssettm $0x1  }
0x91: {  	s17 =	sld [smem:$0x3FFB];
	_ =	sdelay $0x3  }
0x92: {  	_ =	strace s17  }
0x93: {  	s2 =	sld [smem:$0x3FFC];
	_ =	sdelay $0x3  }
0x94: {  	_ =	strace s2  }
0x95: {  	s2 =	sld [smem:$0x3FFD];
	_ =	sdelay $0x3  }
0x96: {  	_ =	strace s2  }
0x97: {  	_ =	strace $0x8FFFFFFF  }
0x98: {  	s18 =	sld [smem:$0x3FDB];
	_ =	sdelay $0x1  }
0x99: {  	s19 =	simm.s32 $_scs_section_size  }
0x9a: {  	s4 =	simm.s32 $_size__tile_overlayer_lowered;
	s5 =	simm.s32 $_tile_overlayer_lowered  }
0x9b: {  	s22 =	simm.s32 $0x1BFF;
	s21 =	sshll.u32 s5, $0x1;
	s2 =	sadd.s32 s19, s18  }
0x9c: {  	s6 =	simm.s32 $0x0;
	s20 =	sshll.u32 s4, $0x1;
	s4 =	sadd.s32 s21, s2  }
0x9d: {  	[timem:s6], [sflag:s22] =	dma.local [hbm:s4], s20  }
0x9e: {  	_ =	swait.ge [sflag:s22], s20  }
0x9f: {  	s3 =	ssub.s32 $0x0, s20;
	[sflag:s22] =	ssyncset.done $0x0  }
0xa0: {  	[sflag:s22] =	ssyncadd.s32 s3;
	_ =	sdelay $0x1  }
0xa1: {  	s23 =	simm.s32 $0x1B8B  }
0xa2: {  	_ =	swait.ge [sflag:s23], $0x1  }
0xa3: {  	[sflag:s23] =	ssyncset.done $0x0  }
0xa4: {  	s25 =	simm.s32 $0x1B8E;
	s24 =	sld [smem:$0x3FFE];
	[sflag:s23] =	ssyncadd.s32 $0xFFFFFFFF  }
0xa5: {  	s26 =	simm.s32 $execute0_lowered;
	[smem:$0x3FD2] =	sst s25  }
0xa6: {  	s4 =	sshll.u32 s26, $0x1;
	_ =	strace $0x80000049;
	[dreg:$0x1] =	wrdreg $0xFFFFFFFF  }
0xa7: {  	s28 =	simm.s32 $_size_execute0_lowered;
	s2 =	sadd.s32 s2, s4;
	[dreg:$0x0] =	wrdreg $0x0  }
0xa8: {  	s4 =	sshll.u32 s28, $0x1;
	[dreg:$0x2] =	wrdreg s2  }
0xa9: {  	[dreg:$0x3] =	wrdreg s4  }
0xaa: {  	[dreg:$0x4] =	wrdreg $0xC0  }
0xab: {  	_ =	task [dreg:s6], $0x5FFFF  }
0xac: {  	[dreg:$0x1] =	wrdreg $0xFFFFFFFF  }
0xad: {  	[dreg:$0x0] =	wrdreg $0x60  }
0xae: {  	[dreg:$0x2] =	wrdreg s24  }
0xaf: {  	[dreg:$0x3] =	wrdreg $0x68000  }
0xb0: {  	[dreg:$0x4] =	wrdreg $0x9  }
0xb1: {  	_ =	task.clear_ibuf [dreg:s6], $0x5FFFF;
	_ =	strace $0x90000049  }
0xb2: {  	s29 =	simm.s32 $0x9;
	_ =	strace $0x8000004B  }
0xb3: {  	_ =	swait.ge [sflag:s29], $0x1  }
0xb4: {  	[sflag:s29] =	ssyncadd.s32 $0xFFFFFFFF  }
0xb5: {  	_ =	strace $0x9000004B  }
0xb6: {  	_ =	sfence  }
0xb7: {  	s30 =	sld [smem:$0x0];
	_ =	sdelay $0x2  }
0xb8: {  	s31 =	sshll.u32 s1, $0xD;
	s1 =	sshrl.u32 s1, $0x2  }
0xb9: {  	s3 =	sand.u32 $0x4000, s31;
	s1 =	sadd.s32 s1, s30  }
0xba: {  	s0 =	sor.u32 s3, s0;
	s1 =	sshll.u32 s1, $0x11  }
0xbb: {  	s0 =	sor.u32 s1, s0  }
0xbc: {  	s0 =	sadd.s32 $0x8F2B, s0  }
0xbd: {  	[sflag:s0] =	ssyncadd.remote.s32 $0x1  }
0xbe: {  	_ =	sfence.sel $0xFFFF  }
0xbf: {  	[dreg:$0x0] =	wrdreg $0xFFFFFFFF;
	(pc) =	sbr.abs _section_cstart, $3  }
0xc0: {  	[dreg:$0x1] =	wrdreg $0xFFFFFFFF  }
0xc1: {  	_ =	task.clear_ibuf [dreg:s6], $0x2FFFF;
	_ =	strace $0x9FFFFFFF  }
0xc2: {  	(tm) =	ssettm $0x7FFFFFFF  }
0xc3: {  	_ =	shalt  }
tec
execute0_lowered:
.L_overlay_start_1:
0x0: {  	(tag) =	ssettag $0x1  }
0x1: {  	s0 =	rddreg [dreg:$0x0]  }
0x2: {  	s2 =	rddreg [dreg:$0x1];
	s3 =	simm.s32 $0x0;
	s13 =	stileid.u32  }
0x3: {  	s1 =	srdreg.scid;
	s31 =	simm.s32 $0x1;
	s8 =	smul.u32 $0x14000, s13  }
0x4: {  	[smem:$0x7FF] =	sst s3;
	s4 =	sshll.u32 s13, $0xB;
	s18 =	smul.u32 $0x50000, s13  }
0x5: {  	s1 =	sand.u32 $0x1, s1;
	s5 =	sadd.s32 $0x1CEDC00, s0;
	s22 =	smul.u32 $0x9C400, s13  }
0x6: {  	_ =	strace $0x8000004A;
	s4 =	sadd.s32 s4, s0;
	s7 =	smul.u32 $0x2710000, s1  }
0x7: {  	s0 =	sadd.s32 $0x26B1C00, s0;
	s6 =	ssub.s32 $0x2, s1;
	s10 =	sshll.u32 s1, $0x2  }
0x8: {  	s11 =	smul.u32 $0x500000, s1;
	s1 =	sshllo.u32 s1, $0x2;
	s9 =	sshrl.u32 s6, $0x1  }
0x9: {  	s12 =	sor.u32 $0x1, s10;
	s4 =	sadd.s32 $0x1CE5C00, s4;
	s10 =	sor.u32 $0x2, s10  }
0xa: {  	s1 =	smul.u32 $0x140000, s1;
	s9 =	ssub.s32 s6, s9;
	[dreg:$0x3] =	wrdreg s4  }
0xb: {  	s19 =	smul.u32 $0x140000, s12;
	s11 =	sadd.s32 s8, s11;
	s6 =	sshrl.u32 s18, $0x2  }
0xc: {  	s10 =	smul.u32 $0x140000, s10;
	s11 =	sshrl.u32 s11, $0x3;
	s6 =	sadd.s32 s6, s2  }
0xd: {  	s1 =	sadd.s32 s8, s1;
	s21 =	smax.u32 s9, $0x1;
	s11 =	sadd.s32 s0, s11  }
0xe: {  	s4 =	sadd.s32 s8, s19;
	s10 =	sadd.s32 s8, s10;
	s1 =	sshrl.u32 s1, $0x3  }
0xf: {  	[dreg:$0x8] =	wrdreg s21;
	s12 =	sadd.s32 $0x2800, s6;
	s13 =	sadd.s32 $0x3C00, s6  }
0x10: {  	s14 =	sadd.s32 $0x5000, s6;
	s15 =	sadd.s32 $0x6400, s6;
	s16 =	sadd.s32 $0x7800, s6  }
0x11: {  	s17 =	sadd.s32 $0x8C00, s6;
	s18 =	sadd.s32 $0xA000, s6;
	s19 =	sadd.s32 $0xB400, s6  }
0x12: {  	s28 =	sadd.s32 $0x10400, s6;
	s29 =	sadd.s32 $0x11800, s6;
	s4 =	sshrl.u32 s4, $0x3  }
0x13: {  	[dreg:$0x4] =	wrdreg s11;
	s20 =	sshrl.u32 s10, $0x3;
	s4 =	sadd.s32 s0, s4  }
0x14: {  	s30 =	sadd.s32 $0x12C00, s6;
	[dreg:$0x5] =	wrdreg s4;
	s4 =	sadd.s32 s0, s20  }
0x15: {  	s11 =	sadd.s32 $0x1400, s6;
	s0 =	sadd.s32 s0, s1;
	[dreg:$0x6] =	wrdreg s4  }
0x16: {  	s20 =	sadd.s32 $0xC800, s6;
	[dreg:$0x7] =	wrdreg s0;
	s0 =	sadd.s32 s22, s7  }
0x17: {  	s4 =	simm.s32 $0x28;
	s23 =	sshrl.u32 s0, $0x3;
	s24 =	sadd.s32 $0x9C4000, s0  }
0x18: {  	s25 =	sadd.s32 $0x1388000, s0;
	s0 =	sadd.s32 $0x1D4C000, s0;
	s1 =	sadd.s32 s23, s5  }
0x19: {  	s26 =	sshrl.u32 s25, $0x3;
	s0 =	sshrl.u32 s0, $0x3;
	s25 =	sadd.s32 $0xDC00, s6  }
0x1a: {  	[dreg:$0x9] =	wrdreg s1;
	s1 =	sshrl.u32 s24, $0x3;
	s23 =	sadd.s32 s26, s5  }
0x1b: {  	s24 =	sadd.s32 s0, s5;
	s26 =	sadd.s32 $0xF000, s6;
	s0 =	simm.s32 $0x5400  }
0x1c: {  	v0 =	vimm.f32 $0.0e+00;
	s10 =	sadd.s32 s1, s5;
	s1 =	simm.s32 $0x4000;
	s5 =	simm.s32 $0x0  }
.LBB2_1:
0x1d: {  	s7 =	sand.u32 $0x7E00, s3  }
0x1e: {  	s8 =	sand.u32 $0x70, s3;
	s9 =	sshrl.u32 s7, $0x2  }
0x1f: {  	s7 =	simm.s32 $0x40;
	s9 =	sor.u32 s8, s9;
	s8 =	simm.s32 $0x0  }
.LBB2_2:
0x20: {  	p0 =	sne.s32 s7, $0x4FC0  }
0x21: {  	[tilespmem:s9+$0x5400] =	vst v0;
	s8 =	sadd.s32 $0x10, s8;
	s9 =	smov.u32 s7;
	s7 =	sadd.s32 $0x40, s7  }
.Ltmp0:
0x22: {  	(pc) =	sbr.rel @p0 .LBB2_2-.Ltmp0, $4  }
0x23: {  	_ = 	snop  }
0x24: {  	s9 =	sand.u32 $0x7E00, s9  }
0x25: {  	s22 =	sand.u32 $0x70, s8;
	s9 =	sshrl.u32 s9, $0x2  }
0x26: {  	s9 =	sor.u32 s22, s9  }
0x27: {  	[tilespmem:s9+$0x5400] =	vst v0;
	s7 =	simm.s32 $0x0;
	s8 =	rddreg [dreg:$0x3]  }
0x28: {  	[tilespmem:s7], [sflag:$0x1] =	stream.linear.gather [hbm4b:s8+s7], $0x3E80, $0x38;
	[tilespmem:$0x1A800] =	vst v63  }
0x29: {  	_ =	swait.ge [sflag:s31], $0x3E80  }
0x2a: {  	[sflag:s31] =	ssyncset.done $0x0  }
0x2b: {  	[sflag:s31] =	ssyncadd.s32 $0xFFFFC180  }
0x2c: {  	[spmem:s6] =	stream.linear.scatter [tilespmem:s0], [sflag:$0x1], $0x1400, $0x38;
	[tilespmem:$0x1A800] =	vst v63  }
0x2d: {  	_ =	swait.ge [sflag:s31], $0x1400  }
0x2e: {  	[sflag:s31] =	ssyncset.done $0x0  }
0x2f: {  	[sflag:s31] =	ssyncadd.s32 $0xFFFFEC00  }
0x30: {  	[spmem:s11] =	stream.linear.scatter [tilespmem:s0], [sflag:$0x1], $0x1400, $0x38;
	[tilespmem:$0x1A800] =	vst v63  }
0x31: {  	_ =	swait.ge [sflag:s31], $0x1400  }
0x32: {  	[sflag:s31] =	ssyncset.done $0x0  }
0x33: {  	[sflag:s31] =	ssyncadd.s32 $0xFFFFEC00  }
0x34: {  	[spmem:s12] =	stream.linear.scatter [tilespmem:s0], [sflag:$0x1], $0x1400, $0x38;
	[tilespmem:$0x1A800] =	vst v63  }
0x35: {  	_ =	swait.ge [sflag:s31], $0x1400  }
0x36: {  	[sflag:s31] =	ssyncset.done $0x0  }
0x37: {  	[sflag:s31] =	ssyncadd.s32 $0xFFFFEC00  }
0x38: {  	[spmem:s13] =	stream.linear.scatter [tilespmem:s0], [sflag:$0x1], $0x1400, $0x38;
	[tilespmem:$0x1A800] =	vst v63  }
0x39: {  	_ =	swait.ge [sflag:s31], $0x1400  }
0x3a: {  	[sflag:s31] =	ssyncset.done $0x0  }
0x3b: {  	[sflag:s31] =	ssyncadd.s32 $0xFFFFEC00  }
0x3c: {  	[spmem:s14] =	stream.linear.scatter [tilespmem:s0], [sflag:$0x1], $0x1400, $0x38;
	[tilespmem:$0x1A800] =	vst v63  }
0x3d: {  	_ =	swait.ge [sflag:s31], $0x1400  }
0x3e: {  	[sflag:s31] =	ssyncset.done $0x0  }
0x3f: {  	[sflag:s31] =	ssyncadd.s32 $0xFFFFEC00  }
0x40: {  	[spmem:s15] =	stream.linear.scatter [tilespmem:s0], [sflag:$0x1], $0x1400, $0x38;
	[tilespmem:$0x1A800] =	vst v63  }
0x41: {  	_ =	swait.ge [sflag:s31], $0x1400  }
0x42: {  	[sflag:s31] =	ssyncset.done $0x0  }
0x43: {  	[sflag:s31] =	ssyncadd.s32 $0xFFFFEC00  }
0x44: {  	[spmem:s16] =	stream.linear.scatter [tilespmem:s0], [sflag:$0x1], $0x1400, $0x38;
	[tilespmem:$0x1A800] =	vst v63  }
0x45: {  	_ =	swait.ge [sflag:s31], $0x1400  }
0x46: {  	[sflag:s31] =	ssyncset.done $0x0  }
0x47: {  	[sflag:s31] =	ssyncadd.s32 $0xFFFFEC00  }
0x48: {  	[spmem:s17] =	stream.linear.scatter [tilespmem:s0], [sflag:$0x1], $0x1400, $0x38;
	[tilespmem:$0x1A800] =	vst v63  }
0x49: {  	_ =	swait.ge [sflag:s31], $0x1400  }
0x4a: {  	[sflag:s31] =	ssyncset.done $0x0  }
0x4b: {  	[sflag:s31] =	ssyncadd.s32 $0xFFFFEC00  }
0x4c: {  	[spmem:s18] =	stream.linear.scatter [tilespmem:s0], [sflag:$0x1], $0x1400, $0x38;
	[tilespmem:$0x1A800] =	vst v63  }
0x4d: {  	_ =	swait.ge [sflag:s31], $0x1400  }
0x4e: {  	[sflag:s31] =	ssyncset.done $0x0  }
0x4f: {  	[sflag:s31] =	ssyncadd.s32 $0xFFFFEC00  }
0x50: {  	[spmem:s19] =	stream.linear.scatter [tilespmem:s0], [sflag:$0x1], $0x1400, $0x38;
	[tilespmem:$0x1A800] =	vst v63  }
0x51: {  	_ =	swait.ge [sflag:s31], $0x1400  }
0x52: {  	[sflag:s31] =	ssyncset.done $0x0  }
0x53: {  	[sflag:s31] =	ssyncadd.s32 $0xFFFFEC00  }
0x54: {  	[spmem:s20] =	stream.linear.scatter [tilespmem:s0], [sflag:$0x1], $0x1400, $0x38;
	[tilespmem:$0x1A800] =	vst v63  }
0x55: {  	_ =	swait.ge [sflag:s31], $0x1400  }
0x56: {  	[sflag:s31] =	ssyncset.done $0x0  }
0x57: {  	[sflag:s31] =	ssyncadd.s32 $0xFFFFEC00  }
0x58: {  	[spmem:s25] =	stream.linear.scatter [tilespmem:s0], [sflag:$0x1], $0x1400, $0x38;
	[tilespmem:$0x1A800] =	vst v63  }
0x59: {  	_ =	swait.ge [sflag:s31], $0x1400  }
0x5a: {  	[sflag:s31] =	ssyncset.done $0x0  }
0x5b: {  	[sflag:s31] =	ssyncadd.s32 $0xFFFFEC00  }
0x5c: {  	[spmem:s26] =	stream.linear.scatter [tilespmem:s0], [sflag:$0x1], $0x1400, $0x38;
	[tilespmem:$0x1A800] =	vst v63  }
0x5d: {  	_ =	swait.ge [sflag:s31], $0x1400  }
0x5e: {  	[sflag:s31] =	ssyncset.done $0x0  }
0x5f: {  	[sflag:s31] =	ssyncadd.s32 $0xFFFFEC00  }
0x60: {  	[spmem:s28] =	stream.linear.scatter [tilespmem:s0], [sflag:$0x1], $0x1400, $0x38;
	[tilespmem:$0x1A800] =	vst v63  }
0x61: {  	_ =	swait.ge [sflag:s31], $0x1400  }
0x62: {  	[sflag:s31] =	ssyncset.done $0x0  }
0x63: {  	[sflag:s31] =	ssyncadd.s32 $0xFFFFEC00  }
0x64: {  	[spmem:s29] =	stream.linear.scatter [tilespmem:s0], [sflag:$0x1], $0x1400, $0x38;
	[tilespmem:$0x1A800] =	vst v63  }
0x65: {  	_ =	swait.ge [sflag:s31], $0x1400  }
0x66: {  	[sflag:s31] =	ssyncset.done $0x0  }
0x67: {  	[sflag:s31] =	ssyncadd.s32 $0xFFFFEC00  }
0x68: {  	[spmem:s30] =	stream.linear.scatter [tilespmem:s0], [sflag:$0x1], $0x1400, $0x38;
	[tilespmem:$0x1A800] =	vst v63  }
0x69: {  	_ =	swait.ge [sflag:s31], $0x1400  }
0x6a: {  	[sflag:s31] =	ssyncset.done $0x0  }
0x6b: {  	[sflag:s31] =	ssyncadd.s32 $0xFFFFEC00  }
0x6c: {  	[bflag:$0x0] =	sbarrier.arrive $0xFFFF  }
0x6d: {  	s8 =	rddreg [dreg:$0x9]  }
0x6e: {  	[tilespmem:s1], [sflag:$0x1] =	stream.linear.gather [hbm4b:s8+s3], $0x1400, $0x38;
	[tilespmem:$0x1A800] =	vst v63  }
0x6f: {  	_ =	swait.ge [sflag:s31], $0x1400  }
0x70: {  	[sflag:s31] =	ssyncset.done $0x0  }
0x71: {  	s22 =	simm.s32 $0x0;
	[sflag:s31] =	ssyncadd.s32 $0xFFFFEC00  }
0x72: {  	[spmem:s2] =	stream.indirect.scatter.add.f32 [tilespmem:s1], [sflag:$0x1], $0x80, s22, s4, $0xb8;
	[tilespmem:$0x1A800] =	vst v63  }
0x73: {  	_ =	swait.ge [sflag:s31], $0x1400  }
0x74: {  	s7 =	simm.s32 $0x200;
	[sflag:s31] =	ssyncset.done $0x0  }
.LBB2_4:
0x75: {  	p0 =	sne.s32 s7, $0xF800;
	[sflag:s31] =	ssyncadd.s32 $0xFFFFEC00;
	s8 =	sadd.s32 $0x280, s8  }
0x76: {  	[tilespmem:s1], [sflag:$0x1] =	stream.linear.gather [hbm4b:s8+s3], $0x1400, $0x38;
	[tilespmem:$0x1A800] =	vst v63  }
0x77: {  	s9 =	smov.u32 s7;
	s7 =	sadd.s32 $0x200, s7;
	_ =	swait.ge [sflag:s31], $0x1400  }
.Ltmp1:
0x78: {  	[sflag:s31] =	ssyncset.done $0x0;
	(pc) =	sbr.rel @p0 .LBB2_4-.Ltmp1, $4  }
0x79: {  	s9 =	sshra.s32 s9, $0x2;
	[sflag:s31] =	ssyncadd.s32 $0xFFFFEC00  }
0x7a: {  	[spmem:s2] =	stream.indirect.scatter.add.f32 [tilespmem:s1], [sflag:$0x1], $0x80, s9, s4, $0xb8;
	[tilespmem:$0x1A800] =	vst v63  }
0x7b: {  	_ =	swait.ge [sflag:s31], $0x1400  }
0x7c: {  	[sflag:s31] =	ssyncset.done $0x0  }
0x7d: {  	[sflag:s31] =	ssyncadd.s32 $0xFFFFEC00;
	s7 =	stileid.u32  }
0x7e: {  	s7 =	sshll.u32 s7, $0x6;
	[bflag:$0x0] =	sbarrier.arrive $0xFFFF  }
0x7f: {  	s8 =	sshrl.u32 s6, $0x3;
	s7 =	sor.u32 $0x1C01, s7;
	s9 =	rddreg [dreg:$0x4]  }
0x80: {  	[hbm:s9], [sflag:s7] =	dma.local [spmem:s8], $0x2800  }
0x81: {  	_ =	swait.ge [sflag:s31], $0x2800  }
0x82: {  	[sflag:s31] =	ssyncset.done $0x0  }
0x83: {  	[sflag:s31] =	ssyncadd.s32 $0xFFFFD800  }
0x84: {  	[spmem:s6] =	stream.linear.scatter [tilespmem:s0], [sflag:$0x1], $0x1400, $0x38;
	[tilespmem:$0x1A800] =	vst v63  }
0x85: {  	_ =	swait.ge [sflag:s31], $0x1400  }
0x86: {  	[sflag:s31] =	ssyncset.done $0x0  }
0x87: {  	[sflag:s31] =	ssyncadd.s32 $0xFFFFEC00  }
0x88: {  	[spmem:s11] =	stream.linear.scatter [tilespmem:s0], [sflag:$0x1], $0x1400, $0x38;
	[tilespmem:$0x1A800] =	vst v63  }
0x89: {  	_ =	swait.ge [sflag:s31], $0x1400  }
0x8a: {  	[sflag:s31] =	ssyncset.done $0x0  }
0x8b: {  	[sflag:s31] =	ssyncadd.s32 $0xFFFFEC00  }
0x8c: {  	[spmem:s12] =	stream.linear.scatter [tilespmem:s0], [sflag:$0x1], $0x1400, $0x38;
	[tilespmem:$0x1A800] =	vst v63  }
0x8d: {  	_ =	swait.ge [sflag:s31], $0x1400  }
0x8e: {  	[sflag:s31] =	ssyncset.done $0x0  }
0x8f: {  	[sflag:s31] =	ssyncadd.s32 $0xFFFFEC00  }
0x90: {  	[spmem:s13] =	stream.linear.scatter [tilespmem:s0], [sflag:$0x1], $0x1400, $0x38;
	[tilespmem:$0x1A800] =	vst v63  }
0x91: {  	_ =	swait.ge [sflag:s31], $0x1400  }
0x92: {  	[sflag:s31] =	ssyncset.done $0x0  }
0x93: {  	[sflag:s31] =	ssyncadd.s32 $0xFFFFEC00  }
0x94: {  	[spmem:s14] =	stream.linear.scatter [tilespmem:s0], [sflag:$0x1], $0x1400, $0x38;
	[tilespmem:$0x1A800] =	vst v63  }
0x95: {  	_ =	swait.ge [sflag:s31], $0x1400  }
0x96: {  	[sflag:s31] =	ssyncset.done $0x0  }
0x97: {  	[sflag:s31] =	ssyncadd.s32 $0xFFFFEC00  }
0x98: {  	[spmem:s15] =	stream.linear.scatter [tilespmem:s0], [sflag:$0x1], $0x1400, $0x38;
	[tilespmem:$0x1A800] =	vst v63  }
0x99: {  	_ =	swait.ge [sflag:s31], $0x1400  }
0x9a: {  	[sflag:s31] =	ssyncset.done $0x0  }
0x9b: {  	[sflag:s31] =	ssyncadd.s32 $0xFFFFEC00  }
0x9c: {  	[spmem:s16] =	stream.linear.scatter [tilespmem:s0], [sflag:$0x1], $0x1400, $0x38;
	[tilespmem:$0x1A800] =	vst v63  }
0x9d: {  	_ =	swait.ge [sflag:s31], $0x1400  }
0x9e: {  	[sflag:s31] =	ssyncset.done $0x0  }
0x9f: {  	[sflag:s31] =	ssyncadd.s32 $0xFFFFEC00  }
0xa0: {  	[spmem:s17] =	stream.linear.scatter [tilespmem:s0], [sflag:$0x1], $0x1400, $0x38;
	[tilespmem:$0x1A800] =	vst v63  }
0xa1: {  	_ =	swait.ge [sflag:s31], $0x1400  }
0xa2: {  	[sflag:s31] =	ssyncset.done $0x0  }
0xa3: {  	[sflag:s31] =	ssyncadd.s32 $0xFFFFEC00  }
0xa4: {  	[spmem:s18] =	stream.linear.scatter [tilespmem:s0], [sflag:$0x1], $0x1400, $0x38;
	[tilespmem:$0x1A800] =	vst v63  }
0xa5: {  	_ =	swait.ge [sflag:s31], $0x1400  }
0xa6: {  	[sflag:s31] =	ssyncset.done $0x0  }
0xa7: {  	[sflag:s31] =	ssyncadd.s32 $0xFFFFEC00  }
0xa8: {  	[spmem:s19] =	stream.linear.scatter [tilespmem:s0], [sflag:$0x1], $0x1400, $0x38;
	[tilespmem:$0x1A800] =	vst v63  }
0xa9: {  	_ =	swait.ge [sflag:s31], $0x1400  }
0xaa: {  	[sflag:s31] =	ssyncset.done $0x0  }
0xab: {  	[sflag:s31] =	ssyncadd.s32 $0xFFFFEC00  }
0xac: {  	[spmem:s20] =	stream.linear.scatter [tilespmem:s0], [sflag:$0x1], $0x1400, $0x38;
	[tilespmem:$0x1A800] =	vst v63  }
0xad: {  	_ =	swait.ge [sflag:s31], $0x1400  }
0xae: {  	[sflag:s31] =	ssyncset.done $0x0  }
0xaf: {  	[sflag:s31] =	ssyncadd.s32 $0xFFFFEC00  }
0xb0: {  	[spmem:s25] =	stream.linear.scatter [tilespmem:s0], [sflag:$0x1], $0x1400, $0x38;
	[tilespmem:$0x1A800] =	vst v63  }
0xb1: {  	_ =	swait.ge [sflag:s31], $0x1400  }
0xb2: {  	[sflag:s31] =	ssyncset.done $0x0  }
0xb3: {  	[sflag:s31] =	ssyncadd.s32 $0xFFFFEC00  }
0xb4: {  	[spmem:s26] =	stream.linear.scatter [tilespmem:s0], [sflag:$0x1], $0x1400, $0x38;
	[tilespmem:$0x1A800] =	vst v63  }
0xb5: {  	_ =	swait.ge [sflag:s31], $0x1400  }
0xb6: {  	[sflag:s31] =	ssyncset.done $0x0  }
0xb7: {  	[sflag:s31] =	ssyncadd.s32 $0xFFFFEC00  }
0xb8: {  	[spmem:s28] =	stream.linear.scatter [tilespmem:s0], [sflag:$0x1], $0x1400, $0x38;
	[tilespmem:$0x1A800] =	vst v63  }
0xb9: {  	_ =	swait.ge [sflag:s31], $0x1400  }
0xba: {  	[sflag:s31] =	ssyncset.done $0x0  }
0xbb: {  	[sflag:s31] =	ssyncadd.s32 $0xFFFFEC00  }
0xbc: {  	[spmem:s29] =	stream.linear.scatter [tilespmem:s0], [sflag:$0x1], $0x1400, $0x38;
	[tilespmem:$0x1A800] =	vst v63  }
0xbd: {  	_ =	swait.ge [sflag:s31], $0x1400  }
0xbe: {  	[sflag:s31] =	ssyncset.done $0x0  }
0xbf: {  	[sflag:s31] =	ssyncadd.s32 $0xFFFFEC00  }
0xc0: {  	[spmem:s30] =	stream.linear.scatter [tilespmem:s0], [sflag:$0x1], $0x1400, $0x38;
	[tilespmem:$0x1A800] =	vst v63  }
0xc1: {  	_ =	swait.ge [sflag:s31], $0x1400  }
0xc2: {  	[sflag:s31] =	ssyncset.done $0x0  }
0xc3: {  	[sflag:s31] =	ssyncadd.s32 $0xFFFFEC00  }
0xc4: {  	[bflag:$0x0] =	sbarrier.arrive $0xFFFF  }
0xc5: {  	[tilespmem:s1], [sflag:$0x1] =	stream.linear.gather [hbm4b:s10+s3], $0x1400, $0x38;
	[tilespmem:$0x1A800] =	vst v63  }
0xc6: {  	_ =	swait.ge [sflag:s31], $0x1400  }
0xc7: {  	[sflag:s31] =	ssyncset.done $0x0  }
0xc8: {  	s22 =	simm.s32 $0x0;
	[sflag:s31] =	ssyncadd.s32 $0xFFFFEC00  }
0xc9: {  	[spmem:s2] =	stream.indirect.scatter.add.f32 [tilespmem:s1], [sflag:$0x1], $0x80, s22, s4, $0xb8;
	[tilespmem:$0x1A800] =	vst v63  }
0xca: {  	_ =	swait.ge [sflag:s31], $0x1400  }
0xcb: {  	s9 =	simm.s32 $0x200;
	s22 =	smov.u32 s10;
	[sflag:s31] =	ssyncset.done $0x0  }
.LBB2_6:
0xcc: {  	p0 =	sne.s32 s9, $0xF800;
	[sflag:s31] =	ssyncadd.s32 $0xFFFFEC00;
	s22 =	sadd.s32 $0x280, s22  }
0xcd: {  	[tilespmem:s1], [sflag:$0x1] =	stream.linear.gather [hbm4b:s22+s3], $0x1400, $0x38;
	[tilespmem:$0x1A800] =	vst v63  }
0xce: {  	s21 =	smov.u32 s9;
	s9 =	sadd.s32 $0x200, s9;
	_ =	swait.ge [sflag:s31], $0x1400  }
.Ltmp2:
0xcf: {  	[sflag:s31] =	ssyncset.done $0x0;
	(pc) =	sbr.rel @p0 .LBB2_6-.Ltmp2, $4  }
0xd0: {  	s21 =	sshra.s32 s21, $0x2;
	[sflag:s31] =	ssyncadd.s32 $0xFFFFEC00  }
0xd1: {  	[spmem:s2] =	stream.indirect.scatter.add.f32 [tilespmem:s1], [sflag:$0x1], $0x80, s21, s4, $0xb8;
	[tilespmem:$0x1A800] =	vst v63  }
0xd2: {  	_ =	swait.ge [sflag:s31], $0x1400  }
0xd3: {  	[sflag:s31] =	ssyncset.done $0x0  }
0xd4: {  	[sflag:s31] =	ssyncadd.s32 $0xFFFFEC00  }
0xd5: {  	[bflag:$0x0] =	sbarrier.arrive $0xFFFF  }
0xd6: {  	s9 =	rddreg [dreg:$0x5]  }
0xd7: {  	[hbm:s9], [sflag:s7] =	dma.local [spmem:s8], $0x2800  }
0xd8: {  	_ =	swait.ge [sflag:s31], $0x2800  }
0xd9: {  	[sflag:s31] =	ssyncset.done $0x0  }
0xda: {  	[sflag:s31] =	ssyncadd.s32 $0xFFFFD800  }
0xdb: {  	[spmem:s6] =	stream.linear.scatter [tilespmem:s0], [sflag:$0x1], $0x1400, $0x38;
	[tilespmem:$0x1A800] =	vst v63  }
0xdc: {  	_ =	swait.ge [sflag:s31], $0x1400  }
0xdd: {  	[sflag:s31] =	ssyncset.done $0x0  }
0xde: {  	[sflag:s31] =	ssyncadd.s32 $0xFFFFEC00  }
0xdf: {  	[spmem:s11] =	stream.linear.scatter [tilespmem:s0], [sflag:$0x1], $0x1400, $0x38;
	[tilespmem:$0x1A800] =	vst v63  }
0xe0: {  	_ =	swait.ge [sflag:s31], $0x1400  }
0xe1: {  	[sflag:s31] =	ssyncset.done $0x0  }
0xe2: {  	[sflag:s31] =	ssyncadd.s32 $0xFFFFEC00  }
0xe3: {  	[spmem:s12] =	stream.linear.scatter [tilespmem:s0], [sflag:$0x1], $0x1400, $0x38;
	[tilespmem:$0x1A800] =	vst v63  }
0xe4: {  	_ =	swait.ge [sflag:s31], $0x1400  }
0xe5: {  	[sflag:s31] =	ssyncset.done $0x0  }
0xe6: {  	[sflag:s31] =	ssyncadd.s32 $0xFFFFEC00  }
0xe7: {  	[spmem:s13] =	stream.linear.scatter [tilespmem:s0], [sflag:$0x1], $0x1400, $0x38;
	[tilespmem:$0x1A800] =	vst v63  }
0xe8: {  	_ =	swait.ge [sflag:s31], $0x1400  }
0xe9: {  	[sflag:s31] =	ssyncset.done $0x0  }
0xea: {  	[sflag:s31] =	ssyncadd.s32 $0xFFFFEC00  }
0xeb: {  	[spmem:s14] =	stream.linear.scatter [tilespmem:s0], [sflag:$0x1], $0x1400, $0x38;
	[tilespmem:$0x1A800] =	vst v63  }
0xec: {  	_ =	swait.ge [sflag:s31], $0x1400  }
0xed: {  	[sflag:s31] =	ssyncset.done $0x0  }
0xee: {  	[sflag:s31] =	ssyncadd.s32 $0xFFFFEC00  }
0xef: {  	[spmem:s15] =	stream.linear.scatter [tilespmem:s0], [sflag:$0x1], $0x1400, $0x38;
	[tilespmem:$0x1A800] =	vst v63  }
0xf0: {  	_ =	swait.ge [sflag:s31], $0x1400  }
0xf1: {  	[sflag:s31] =	ssyncset.done $0x0  }
0xf2: {  	[sflag:s31] =	ssyncadd.s32 $0xFFFFEC00  }
0xf3: {  	[spmem:s16] =	stream.linear.scatter [tilespmem:s0], [sflag:$0x1], $0x1400, $0x38;
	[tilespmem:$0x1A800] =	vst v63  }
0xf4: {  	_ =	swait.ge [sflag:s31], $0x1400  }
0xf5: {  	[sflag:s31] =	ssyncset.done $0x0  }
0xf6: {  	[sflag:s31] =	ssyncadd.s32 $0xFFFFEC00  }
0xf7: {  	[spmem:s17] =	stream.linear.scatter [tilespmem:s0], [sflag:$0x1], $0x1400, $0x38;
	[tilespmem:$0x1A800] =	vst v63  }
0xf8: {  	_ =	swait.ge [sflag:s31], $0x1400  }
0xf9: {  	[sflag:s31] =	ssyncset.done $0x0  }
0xfa: {  	[sflag:s31] =	ssyncadd.s32 $0xFFFFEC00  }
0xfb: {  	[spmem:s18] =	stream.linear.scatter [tilespmem:s0], [sflag:$0x1], $0x1400, $0x38;
	[tilespmem:$0x1A800] =	vst v63  }
0xfc: {  	_ =	swait.ge [sflag:s31], $0x1400  }
0xfd: {  	[sflag:s31] =	ssyncset.done $0x0  }
0xfe: {  	[sflag:s31] =	ssyncadd.s32 $0xFFFFEC00  }
0xff: {  	[spmem:s19] =	stream.linear.scatter [tilespmem:s0], [sflag:$0x1], $0x1400, $0x38;
	[tilespmem:$0x1A800] =	vst v63  }
0x100: {  	_ =	swait.ge [sflag:s31], $0x1400  }
0x101: {  	[sflag:s31] =	ssyncset.done $0x0  }
0x102: {  	[sflag:s31] =	ssyncadd.s32 $0xFFFFEC00  }
0x103: {  	[spmem:s20] =	stream.linear.scatter [tilespmem:s0], [sflag:$0x1], $0x1400, $0x38;
	[tilespmem:$0x1A800] =	vst v63  }
0x104: {  	_ =	swait.ge [sflag:s31], $0x1400  }
0x105: {  	[sflag:s31] =	ssyncset.done $0x0  }
0x106: {  	[sflag:s31] =	ssyncadd.s32 $0xFFFFEC00  }
0x107: {  	[spmem:s25] =	stream.linear.scatter [tilespmem:s0], [sflag:$0x1], $0x1400, $0x38;
	[tilespmem:$0x1A800] =	vst v63  }
0x108: {  	_ =	swait.ge [sflag:s31], $0x1400  }
0x109: {  	[sflag:s31] =	ssyncset.done $0x0  }
0x10a: {  	[sflag:s31] =	ssyncadd.s32 $0xFFFFEC00  }
0x10b: {  	[spmem:s26] =	stream.linear.scatter [tilespmem:s0], [sflag:$0x1], $0x1400, $0x38;
	[tilespmem:$0x1A800] =	vst v63  }
0x10c: {  	_ =	swait.ge [sflag:s31], $0x1400  }
0x10d: {  	[sflag:s31] =	ssyncset.done $0x0  }
0x10e: {  	[sflag:s31] =	ssyncadd.s32 $0xFFFFEC00  }
0x10f: {  	[spmem:s28] =	stream.linear.scatter [tilespmem:s0], [sflag:$0x1], $0x1400, $0x38;
	[tilespmem:$0x1A800] =	vst v63  }
0x110: {  	_ =	swait.ge [sflag:s31], $0x1400  }
0x111: {  	[sflag:s31] =	ssyncset.done $0x0  }
0x112: {  	[sflag:s31] =	ssyncadd.s32 $0xFFFFEC00  }
0x113: {  	[spmem:s29] =	stream.linear.scatter [tilespmem:s0], [sflag:$0x1], $0x1400, $0x38;
	[tilespmem:$0x1A800] =	vst v63  }
0x114: {  	_ =	swait.ge [sflag:s31], $0x1400  }
0x115: {  	[sflag:s31] =	ssyncset.done $0x0  }
0x116: {  	[sflag:s31] =	ssyncadd.s32 $0xFFFFEC00  }
0x117: {  	[spmem:s30] =	stream.linear.scatter [tilespmem:s0], [sflag:$0x1], $0x1400, $0x38;
	[tilespmem:$0x1A800] =	vst v63  }
0x118: {  	_ =	swait.ge [sflag:s31], $0x1400  }
0x119: {  	[sflag:s31] =	ssyncset.done $0x0  }
0x11a: {  	[sflag:s31] =	ssyncadd.s32 $0xFFFFEC00  }
0x11b: {  	[bflag:$0x0] =	sbarrier.arrive $0xFFFF  }
0x11c: {  	[tilespmem:s1], [sflag:$0x1] =	stream.linear.gather [hbm4b:s23+s3], $0x1400, $0x38;
	[tilespmem:$0x1A800] =	vst v63  }
0x11d: {  	_ =	swait.ge [sflag:s31], $0x1400  }
0x11e: {  	[sflag:s31] =	ssyncset.done $0x0  }
0x11f: {  	s22 =	simm.s32 $0x0;
	[sflag:s31] =	ssyncadd.s32 $0xFFFFEC00  }
0x120: {  	[spmem:s2] =	stream.indirect.scatter.add.f32 [tilespmem:s1], [sflag:$0x1], $0x80, s22, s4, $0xb8;
	[tilespmem:$0x1A800] =	vst v63  }
0x121: {  	_ =	swait.ge [sflag:s31], $0x1400  }
0x122: {  	s9 =	simm.s32 $0x200;
	s22 =	smov.u32 s23;
	[sflag:s31] =	ssyncset.done $0x0  }
.LBB2_8:
0x123: {  	p0 =	sne.s32 s9, $0xF800;
	[sflag:s31] =	ssyncadd.s32 $0xFFFFEC00;
	s22 =	sadd.s32 $0x280, s22  }
0x124: {  	[tilespmem:s1], [sflag:$0x1] =	stream.linear.gather [hbm4b:s22+s3], $0x1400, $0x38;
	[tilespmem:$0x1A800] =	vst v63  }
0x125: {  	s21 =	smov.u32 s9;
	s9 =	sadd.s32 $0x200, s9;
	_ =	swait.ge [sflag:s31], $0x1400  }
.Ltmp3:
0x126: {  	[sflag:s31] =	ssyncset.done $0x0;
	(pc) =	sbr.rel @p0 .LBB2_8-.Ltmp3, $4  }
0x127: {  	s21 =	sshra.s32 s21, $0x2;
	[sflag:s31] =	ssyncadd.s32 $0xFFFFEC00  }
0x128: {  	[spmem:s2] =	stream.indirect.scatter.add.f32 [tilespmem:s1], [sflag:$0x1], $0x80, s21, s4, $0xb8;
	[tilespmem:$0x1A800] =	vst v63  }
0x129: {  	_ =	swait.ge [sflag:s31], $0x1400  }
0x12a: {  	[sflag:s31] =	ssyncset.done $0x0  }
0x12b: {  	[sflag:s31] =	ssyncadd.s32 $0xFFFFEC00  }
0x12c: {  	[bflag:$0x0] =	sbarrier.arrive $0xFFFF  }
0x12d: {  	s9 =	rddreg [dreg:$0x6]  }
0x12e: {  	[hbm:s9], [sflag:s7] =	dma.local [spmem:s8], $0x2800  }
0x12f: {  	_ =	swait.ge [sflag:s31], $0x2800  }
0x130: {  	[sflag:s31] =	ssyncset.done $0x0  }
0x131: {  	[sflag:s31] =	ssyncadd.s32 $0xFFFFD800  }
0x132: {  	[spmem:s6] =	stream.linear.scatter [tilespmem:s0], [sflag:$0x1], $0x1400, $0x38;
	[tilespmem:$0x1A800] =	vst v63  }
0x133: {  	_ =	swait.ge [sflag:s31], $0x1400  }
0x134: {  	[sflag:s31] =	ssyncset.done $0x0  }
0x135: {  	[sflag:s31] =	ssyncadd.s32 $0xFFFFEC00  }
0x136: {  	[spmem:s11] =	stream.linear.scatter [tilespmem:s0], [sflag:$0x1], $0x1400, $0x38;
	[tilespmem:$0x1A800] =	vst v63  }
0x137: {  	_ =	swait.ge [sflag:s31], $0x1400  }
0x138: {  	[sflag:s31] =	ssyncset.done $0x0  }
0x139: {  	[sflag:s31] =	ssyncadd.s32 $0xFFFFEC00  }
0x13a: {  	[spmem:s12] =	stream.linear.scatter [tilespmem:s0], [sflag:$0x1], $0x1400, $0x38;
	[tilespmem:$0x1A800] =	vst v63  }
0x13b: {  	_ =	swait.ge [sflag:s31], $0x1400  }
0x13c: {  	[sflag:s31] =	ssyncset.done $0x0  }
0x13d: {  	[sflag:s31] =	ssyncadd.s32 $0xFFFFEC00  }
0x13e: {  	[spmem:s13] =	stream.linear.scatter [tilespmem:s0], [sflag:$0x1], $0x1400, $0x38;
	[tilespmem:$0x1A800] =	vst v63  }
0x13f: {  	_ =	swait.ge [sflag:s31], $0x1400  }
0x140: {  	[sflag:s31] =	ssyncset.done $0x0  }
0x141: {  	[sflag:s31] =	ssyncadd.s32 $0xFFFFEC00  }
0x142: {  	[spmem:s14] =	stream.linear.scatter [tilespmem:s0], [sflag:$0x1], $0x1400, $0x38;
	[tilespmem:$0x1A800] =	vst v63  }
0x143: {  	_ =	swait.ge [sflag:s31], $0x1400  }
0x144: {  	[sflag:s31] =	ssyncset.done $0x0  }
0x145: {  	[sflag:s31] =	ssyncadd.s32 $0xFFFFEC00  }
0x146: {  	[spmem:s15] =	stream.linear.scatter [tilespmem:s0], [sflag:$0x1], $0x1400, $0x38;
	[tilespmem:$0x1A800] =	vst v63  }
0x147: {  	_ =	swait.ge [sflag:s31], $0x1400  }
0x148: {  	[sflag:s31] =	ssyncset.done $0x0  }
0x149: {  	[sflag:s31] =	ssyncadd.s32 $0xFFFFEC00  }
0x14a: {  	[spmem:s16] =	stream.linear.scatter [tilespmem:s0], [sflag:$0x1], $0x1400, $0x38;
	[tilespmem:$0x1A800] =	vst v63  }
0x14b: {  	_ =	swait.ge [sflag:s31], $0x1400  }
0x14c: {  	[sflag:s31] =	ssyncset.done $0x0  }
0x14d: {  	[sflag:s31] =	ssyncadd.s32 $0xFFFFEC00  }
0x14e: {  	[spmem:s17] =	stream.linear.scatter [tilespmem:s0], [sflag:$0x1], $0x1400, $0x38;
	[tilespmem:$0x1A800] =	vst v63  }
0x14f: {  	_ =	swait.ge [sflag:s31], $0x1400  }
0x150: {  	[sflag:s31] =	ssyncset.done $0x0  }
0x151: {  	[sflag:s31] =	ssyncadd.s32 $0xFFFFEC00  }
0x152: {  	[spmem:s18] =	stream.linear.scatter [tilespmem:s0], [sflag:$0x1], $0x1400, $0x38;
	[tilespmem:$0x1A800] =	vst v63  }
0x153: {  	_ =	swait.ge [sflag:s31], $0x1400  }
0x154: {  	[sflag:s31] =	ssyncset.done $0x0  }
0x155: {  	[sflag:s31] =	ssyncadd.s32 $0xFFFFEC00  }
0x156: {  	[spmem:s19] =	stream.linear.scatter [tilespmem:s0], [sflag:$0x1], $0x1400, $0x38;
	[tilespmem:$0x1A800] =	vst v63  }
0x157: {  	_ =	swait.ge [sflag:s31], $0x1400  }
0x158: {  	[sflag:s31] =	ssyncset.done $0x0  }
0x159: {  	[sflag:s31] =	ssyncadd.s32 $0xFFFFEC00  }
0x15a: {  	[spmem:s20] =	stream.linear.scatter [tilespmem:s0], [sflag:$0x1], $0x1400, $0x38;
	[tilespmem:$0x1A800] =	vst v63  }
0x15b: {  	_ =	swait.ge [sflag:s31], $0x1400  }
0x15c: {  	[sflag:s31] =	ssyncset.done $0x0  }
0x15d: {  	[sflag:s31] =	ssyncadd.s32 $0xFFFFEC00  }
0x15e: {  	[spmem:s25] =	stream.linear.scatter [tilespmem:s0], [sflag:$0x1], $0x1400, $0x38;
	[tilespmem:$0x1A800] =	vst v63  }
0x15f: {  	_ =	swait.ge [sflag:s31], $0x1400  }
0x160: {  	[sflag:s31] =	ssyncset.done $0x0  }
0x161: {  	[sflag:s31] =	ssyncadd.s32 $0xFFFFEC00  }
0x162: {  	[spmem:s26] =	stream.linear.scatter [tilespmem:s0], [sflag:$0x1], $0x1400, $0x38;
	[tilespmem:$0x1A800] =	vst v63  }
0x163: {  	_ =	swait.ge [sflag:s31], $0x1400  }
0x164: {  	[sflag:s31] =	ssyncset.done $0x0  }
0x165: {  	[sflag:s31] =	ssyncadd.s32 $0xFFFFEC00  }
0x166: {  	[spmem:s28] =	stream.linear.scatter [tilespmem:s0], [sflag:$0x1], $0x1400, $0x38;
	[tilespmem:$0x1A800] =	vst v63  }
0x167: {  	_ =	swait.ge [sflag:s31], $0x1400  }
0x168: {  	[sflag:s31] =	ssyncset.done $0x0  }
0x169: {  	[sflag:s31] =	ssyncadd.s32 $0xFFFFEC00  }
0x16a: {  	[spmem:s29] =	stream.linear.scatter [tilespmem:s0], [sflag:$0x1], $0x1400, $0x38;
	[tilespmem:$0x1A800] =	vst v63  }
0x16b: {  	_ =	swait.ge [sflag:s31], $0x1400  }
0x16c: {  	[sflag:s31] =	ssyncset.done $0x0  }
0x16d: {  	[sflag:s31] =	ssyncadd.s32 $0xFFFFEC00  }
0x16e: {  	[spmem:s30] =	stream.linear.scatter [tilespmem:s0], [sflag:$0x1], $0x1400, $0x38;
	[tilespmem:$0x1A800] =	vst v63  }
0x16f: {  	_ =	swait.ge [sflag:s31], $0x1400  }
0x170: {  	[sflag:s31] =	ssyncset.done $0x0  }
0x171: {  	[sflag:s31] =	ssyncadd.s32 $0xFFFFEC00  }
0x172: {  	[bflag:$0x0] =	sbarrier.arrive $0xFFFF  }
0x173: {  	[tilespmem:s1], [sflag:$0x1] =	stream.linear.gather [hbm4b:s24+s3], $0x1400, $0x38;
	[tilespmem:$0x1A800] =	vst v63  }
0x174: {  	_ =	swait.ge [sflag:s31], $0x1400  }
0x175: {  	[sflag:s31] =	ssyncset.done $0x0  }
0x176: {  	s22 =	simm.s32 $0x0;
	[sflag:s31] =	ssyncadd.s32 $0xFFFFEC00  }
0x177: {  	[spmem:s2] =	stream.indirect.scatter.add.f32 [tilespmem:s1], [sflag:$0x1], $0x80, s22, s4, $0xb8;
	[tilespmem:$0x1A800] =	vst v63  }
0x178: {  	_ =	swait.ge [sflag:s31], $0x1400  }
0x179: {  	s9 =	simm.s32 $0x200;
	s22 =	smov.u32 s24;
	[sflag:s31] =	ssyncset.done $0x0  }
.LBB2_10:
0x17a: {  	p0 =	sne.s32 s9, $0xF800;
	[sflag:s31] =	ssyncadd.s32 $0xFFFFEC00;
	s22 =	sadd.s32 $0x280, s22  }
0x17b: {  	[tilespmem:s1], [sflag:$0x1] =	stream.linear.gather [hbm4b:s22+s3], $0x1400, $0x38;
	[tilespmem:$0x1A800] =	vst v63  }
0x17c: {  	s21 =	smov.u32 s9;
	s9 =	sadd.s32 $0x200, s9;
	_ =	swait.ge [sflag:s31], $0x1400  }
.Ltmp4:
0x17d: {  	[sflag:s31] =	ssyncset.done $0x0;
	(pc) =	sbr.rel @p0 .LBB2_10-.Ltmp4, $4  }
0x17e: {  	s21 =	sshra.s32 s21, $0x2;
	[sflag:s31] =	ssyncadd.s32 $0xFFFFEC00  }
0x17f: {  	[spmem:s2] =	stream.indirect.scatter.add.f32 [tilespmem:s1], [sflag:$0x1], $0x80, s21, s4, $0xb8;
	[tilespmem:$0x1A800] =	vst v63  }
0x180: {  	_ =	swait.ge [sflag:s31], $0x1400  }
0x181: {  	[sflag:s31] =	ssyncset.done $0x0  }
0x182: {  	[sflag:s31] =	ssyncadd.s32 $0xFFFFEC00  }
0x183: {  	[bflag:$0x0] =	sbarrier.arrive $0xFFFF  }
0x184: {  	s9 =	rddreg [dreg:$0x7]  }
0x185: {  	[hbm:s9], [sflag:s7] =	dma.local [spmem:s8], $0x2800  }
0x186: {  	_ =	swait.ge [sflag:s31], $0x2800  }
0x187: {  	s5 =	sadd.s32 $0x1, s5;
	s22 =	rddreg [dreg:$0x8]  }
0x188: {  	p0 =	sne.s32 s5, s22  }
.Ltmp5:
0x189: {  	_ = 	snop;
	(pc) =	sbr.rel @p0 .LBB2_1-.Ltmp5, $3  }
0x18a: {  	_ =	sdelay $0x1  }
0x18b: {  	[sflag:s31] =	ssyncset.done $0x0  }
0x18c: {  	[sflag:s31] =	ssyncadd.s32 $0xFFFFD800  }
0x18d: {  	_ =	sfence.sel $0x180000  }
0x18e: {  	[bflag:$0x0] =	sbarrier.arrive $0xFFFF  }
0x18f: {  	_ =	strace $0x9000004A  }
0x190: {  	s0 =	stileid.u32;
	[bflag:$0x2] =	sbarrier.arrive $0xFFFF  }
0x191: {  	p0 =	sne.s32 s0, $0x0;
	s0 =	rddreg [dreg:$0x2]  }
0x192: {  	s0 =	sadd.s32 @!p0 $0x100000, s0  }
0x193: {  	[sflag:s0] =	ssyncadd.tile.s32 @!p0 $0x1;
	_ =	shalt  }
.Lfunc_end2:
_tile_overlayer_lowered:
.L_overlay_start_2:
0x194: {  	(tag) =	ssettag $0x2  }
0x195: {  	s0 =	rddreg [dreg:$0x0];
	s2 =	stileid.u32  }
0x196: {  	s1 =	rddreg [dreg:$0x1];
	p0 =	sne.s32 s2, $0x0  }
0x197: {  	s3 =	rddreg [dreg:$0x2];
	[bflag:$0x3] =	sbarrier.arrive $0xFFFF;
	s2 =	simm.s32 @!p0 $0x1C01  }
0x198: {  	[timem:s3], [sflag:s2] =	dma.local @!p0 [hbm:s0], s1  }
0x199: {  	s0 =	simm.s32 @!p0 $0x1  }
0x19a: {  	_ =	swait.ge @!p0 [sflag:s0], s1  }
0x19b: {  	s1 =	ssub.s32 @!p0 $0x0, s1;
	[sflag:s0] =	ssyncset.done @!p0 $0x0  }
0x19c: {  	[sflag:s0] =	ssyncadd.s32 @!p0 s1  }
0x19d: {  	[bflag:$0x3] =	sbarrier.arrive $0xFFFF  }
0x19e: {  	_ =	shalt  }

// kernel: kernel.15.cloned.1.call-start
scs
__scs_entry_jumppad:
0x0: {  	(pc) =	sbr.rel $0x88, $3  }
0x1: {  	(tag) =	ssettag $0x0;
	lr =	simm.s32 $0x1  }
0x2: {  	[smem:$0x3F8C] =	sst lr;
	_ =	strace $0xD0000000  }
0x3: {  	_ = 	snop  }
0x4: {  	_ = 	snop  }
0x5: {  	_ = 	snop  }
0x6: {  	_ = 	snop  }
0x7: {  	_ = 	snop  }
__scs_overlays_trampoline_lowered:
0x8: {  	[smem:$0x3F9B] =	sst s0  }
0x9: {  	[smem:$0x3F9C] =	sst s1  }
0xa: {  	[smem:$0x3F9D] =	sst s2  }
0xb: {  	[smem:$0x3F9E] =	sst s3  }
0xc: {  	[smem:$0x3F9F] =	sst s4  }
0xd: {  	[smem:$0x3FA0] =	sst s5  }
0xe: {  	[smem:$0x3FA1] =	sst s6  }
0xf: {  	[smem:$0x3FA2] =	sst s7  }
0x10: {  	[smem:$0x3FA3] =	sst s8  }
0x11: {  	[smem:$0x3FA4] =	sst s9;
	s0 =	simm.s32 @!p0 $0x0  }
0x12: {  	s1 =	sld [smem:$0x3F8A];
	s0 =	simm.s32 @p0 $0x1  }
0x13: {  	[smem:$0x3FA5] =	sst s0;
	s0 =	simm.s32 @!p1 $0x0  }
0x14: {  	s2 =	sld [smem:$0x3F89];
	s0 =	simm.s32 @p1 $0x1  }
0x15: {  	[smem:$0x3FA6] =	sst s0;
	s0 =	simm.s32 @!p2 $0x0  }
0x16: {  	s3 =	sld [smem:$0x3FDB];
	s0 =	simm.s32 @p2 $0x1  }
0x17: {  	s4 =	simm.s32 $0x1BF5;
	[smem:$0x3FA8] =	sst s0  }
0x18: {  	s0 =	sld [smem:$0x3F8B];
	_ =	swait.ge [sflag:s4], $0x0  }
0x19: {  	s7 =	sld [smem:$0x3F8C]  }
0x1a: {  	s8 =	sadd.s32 $0xFFFFE003, lr  }
0x1b: {  	s9 =	sadd.s32 $0xFFFFFEF7, lr;
	s5 =	simm.s32 $0xFFFFFFFF;
	p2 =	slt.u32 s8, $0xFFFFF086  }
0x1c: {  	p1 =	slt.u32 s9, $0xF7A;
	s5 =	simm.s32 @!p2 $0x0  }
0x1d: {  	s5 =	simm.s32 @p1 $0x1;
	p0 =	seq.s32 s7, s2  }
0x1e: {  	s7 =	smul.u32 @!p0 $0xF7A, s2;
	p2 =	seq.s32 @!p0 s5, $0x0  }
0x1f: {  	s9 =	smul.u32 $0xF7A, s1;
	s8 =	simm.s32 @!p0 $0x1BF5;
	p2 =	por !p2, p0  }
0x20: {  	[sflag:s8] =	ssyncset.s32 @!p0 $0xFFFFF086;
	s6 =	sadd.s32 @!p0 s3, s7;
	s7 =	simm.s32 @!p0 $0x108  }
0x21: {  	s3 =	sadd.s32 s3, s9;
	s6 =	sadd.s32 @!p0 $0x88, s6;
	s7 =	simm.s32 @p2 $0x1082  }
0x22: {  	[simem:s7], [sflag:s8] =	dma.local @!p0 [hbm:s6], $0xF7A  }
0x23: {  	s9 =	sor.u32 $0xD0000000, s2;
	s6 =	simm.s32 $0x108;
	_ =	swait.ge @!p0 [sflag:s8], $0x0  }
0x24: {  	s3 =	sadd.s32 $0x88, s3;
	s6 =	simm.s32 @!p1 $0x1082;
	[sflag:s4] =	ssyncset.s32 $0xFFFFF086  }
0x25: {  	[simem:s6], [sflag:s4] =	dma.local [hbm:s3], $0xF7A  }
0x26: {  	[smem:$0x3F8C] =	sst s1;
	(tag) =	ssettag s2;
	_ =	strace s9  }
0x27: {  	s1 =	sld [smem:$0x3F9C]  }
0x28: {  	s2 =	sld [smem:$0x3F9D]  }
0x29: {  	s4 =	sld [smem:$0x3F9F]  }
0x2a: {  	p0 =	seq.s32 s5, $0x0;
	s5 =	sld [smem:$0x3FA0]  }
0x2b: {  	s6 =	sld [smem:$0x3FA1]  }
0x2c: {  	s7 =	sld [smem:$0x3FA2]  }
0x2d: {  	s3 =	simm.s32 $0x108;
	s8 =	sld [smem:$0x3FA3]  }
0x2e: {  	s3 =	simm.s32 @!p0 $0x1082;
	s9 =	sld [smem:$0x3FA4]  }
0x2f: {  	lr =	sadd.s32 s0, s3;
	s0 =	sld [smem:$0x3F9B]  }
0x30: {  	s3 =	sld [smem:$0x3F9E]  }
0x31: {  	[smem:$0x3FA7] =	sst s10  }
0x32: {  	s10 =	sld [smem:$0x3FA5];
	_ =	sdelay $0x3  }
0x33: {  	p0 =	seq.s32 s10, $0x1;
	s10 =	sld [smem:$0x3FA7];
	_ =	sdelay $0x3  }
0x34: {  	[smem:$0x3FA7] =	sst s10  }
0x35: {  	s10 =	sld [smem:$0x3FA6];
	_ =	sdelay $0x3  }
0x36: {  	p1 =	seq.s32 s10, $0x1;
	s10 =	sld [smem:$0x3FA7];
	_ =	sdelay $0x3  }
0x37: {  	[smem:$0x3FA7] =	sst s10  }
0x38: {  	s10 =	sld [smem:$0x3FA8]  }
0x39: {  	_ = 	snop;
	(pc) =	sbr.ind lr, $3  }
0x3a: {  	_ = 	snop  }
0x3b: {  	_ = 	snop  }
0x3c: {  	p2 =	seq.s32 s10, $0x1;
	s10 =	sld [smem:$0x3FA7]  }
0x3d: {  	_ =	shalt  }
0x3e: {  	_ =	shalt  }
0x3f: {  	_ =	shalt  }
0x40: {  	_ =	shalt  }
0x41: {  	_ =	shalt  }
0x42: {  	_ =	shalt  }
0x43: {  	_ =	shalt  }
0x44: {  	_ =	shalt  }
0x45: {  	_ =	shalt  }
0x46: {  	_ =	shalt  }
0x47: {  	_ =	shalt  }
0x48: {  	_ =	shalt  }
0x49: {  	_ =	shalt  }
0x4a: {  	_ =	shalt  }
0x4b: {  	_ =	shalt  }
0x4c: {  	_ =	shalt  }
0x4d: {  	_ =	shalt  }
0x4e: {  	_ =	shalt  }
0x4f: {  	_ =	shalt  }
0x50: {  	_ =	shalt  }
0x51: {  	_ =	shalt  }
0x52: {  	_ =	shalt  }
0x53: {  	_ =	shalt  }
0x54: {  	_ =	shalt  }
0x55: {  	_ =	shalt  }
0x56: {  	_ =	shalt  }
0x57: {  	_ =	shalt  }
0x58: {  	_ =	shalt  }
0x59: {  	_ =	shalt  }
0x5a: {  	_ =	shalt  }
0x5b: {  	_ =	shalt  }
0x5c: {  	_ =	shalt  }
0x5d: {  	_ =	shalt  }
0x5e: {  	_ =	shalt  }
0x5f: {  	_ =	shalt  }
0x60: {  	_ =	shalt  }
0x61: {  	_ =	shalt  }
0x62: {  	_ =	shalt  }
0x63: {  	_ =	shalt  }
0x64: {  	_ =	shalt  }
0x65: {  	_ =	shalt  }
0x66: {  	_ =	shalt  }
0x67: {  	_ =	shalt  }
0x68: {  	_ =	shalt  }
0x69: {  	_ =	shalt  }
0x6a: {  	_ =	shalt  }
0x6b: {  	_ =	shalt  }
0x6c: {  	_ =	shalt  }
0x6d: {  	_ =	shalt  }
0x6e: {  	_ =	shalt  }
0x6f: {  	_ =	shalt  }
0x70: {  	_ =	shalt  }
0x71: {  	_ =	shalt  }
0x72: {  	_ =	shalt  }
0x73: {  	_ =	shalt  }
0x74: {  	_ =	shalt  }
0x75: {  	_ =	shalt  }
0x76: {  	_ =	shalt  }
0x77: {  	_ =	shalt  }
0x78: {  	_ =	shalt  }
0x79: {  	_ =	shalt  }
0x7a: {  	_ =	shalt  }
0x7b: {  	_ =	shalt  }
0x7c: {  	_ =	shalt  }
0x7d: {  	_ =	shalt  }
0x7e: {  	_ =	shalt  }
0x7f: {  	_ =	shalt  }
0x80: {  	_ =	shalt  }
0x81: {  	_ =	shalt  }
0x82: {  	_ =	shalt  }
0x83: {  	_ =	shalt  }
0x84: {  	_ =	shalt  }
0x85: {  	_ =	shalt  }
0x86: {  	_ =	shalt  }
0x87: {  	_ =	shalt  }
.Lfunc_end0:
.L_simem_size_0:
called_computation.2_lowered:
.L_overlay_start_0:
0x88: {  	s2 =	sld [smem:$0x3FD9]  }
0x89: {  	s3 =	sld [smem:$0x3FFE];
	_ =	sdelay $0x1  }
0x8a: {  	s1 =	srdreg.scid  }
0x8b: {  	s0 =	sand.u32 $0x1, s1  }
0x8c: {  	s14 =	sshll.u32 s0, $0xA;
	s2 =	sadd.s32 s3, s2  }
0x8d: {  	s2 =	sadd.s32 s2, s14  }
0x8e: {  	[smem:$0x3FB3] =	sst s2  }
0x8f: {  	_ = 	snop  }
0x90: {  	s2 =	sld [smem:$0x3FD0];
	_ =	sdelay $0x2  }
0x91: {  	s15 =	simm.s32 $0xA;
	s4 =	simm.s32 $0x10  }
0x92: {  	[smem:s4], [sflag:s15] =	dma.local [hbm:s2], $0x1  }
0x93: {  	_ =	swait.eq [sflag:s15], $0x1  }
0x94: {  	[sflag:s15] =	ssyncset.done $0x0  }
0x95: {  	[sflag:s15] =	ssyncadd.s32 $0xFFFFFFFF  }
0x96: {  	s16 =	sld [smem:$0x11];
	(tm) =	ssettm $0x1  }
0x97: {  	s17 =	sld [smem:$0x3FFB];
	_ =	sdelay $0x3  }
0x98: {  	_ =	strace s17  }
0x99: {  	s3 =	sld [smem:$0x3FFC];
	_ =	sdelay $0x3  }
0x9a: {  	_ =	strace s3  }
0x9b: {  	s3 =	sld [smem:$0x3FFD];
	_ =	sdelay $0x3  }
0x9c: {  	_ =	strace s3  }
0x9d: {  	_ =	strace $0x8FFFFFFF  }
0x9e: {  	s18 =	sld [smem:$0x3FDB];
	_ =	sdelay $0x1  }
0x9f: {  	s19 =	simm.s32 $_scs_section_size  }
0xa0: {  	s5 =	simm.s32 $_size__tile_overlayer_lowered;
	s6 =	simm.s32 $_tile_overlayer_lowered  }
0xa1: {  	s22 =	simm.s32 $0x1BFF;
	s21 =	sshll.u32 s6, $0x1;
	s3 =	sadd.s32 s19, s18  }
0xa2: {  	s7 =	simm.s32 $0x0;
	s20 =	sshll.u32 s5, $0x1;
	s5 =	sadd.s32 s21, s3  }
0xa3: {  	[timem:s7], [sflag:s22] =	dma.local [hbm:s5], s20  }
0xa4: {  	_ =	swait.ge [sflag:s22], s20  }
0xa5: {  	s4 =	ssub.s32 $0x0, s20;
	[sflag:s22] =	ssyncset.done $0x0  }
0xa6: {  	[sflag:s22] =	ssyncadd.s32 s4;
	_ =	sdelay $0x1  }
0xa7: {  	s23 =	simm.s32 $0x1B8B  }
0xa8: {  	_ =	swait.ge [sflag:s23], $0x1  }
0xa9: {  	[sflag:s23] =	ssyncset.done $0x0  }
0xaa: {  	s25 =	simm.s32 $0x1B8E;
	s24 =	sld [smem:$0x3FFE];
	[sflag:s23] =	ssyncadd.s32 $0xFFFFFFFF  }
0xab: {  	s26 =	simm.s32 $execute0_lowered;
	[smem:$0x3FD2] =	sst s25  }
0xac: {  	s5 =	sshll.u32 s26, $0x1;
	_ =	strace $0x8000004C;
	[dreg:$0x1] =	wrdreg $0xFFFFFFFF  }
0xad: {  	s28 =	simm.s32 $_size_execute0_lowered;
	s3 =	sadd.s32 s3, s5;
	[dreg:$0x0] =	wrdreg $0x0  }
0xae: {  	s5 =	sshll.u32 s28, $0x1;
	[dreg:$0x2] =	wrdreg s3  }
0xaf: {  	[dreg:$0x3] =	wrdreg s5  }
0xb0: {  	[dreg:$0x4] =	wrdreg $0xC0  }
0xb1: {  	_ =	task [dreg:s7], $0x5FFFF  }
0xb2: {  	[dreg:$0x1] =	wrdreg $0xFFFFFFFF  }
0xb3: {  	[dreg:$0x0] =	wrdreg $0x60  }
0xb4: {  	[dreg:$0x2] =	wrdreg s24  }
0xb5: {  	[dreg:$0x3] =	wrdreg s16  }
0xb6: {  	[dreg:$0x4] =	wrdreg $0x68000  }
0xb7: {  	[dreg:$0x5] =	wrdreg $0x9  }
0xb8: {  	_ =	task.clear_ibuf [dreg:s7], $0x6FFFF;
	_ =	strace $0x9000004C  }
0xb9: {  	s29 =	simm.s32 $0x9;
	_ =	strace $0x8000004E  }
0xba: {  	_ =	swait.ge [sflag:s29], $0x1  }
0xbb: {  	[sflag:s29] =	ssyncadd.s32 $0xFFFFFFFF  }
0xbc: {  	_ =	strace $0x9000004E  }
0xbd: {  	_ =	sfence  }
0xbe: {  	s30 =	sld [smem:$0x0];
	_ =	sdelay $0x2  }
0xbf: {  	s31 =	sshll.u32 s1, $0xD;
	s1 =	sshrl.u32 s1, $0x2  }
0xc0: {  	s3 =	sand.u32 $0x4000, s31;
	s1 =	sadd.s32 s1, s30  }
0xc1: {  	s0 =	sor.u32 s3, s0;
	s1 =	sshll.u32 s1, $0x11  }
0xc2: {  	s0 =	sor.u32 s1, s0  }
0xc3: {  	s0 =	sadd.s32 $0x8F2B, s0  }
0xc4: {  	[sflag:s0] =	ssyncadd.remote.s32 $0x1  }
0xc5: {  	_ =	sfence.sel $0xFFFF  }
0xc6: {  	[dreg:$0x0] =	wrdreg $0xFFFFFFFF;
	(pc) =	sbr.abs _section_cstart, $3  }
0xc7: {  	[dreg:$0x1] =	wrdreg $0xFFFFFFFF  }
0xc8: {  	_ =	task.clear_ibuf [dreg:s7], $0x2FFFF;
	_ =	strace $0x9FFFFFFF  }
0xc9: {  	(tm) =	ssettm $0x7FFFFFFF  }
tec
execute0_lowered:
.L_overlay_start_1:
0x0: {  	(tag) =	ssettag $0x1  }
0x1: {  	s4 =	rddreg [dreg:$0x0]  }
0x2: {  	s5 =	rddreg [dreg:$0x1]  }
0x3: {  	s1 =	rddreg [dreg:$0x2]  }
0x4: {  	s0 =	rddreg [dreg:$0x3];
	s2 =	simm.s32 $0x0  }
0x5: {  	s6 =	srdreg.scid;
	s3 =	stileid.u32;
	s21 =	simm.s32 $0x28  }
0x6: {  	s22 =	simm.s32 $0x0;
	[smem:$0x7FF] =	sst s2;
	s18 =	sadd.s32 $0x27F1C00, s4  }
0x7: {  	s8 =	sand.u32 $0x1, s6;
	s12 =	sadd.s32 $0x26B1C00, s4;
	s7 =	smul.u32 $0x50000, s3  }
0x8: {  	s13 =	sadd.s32 $0x209800, s4;
	s11 =	smul.u32 $0x14000, s3;
	s24 =	sshll.u32 s3, $0xB  }
0x9: {  	s19 =	smul.u32 $0x9C400, s3;
	_ =	strace $0x8000004D;
	s6 =	ssub.s32 $0x2, s8  }
0xa: {  	s25 =	smul.u32 $0x500000, s8;
	s4 =	sadd.s32 s5, s24;
	s26 =	sshll.u32 s8, $0x2  }
0xb: {  	s15 =	smul.u32 $0x2710000, s8;
	s8 =	sshllo.u32 s8, $0x2;
	s23 =	sshrl.u32 s6, $0x1  }
0xc: {  	s7 =	sshrl.u32 s7, $0x2;
	s9 =	sor.u32 $0x1, s26;
	s16 =	sor.u32 $0x2, s26  }
0xd: {  	s29 =	smul.u32 $0x140000, s8;
	s14 =	ssub.s32 s6, s23;
	s6 =	sadd.s32 s11, s25  }
0xe: {  	s9 =	smul.u32 $0x140000, s9;
	s5 =	sadd.s32 s7, s1;
	s30 =	sadd.s32 s19, s15  }
0xf: {  	s16 =	smul.u32 $0x140000, s16;
	s10 =	sshrl.u32 s6, $0x3;
	s15 =	sshrl.u32 s30, $0x3  }
0x10: {  	s14 =	smax.u32 s14, $0x1;
	s31 =	sadd.s32 $0x9C4000, s30;
	s19 =	sadd.s32 $0x1388000, s30  }
0x11: {  	s6 =	sadd.s32 s12, s10;
	s7 =	sadd.s32 s13, s10;
	s9 =	sadd.s32 s11, s9  }
0x12: {  	s28 =	sadd.s32 s11, s16;
	s16 =	sadd.s32 s11, s29;
	s15 =	sadd.s32 s15, s18  }
0x13: {  	s19 =	sshrl.u32 s19, $0x3;
	s9 =	sshrl.u32 s9, $0x3;
	s17 =	sshrl.u32 s28, $0x3  }
0x14: {  	s16 =	sshrl.u32 s16, $0x3;
	s8 =	sadd.s32 s12, s9;
	s9 =	sadd.s32 s13, s9  }
0x15: {  	s10 =	sadd.s32 s12, s17;
	s11 =	sadd.s32 s13, s17;
	s12 =	sadd.s32 s12, s16  }
0x16: {  	s13 =	sadd.s32 s13, s16;
	s16 =	sshrl.u32 s31, $0x3;
	s17 =	sadd.s32 $0x1D4C000, s30  }
0x17: {  	s16 =	sadd.s32 s16, s18;
	s20 =	sshrl.u32 s17, $0x3;
	s17 =	sadd.s32 s19, s18  }
0x18: {  	v0 =	vimm.f32 $0.0e+00;
	s19 =	simm.s32 $0x1;
	s18 =	sadd.s32 s20, s18;
	s20 =	simm.s32 $0x4000  }
.LBB2_1:
0x19: {  	s23 =	sand.u32 $0x7E00, s2  }
0x1a: {  	s24 =	sand.u32 $0x70, s2;
	s25 =	sshrl.u32 s23, $0x2  }
0x1b: {  	s23 =	simm.s32 $0x40;
	s25 =	sor.u32 s24, s25;
	s24 =	simm.s32 $0x0  }
.LBB2_2:
0x1c: {  	p0 =	sne.s32 s23, $0x4FC0  }
0x1d: {  	[tilespmem:s25+$0x5400] =	vst v0;
	s24 =	sadd.s32 $0x10, s24;
	s25 =	smov.u32 s23;
	s23 =	sadd.s32 $0x40, s23  }
.Ltmp0:
0x1e: {  	(pc) =	sbr.rel @p0 .LBB2_2-.Ltmp0, $4  }
0x1f: {  	_ = 	snop  }
0x20: {  	s25 =	sand.u32 $0x7E00, s25  }
0x21: {  	s26 =	sand.u32 $0x70, s24;
	s25 =	sshrl.u32 s25, $0x2  }
0x22: {  	s25 =	sor.u32 s26, s25  }
0x23: {  	[tilespmem:s25+$0x5400] =	vst v0;
	s23 =	simm.s32 $0x0  }
0x24: {  	[tilespmem:s23], [sflag:$0x1] =	stream.linear.gather [hbm4b:s4+s23], $0x3E80, $0x38;
	[tilespmem:$0x1A800] =	vst v63  }
0x25: {  	_ =	swait.ge [sflag:s19], $0x3E80  }
0x26: {  	s30 =	sshll.u32 s3, $0x6;
	[sflag:s19] =	ssyncset.done $0x0  }
0x27: {  	s24 =	sshrl.u32 s5, $0x3;
	s23 =	sor.u32 $0x1C01, s30;
	[sflag:s19] =	ssyncadd.s32 $0xFFFFC180  }
0x28: {  	[spmem:s24], [sflag:s23] =	dma.local [hbm:s6], $0x2800  }
0x29: {  	_ =	swait.ge [sflag:s19], $0x2800  }
0x2a: {  	[sflag:s19] =	ssyncset.done $0x0  }
0x2b: {  	[sflag:s19] =	ssyncadd.s32 $0xFFFFD800  }
0x2c: {  	[bflag:$0x0] =	sbarrier.arrive $0xFFFF  }
0x2d: {  	[tilespmem:s20], [sflag:$0x1] =	stream.linear.gather [hbm4b:s15+s2], $0x1400, $0x38;
	[tilespmem:$0x1A800] =	vst v63  }
0x2e: {  	_ =	swait.ge [sflag:s19], $0x1400  }
0x2f: {  	[sflag:s19] =	ssyncset.done $0x0  }
0x30: {  	s31 =	simm.s32 $0x0;
	[sflag:s19] =	ssyncadd.s32 $0xFFFFEC00  }
0x31: {  	[spmem:s1] =	stream.indirect.scatter.add.f32 [tilespmem:s20], [sflag:$0x1], $0x80, s31, s21, $0xb8;
	[tilespmem:$0x1A800] =	vst v63  }
0x32: {  	_ =	swait.ge [sflag:s19], $0x1400  }
0x33: {  	s25 =	simm.s32 $0x200;
	s26 =	smov.u32 s15;
	[sflag:s19] =	ssyncset.done $0x0  }
.LBB2_4:
0x34: {  	p0 =	sne.s32 s25, $0xF800;
	[sflag:s19] =	ssyncadd.s32 $0xFFFFEC00;
	s26 =	sadd.s32 $0x280, s26  }
0x35: {  	[tilespmem:s20], [sflag:$0x1] =	stream.linear.gather [hbm4b:s26+s2], $0x1400, $0x38;
	[tilespmem:$0x1A800] =	vst v63  }
0x36: {  	s28 =	smov.u32 s25;
	s25 =	sadd.s32 $0x200, s25;
	_ =	swait.ge [sflag:s19], $0x1400  }
.Ltmp1:
0x37: {  	[sflag:s19] =	ssyncset.done $0x0;
	(pc) =	sbr.rel @p0 .LBB2_4-.Ltmp1, $4  }
0x38: {  	s28 =	sshra.s32 s28, $0x2;
	[sflag:s19] =	ssyncadd.s32 $0xFFFFEC00  }
0x39: {  	[spmem:s1] =	stream.indirect.scatter.add.f32 [tilespmem:s20], [sflag:$0x1], $0x80, s28, s21, $0xb8;
	[tilespmem:$0x1A800] =	vst v63  }
0x3a: {  	_ =	swait.ge [sflag:s19], $0x1400  }
0x3b: {  	[sflag:s19] =	ssyncset.done $0x0  }
0x3c: {  	[sflag:s19] =	ssyncadd.s32 $0xFFFFEC00  }
0x3d: {  	[bflag:$0x0] =	sbarrier.arrive $0xFFFF  }
0x3e: {  	[hbm:s7], [sflag:s23] =	dma.local [spmem:s24], $0x2800  }
0x3f: {  	_ =	swait.ge [sflag:s19], $0x2800  }
0x40: {  	[sflag:s19] =	ssyncset.done $0x0  }
0x41: {  	[sflag:s19] =	ssyncadd.s32 $0xFFFFD800  }
0x42: {  	[spmem:s24], [sflag:s23] =	dma.local [hbm:s8], $0x2800  }
0x43: {  	_ =	swait.ge [sflag:s19], $0x2800  }
0x44: {  	[sflag:s19] =	ssyncset.done $0x0  }
0x45: {  	[sflag:s19] =	ssyncadd.s32 $0xFFFFD800  }
0x46: {  	[bflag:$0x0] =	sbarrier.arrive $0xFFFF  }
0x47: {  	[tilespmem:s20], [sflag:$0x1] =	stream.linear.gather [hbm4b:s16+s2], $0x1400, $0x38;
	[tilespmem:$0x1A800] =	vst v63  }
0x48: {  	_ =	swait.ge [sflag:s19], $0x1400  }
0x49: {  	[sflag:s19] =	ssyncset.done $0x0  }
0x4a: {  	s25 =	simm.s32 $0x0;
	[sflag:s19] =	ssyncadd.s32 $0xFFFFEC00  }
0x4b: {  	[spmem:s1] =	stream.indirect.scatter.add.f32 [tilespmem:s20], [sflag:$0x1], $0x80, s25, s21, $0xb8;
	[tilespmem:$0x1A800] =	vst v63  }
0x4c: {  	_ =	swait.ge [sflag:s19], $0x1400  }
0x4d: {  	s26 =	smov.u32 s16;
	s25 =	simm.s32 $0x200;
	[sflag:s19] =	ssyncset.done $0x0  }
.LBB2_6:
0x4e: {  	p0 =	sne.s32 s25, $0xF800;
	[sflag:s19] =	ssyncadd.s32 $0xFFFFEC00;
	s26 =	sadd.s32 $0x280, s26  }
0x4f: {  	[tilespmem:s20], [sflag:$0x1] =	stream.linear.gather [hbm4b:s26+s2], $0x1400, $0x38;
	[tilespmem:$0x1A800] =	vst v63  }
0x50: {  	s28 =	smov.u32 s25;
	s25 =	sadd.s32 $0x200, s25;
	_ =	swait.ge [sflag:s19], $0x1400  }
.Ltmp2:
0x51: {  	[sflag:s19] =	ssyncset.done $0x0;
	(pc) =	sbr.rel @p0 .LBB2_6-.Ltmp2, $4  }
0x52: {  	s28 =	sshra.s32 s28, $0x2;
	[sflag:s19] =	ssyncadd.s32 $0xFFFFEC00  }
0x53: {  	[spmem:s1] =	stream.indirect.scatter.add.f32 [tilespmem:s20], [sflag:$0x1], $0x80, s28, s21, $0xb8;
	[tilespmem:$0x1A800] =	vst v63  }
0x54: {  	_ =	swait.ge [sflag:s19], $0x1400  }
0x55: {  	[sflag:s19] =	ssyncset.done $0x0  }
0x56: {  	[sflag:s19] =	ssyncadd.s32 $0xFFFFEC00  }
0x57: {  	[bflag:$0x0] =	sbarrier.arrive $0xFFFF  }
0x58: {  	[hbm:s9], [sflag:s23] =	dma.local [spmem:s24], $0x2800  }
0x59: {  	_ =	swait.ge [sflag:s19], $0x2800  }
0x5a: {  	[sflag:s19] =	ssyncset.done $0x0  }
0x5b: {  	[sflag:s19] =	ssyncadd.s32 $0xFFFFD800  }
0x5c: {  	[spmem:s24], [sflag:s23] =	dma.local [hbm:s10], $0x2800  }
0x5d: {  	_ =	swait.ge [sflag:s19], $0x2800  }
0x5e: {  	[sflag:s19] =	ssyncset.done $0x0  }
0x5f: {  	[sflag:s19] =	ssyncadd.s32 $0xFFFFD800  }
0x60: {  	[bflag:$0x0] =	sbarrier.arrive $0xFFFF  }
0x61: {  	[tilespmem:s20], [sflag:$0x1] =	stream.linear.gather [hbm4b:s17+s2], $0x1400, $0x38;
	[tilespmem:$0x1A800] =	vst v63  }
0x62: {  	_ =	swait.ge [sflag:s19], $0x1400  }
0x63: {  	[sflag:s19] =	ssyncset.done $0x0  }
0x64: {  	s25 =	simm.s32 $0x0;
	[sflag:s19] =	ssyncadd.s32 $0xFFFFEC00  }
0x65: {  	[spmem:s1] =	stream.indirect.scatter.add.f32 [tilespmem:s20], [sflag:$0x1], $0x80, s25, s21, $0xb8;
	[tilespmem:$0x1A800] =	vst v63  }
0x66: {  	_ =	swait.ge [sflag:s19], $0x1400  }
0x67: {  	s26 =	smov.u32 s17;
	s25 =	simm.s32 $0x200;
	[sflag:s19] =	ssyncset.done $0x0  }
.LBB2_8:
0x68: {  	p0 =	sne.s32 s25, $0xF800;
	[sflag:s19] =	ssyncadd.s32 $0xFFFFEC00;
	s26 =	sadd.s32 $0x280, s26  }
0x69: {  	[tilespmem:s20], [sflag:$0x1] =	stream.linear.gather [hbm4b:s26+s2], $0x1400, $0x38;
	[tilespmem:$0x1A800] =	vst v63  }
0x6a: {  	s28 =	smov.u32 s25;
	s25 =	sadd.s32 $0x200, s25;
	_ =	swait.ge [sflag:s19], $0x1400  }
.Ltmp3:
0x6b: {  	[sflag:s19] =	ssyncset.done $0x0;
	(pc) =	sbr.rel @p0 .LBB2_8-.Ltmp3, $4  }
0x6c: {  	s28 =	sshra.s32 s28, $0x2;
	[sflag:s19] =	ssyncadd.s32 $0xFFFFEC00  }
0x6d: {  	[spmem:s1] =	stream.indirect.scatter.add.f32 [tilespmem:s20], [sflag:$0x1], $0x80, s28, s21, $0xb8;
	[tilespmem:$0x1A800] =	vst v63  }
0x6e: {  	_ =	swait.ge [sflag:s19], $0x1400  }
0x6f: {  	[sflag:s19] =	ssyncset.done $0x0  }
0x70: {  	[sflag:s19] =	ssyncadd.s32 $0xFFFFEC00  }
0x71: {  	[bflag:$0x0] =	sbarrier.arrive $0xFFFF  }
0x72: {  	[hbm:s11], [sflag:s23] =	dma.local [spmem:s24], $0x2800  }
0x73: {  	_ =	swait.ge [sflag:s19], $0x2800  }
0x74: {  	[sflag:s19] =	ssyncset.done $0x0  }
0x75: {  	[sflag:s19] =	ssyncadd.s32 $0xFFFFD800  }
0x76: {  	[spmem:s24], [sflag:s23] =	dma.local [hbm:s12], $0x2800  }
0x77: {  	_ =	swait.ge [sflag:s19], $0x2800  }
0x78: {  	[sflag:s19] =	ssyncset.done $0x0  }
0x79: {  	[sflag:s19] =	ssyncadd.s32 $0xFFFFD800  }
0x7a: {  	[bflag:$0x0] =	sbarrier.arrive $0xFFFF  }
0x7b: {  	[tilespmem:s20], [sflag:$0x1] =	stream.linear.gather [hbm4b:s18+s2], $0x1400, $0x38;
	[tilespmem:$0x1A800] =	vst v63  }
0x7c: {  	_ =	swait.ge [sflag:s19], $0x1400  }
0x7d: {  	[sflag:s19] =	ssyncset.done $0x0  }
0x7e: {  	s25 =	simm.s32 $0x0;
	[sflag:s19] =	ssyncadd.s32 $0xFFFFEC00  }
0x7f: {  	[spmem:s1] =	stream.indirect.scatter.add.f32 [tilespmem:s20], [sflag:$0x1], $0x80, s25, s21, $0xb8;
	[tilespmem:$0x1A800] =	vst v63  }
0x80: {  	_ =	swait.ge [sflag:s19], $0x1400  }
0x81: {  	s26 =	smov.u32 s18;
	s25 =	simm.s32 $0x200;
	[sflag:s19] =	ssyncset.done $0x0  }
.LBB2_10:
0x82: {  	p0 =	sne.s32 s25, $0xF800;
	[sflag:s19] =	ssyncadd.s32 $0xFFFFEC00;
	s26 =	sadd.s32 $0x280, s26  }
0x83: {  	[tilespmem:s20], [sflag:$0x1] =	stream.linear.gather [hbm4b:s26+s2], $0x1400, $0x38;
	[tilespmem:$0x1A800] =	vst v63  }
0x84: {  	s28 =	smov.u32 s25;
	s25 =	sadd.s32 $0x200, s25;
	_ =	swait.ge [sflag:s19], $0x1400  }
.Ltmp4:
0x85: {  	[sflag:s19] =	ssyncset.done $0x0;
	(pc) =	sbr.rel @p0 .LBB2_10-.Ltmp4, $4  }
0x86: {  	s28 =	sshra.s32 s28, $0x2;
	[sflag:s19] =	ssyncadd.s32 $0xFFFFEC00  }
0x87: {  	[spmem:s1] =	stream.indirect.scatter.add.f32 [tilespmem:s20], [sflag:$0x1], $0x80, s28, s21, $0xb8;
	[tilespmem:$0x1A800] =	vst v63  }
0x88: {  	_ =	swait.ge [sflag:s19], $0x1400  }
0x89: {  	[sflag:s19] =	ssyncset.done $0x0  }
0x8a: {  	s22 =	sadd.s32 $0x1, s22  }
0x8b: {  	[sflag:s19] =	ssyncadd.s32 $0xFFFFEC00;
	p0 =	sne.s32 s22, s14  }
.Ltmp5:
0x8c: {  	[bflag:$0x0] =	sbarrier.arrive $0xFFFF;
	(pc) =	sbr.rel @p0 .LBB2_1-.Ltmp5, $4  }
0x8d: {  	[hbm:s13], [sflag:s23] =	dma.local [spmem:s24], $0x2800  }
0x8e: {  	_ =	swait.ge [sflag:s19], $0x2800  }
0x8f: {  	[sflag:s19] =	ssyncset.done $0x0  }
0x90: {  	[sflag:s19] =	ssyncadd.s32 $0xFFFFD800  }
0x91: {  	_ =	sfence.sel $0x180000  }
0x92: {  	[bflag:$0x0] =	sbarrier.arrive $0xFFFF  }
0x93: {  	p0 =	sne.s32 s3, $0x0;
	_ =	strace $0x9000004D  }
0x94: {  	s0 =	sadd.s32 @!p0 $0x100000, s0;
	[bflag:$0x2] =	sbarrier.arrive $0xFFFF  }
0x95: {  	[sflag:s0] =	ssyncadd.tile.s32 @!p0 $0x1;
	_ =	shalt  }
.Lfunc_end2:
_tile_overlayer_lowered:
.L_overlay_start_2:
0x96: {  	(tag) =	ssettag $0x2  }
0x97: {  	s0 =	rddreg [dreg:$0x0];
	s2 =	stileid.u32  }
0x98: {  	s1 =	rddreg [dreg:$0x1];
	p0 =	sne.s32 s2, $0x0  }
0x99: {  	s3 =	rddreg [dreg:$0x2];
	[bflag:$0x3] =	sbarrier.arrive $0xFFFF;
	s2 =	simm.s32 @!p0 $0x1C01  }
0x9a: {  	[timem:s3], [sflag:s2] =	dma.local @!p0 [hbm:s0], s1  }
0x9b: {  	s0 =	simm.s32 @!p0 $0x1  }
0x9c: {  	_ =	swait.ge @!p0 [sflag:s0], s1  }
0x9d: {  	s1 =	ssub.s32 @!p0 $0x0, s1;
	[sflag:s0] =	ssyncset.done @!p0 $0x0  }
0x9e: {  	[sflag:s0] =	ssyncadd.s32 @!p0 s1  }
0x9f: {  	[bflag:$0x3] =	sbarrier.arrive $0xFFFF  }
0xa0: {  	_ =	shalt  }

// kernel: kernel.9.cloned.1.call-start
scs
__scs_entry_jumppad:
0x0: {  	(pc) =	sbr.rel $0x88, $3  }
0x1: {  	(tag) =	ssettag $0x0;
	lr =	simm.s32 $0x1  }
0x2: {  	[smem:$0x3F8C] =	sst lr;
	_ =	strace $0xD0000000  }
0x3: {  	_ = 	snop  }
0x4: {  	_ = 	snop  }
0x5: {  	_ = 	snop  }
0x6: {  	_ = 	snop  }
0x7: {  	_ = 	snop  }
__scs_overlays_trampoline_lowered:
0x8: {  	[smem:$0x3F9B] =	sst s0  }
0x9: {  	[smem:$0x3F9C] =	sst s1  }
0xa: {  	[smem:$0x3F9D] =	sst s2  }
0xb: {  	[smem:$0x3F9E] =	sst s3  }
0xc: {  	[smem:$0x3F9F] =	sst s4  }
0xd: {  	[smem:$0x3FA0] =	sst s5  }
0xe: {  	[smem:$0x3FA1] =	sst s6  }
0xf: {  	[smem:$0x3FA2] =	sst s7  }
0x10: {  	[smem:$0x3FA3] =	sst s8  }
0x11: {  	[smem:$0x3FA4] =	sst s9;
	s0 =	simm.s32 @!p0 $0x0  }
0x12: {  	s1 =	sld [smem:$0x3F8A];
	s0 =	simm.s32 @p0 $0x1  }
0x13: {  	[smem:$0x3FA5] =	sst s0;
	s0 =	simm.s32 @!p1 $0x0  }
0x14: {  	s2 =	sld [smem:$0x3F89];
	s0 =	simm.s32 @p1 $0x1  }
0x15: {  	[smem:$0x3FA6] =	sst s0;
	s0 =	simm.s32 @!p2 $0x0  }
0x16: {  	s3 =	sld [smem:$0x3FDB];
	s0 =	simm.s32 @p2 $0x1  }
0x17: {  	s4 =	simm.s32 $0x1BF5;
	[smem:$0x3FA8] =	sst s0  }
0x18: {  	s0 =	sld [smem:$0x3F8B];
	_ =	swait.ge [sflag:s4], $0x0  }
0x19: {  	s7 =	sld [smem:$0x3F8C]  }
0x1a: {  	s8 =	sadd.s32 $0xFFFFE003, lr  }
0x1b: {  	s9 =	sadd.s32 $0xFFFFFEF7, lr;
	s5 =	simm.s32 $0xFFFFFFFF;
	p2 =	slt.u32 s8, $0xFFFFF086  }
0x1c: {  	p1 =	slt.u32 s9, $0xF7A;
	s5 =	simm.s32 @!p2 $0x0  }
0x1d: {  	s5 =	simm.s32 @p1 $0x1;
	p0 =	seq.s32 s7, s2  }
0x1e: {  	s7 =	smul.u32 @!p0 $0xF7A, s2;
	p2 =	seq.s32 @!p0 s5, $0x0  }
0x1f: {  	s9 =	smul.u32 $0xF7A, s1;
	s8 =	simm.s32 @!p0 $0x1BF5;
	p2 =	por !p2, p0  }
0x20: {  	[sflag:s8] =	ssyncset.s32 @!p0 $0xFFFFF086;
	s6 =	sadd.s32 @!p0 s3, s7;
	s7 =	simm.s32 @!p0 $0x108  }
0x21: {  	s3 =	sadd.s32 s3, s9;
	s6 =	sadd.s32 @!p0 $0x88, s6;
	s7 =	simm.s32 @p2 $0x1082  }
0x22: {  	[simem:s7], [sflag:s8] =	dma.local @!p0 [hbm:s6], $0xF7A  }
0x23: {  	s9 =	sor.u32 $0xD0000000, s2;
	s6 =	simm.s32 $0x108;
	_ =	swait.ge @!p0 [sflag:s8], $0x0  }
0x24: {  	s3 =	sadd.s32 $0x88, s3;
	s6 =	simm.s32 @!p1 $0x1082;
	[sflag:s4] =	ssyncset.s32 $0xFFFFF086  }
0x25: {  	[simem:s6], [sflag:s4] =	dma.local [hbm:s3], $0xF7A  }
0x26: {  	[smem:$0x3F8C] =	sst s1;
	(tag) =	ssettag s2;
	_ =	strace s9  }
0x27: {  	s1 =	sld [smem:$0x3F9C]  }
0x28: {  	s2 =	sld [smem:$0x3F9D]  }
0x29: {  	s4 =	sld [smem:$0x3F9F]  }
0x2a: {  	p0 =	seq.s32 s5, $0x0;
	s5 =	sld [smem:$0x3FA0]  }
0x2b: {  	s6 =	sld [smem:$0x3FA1]  }
0x2c: {  	s7 =	sld [smem:$0x3FA2]  }
0x2d: {  	s3 =	simm.s32 $0x108;
	s8 =	sld [smem:$0x3FA3]  }
0x2e: {  	s3 =	simm.s32 @!p0 $0x1082;
	s9 =	sld [smem:$0x3FA4]  }
0x2f: {  	lr =	sadd.s32 s0, s3;
	s0 =	sld [smem:$0x3F9B]  }
0x30: {  	s3 =	sld [smem:$0x3F9E]  }
0x31: {  	[smem:$0x3FA7] =	sst s10  }
0x32: {  	s10 =	sld [smem:$0x3FA5];
	_ =	sdelay $0x3  }
0x33: {  	p0 =	seq.s32 s10, $0x1;
	s10 =	sld [smem:$0x3FA7];
	_ =	sdelay $0x3  }
0x34: {  	[smem:$0x3FA7] =	sst s10  }
0x35: {  	s10 =	sld [smem:$0x3FA6];
	_ =	sdelay $0x3  }
0x36: {  	p1 =	seq.s32 s10, $0x1;
	s10 =	sld [smem:$0x3FA7];
	_ =	sdelay $0x3  }
0x37: {  	[smem:$0x3FA7] =	sst s10  }
0x38: {  	s10 =	sld [smem:$0x3FA8]  }
0x39: {  	_ = 	snop;
	(pc) =	sbr.ind lr, $3  }
0x3a: {  	_ = 	snop  }
0x3b: {  	_ = 	snop  }
0x3c: {  	p2 =	seq.s32 s10, $0x1;
	s10 =	sld [smem:$0x3FA7]  }
0x3d: {  	_ =	shalt  }
0x3e: {  	_ =	shalt  }
0x3f: {  	_ =	shalt  }
0x40: {  	_ =	shalt  }
0x41: {  	_ =	shalt  }
0x42: {  	_ =	shalt  }
0x43: {  	_ =	shalt  }
0x44: {  	_ =	shalt  }
0x45: {  	_ =	shalt  }
0x46: {  	_ =	shalt  }
0x47: {  	_ =	shalt  }
0x48: {  	_ =	shalt  }
0x49: {  	_ =	shalt  }
0x4a: {  	_ =	shalt  }
0x4b: {  	_ =	shalt  }
0x4c: {  	_ =	shalt  }
0x4d: {  	_ =	shalt  }
0x4e: {  	_ =	shalt  }
0x4f: {  	_ =	shalt  }
0x50: {  	_ =	shalt  }
0x51: {  	_ =	shalt  }
0x52: {  	_ =	shalt  }
0x53: {  	_ =	shalt  }
0x54: {  	_ =	shalt  }
0x55: {  	_ =	shalt  }
0x56: {  	_ =	shalt  }
0x57: {  	_ =	shalt  }
0x58: {  	_ =	shalt  }
0x59: {  	_ =	shalt  }
0x5a: {  	_ =	shalt  }
0x5b: {  	_ =	shalt  }
0x5c: {  	_ =	shalt  }
0x5d: {  	_ =	shalt  }
0x5e: {  	_ =	shalt  }
0x5f: {  	_ =	shalt  }
0x60: {  	_ =	shalt  }
0x61: {  	_ =	shalt  }
0x62: {  	_ =	shalt  }
0x63: {  	_ =	shalt  }
0x64: {  	_ =	shalt  }
0x65: {  	_ =	shalt  }
0x66: {  	_ =	shalt  }
0x67: {  	_ =	shalt  }
0x68: {  	_ =	shalt  }
0x69: {  	_ =	shalt  }
0x6a: {  	_ =	shalt  }
0x6b: {  	_ =	shalt  }
0x6c: {  	_ =	shalt  }
0x6d: {  	_ =	shalt  }
0x6e: {  	_ =	shalt  }
0x6f: {  	_ =	shalt  }
0x70: {  	_ =	shalt  }
0x71: {  	_ =	shalt  }
0x72: {  	_ =	shalt  }
0x73: {  	_ =	shalt  }
0x74: {  	_ =	shalt  }
0x75: {  	_ =	shalt  }
0x76: {  	_ =	shalt  }
0x77: {  	_ =	shalt  }
0x78: {  	_ =	shalt  }
0x79: {  	_ =	shalt  }
0x7a: {  	_ =	shalt  }
0x7b: {  	_ =	shalt  }
0x7c: {  	_ =	shalt  }
0x7d: {  	_ =	shalt  }
0x7e: {  	_ =	shalt  }
0x7f: {  	_ =	shalt  }
0x80: {  	_ =	shalt  }
0x81: {  	_ =	shalt  }
0x82: {  	_ =	shalt  }
0x83: {  	_ =	shalt  }
0x84: {  	_ =	shalt  }
0x85: {  	_ =	shalt  }
0x86: {  	_ =	shalt  }
0x87: {  	_ =	shalt  }
.Lfunc_end0:
.L_simem_size_0:
called_computation_lowered:
.L_overlay_start_0:
0x88: {  	s2 =	sld [smem:$0x3FD9]  }
0x89: {  	s3 =	sld [smem:$0x3FFE];
	_ =	sdelay $0x1  }
0x8a: {  	s1 =	srdreg.scid  }
0x8b: {  	s0 =	sand.u32 $0x1, s1  }
0x8c: {  	s14 =	sshll.u32 s0, $0xA;
	s2 =	sadd.s32 s3, s2  }
0x8d: {  	s2 =	sadd.s32 s2, s14  }
0x8e: {  	[smem:$0x3FB3] =	sst s2  }
0x8f: {  	_ = 	snop  }
0x90: {  	s2 =	sld [smem:$0x3FD0];
	_ =	sdelay $0x2  }
0x91: {  	s15 =	simm.s32 $0xA;
	s4 =	simm.s32 $0x10  }
0x92: {  	[smem:s4], [sflag:s15] =	dma.local [hbm:s2], $0x1  }
0x93: {  	_ =	swait.eq [sflag:s15], $0x1  }
0x94: {  	[sflag:s15] =	ssyncset.done $0x0  }
0x95: {  	[sflag:s15] =	ssyncadd.s32 $0xFFFFFFFF  }
0x96: {  	s16 =	sld [smem:$0x11];
	(tm) =	ssettm $0x1  }
0x97: {  	s17 =	sld [smem:$0x3FFB];
	_ =	sdelay $0x3  }
0x98: {  	_ =	strace s17  }
0x99: {  	s3 =	sld [smem:$0x3FFC];
	_ =	sdelay $0x3  }
0x9a: {  	_ =	strace s3  }
0x9b: {  	s3 =	sld [smem:$0x3FFD];
	_ =	sdelay $0x3  }
0x9c: {  	_ =	strace s3  }
0x9d: {  	_ =	strace $0x8FFFFFFF  }
0x9e: {  	s18 =	sld [smem:$0x3FDB];
	_ =	sdelay $0x1  }
0x9f: {  	s19 =	simm.s32 $_scs_section_size  }
0xa0: {  	s5 =	simm.s32 $_size__tile_overlayer_lowered;
	s6 =	simm.s32 $_tile_overlayer_lowered  }
0xa1: {  	s22 =	simm.s32 $0x1BFF;
	s21 =	sshll.u32 s6, $0x1;
	s3 =	sadd.s32 s19, s18  }
0xa2: {  	s7 =	simm.s32 $0x0;
	s20 =	sshll.u32 s5, $0x1;
	s5 =	sadd.s32 s21, s3  }
0xa3: {  	[timem:s7], [sflag:s22] =	dma.local [hbm:s5], s20  }
0xa4: {  	_ =	swait.ge [sflag:s22], s20  }
0xa5: {  	s4 =	ssub.s32 $0x0, s20;
	[sflag:s22] =	ssyncset.done $0x0  }
0xa6: {  	[sflag:s22] =	ssyncadd.s32 s4;
	_ =	sdelay $0x1  }
0xa7: {  	s23 =	simm.s32 $0x1B8B  }
0xa8: {  	_ =	swait.ge [sflag:s23], $0x1  }
0xa9: {  	[sflag:s23] =	ssyncset.done $0x0  }
0xaa: {  	s25 =	simm.s32 $0x1B8E;
	s24 =	sld [smem:$0x3FFE];
	[sflag:s23] =	ssyncadd.s32 $0xFFFFFFFF  }
0xab: {  	s26 =	simm.s32 $execute0_lowered;
	[smem:$0x3FD2] =	sst s25  }
0xac: {  	s5 =	sshll.u32 s26, $0x1;
	_ =	strace $0x80000046;
	[dreg:$0x1] =	wrdreg $0xFFFFFFFF  }
0xad: {  	s28 =	simm.s32 $_size_execute0_lowered;
	s3 =	sadd.s32 s3, s5;
	[dreg:$0x0] =	wrdreg $0x0  }
0xae: {  	s5 =	sshll.u32 s28, $0x1;
	[dreg:$0x2] =	wrdreg s3  }
0xaf: {  	[dreg:$0x3] =	wrdreg s5  }
0xb0: {  	[dreg:$0x4] =	wrdreg $0xC0  }
0xb1: {  	_ =	task [dreg:s7], $0x5FFFF  }
0xb2: {  	[dreg:$0x1] =	wrdreg $0xFFFFFFFF  }
0xb3: {  	[dreg:$0x0] =	wrdreg $0x60  }
0xb4: {  	[dreg:$0x2] =	wrdreg s16  }
0xb5: {  	[dreg:$0x3] =	wrdreg s24  }
0xb6: {  	[dreg:$0x4] =	wrdreg $0x9  }
0xb7: {  	_ =	task.clear_ibuf [dreg:s7], $0x5FFFF;
	_ =	strace $0x90000046  }
0xb8: {  	s29 =	simm.s32 $0x9;
	_ =	strace $0x80000048  }
0xb9: {  	_ =	swait.ge [sflag:s29], $0x1  }
0xba: {  	[sflag:s29] =	ssyncadd.s32 $0xFFFFFFFF  }
0xbb: {  	_ =	strace $0x90000048  }
0xbc: {  	_ =	sfence  }
0xbd: {  	s30 =	sld [smem:$0x0];
	_ =	sdelay $0x2  }
0xbe: {  	s31 =	sshll.u32 s1, $0xD;
	s1 =	sshrl.u32 s1, $0x2  }
0xbf: {  	s3 =	sand.u32 $0x4000, s31;
	s1 =	sadd.s32 s1, s30  }
0xc0: {  	s0 =	sor.u32 s3, s0;
	s1 =	sshll.u32 s1, $0x11  }
0xc1: {  	s0 =	sor.u32 s1, s0  }
0xc2: {  	s0 =	sadd.s32 $0x8F2B, s0  }
0xc3: {  	[sflag:s0] =	ssyncadd.remote.s32 $0x1  }
0xc4: {  	_ =	sfence.sel $0xFFFF  }
0xc5: {  	[dreg:$0x0] =	wrdreg $0xFFFFFFFF;
	(pc) =	sbr.abs _section_cstart, $3  }
0xc6: {  	[dreg:$0x1] =	wrdreg $0xFFFFFFFF  }
0xc7: {  	_ =	task.clear_ibuf [dreg:s7], $0x2FFFF;
	_ =	strace $0x9FFFFFFF  }
0xc8: {  	(tm) =	ssettm $0x7FFFFFFF  }
0xc9: {  	_ =	shalt  }
tec
execute0_lowered:
.L_overlay_start_1:
0x0: {  	(tag) =	ssettag $0x1  }
0x1: {  	s0 =	rddreg [dreg:$0x0]  }
0x2: {  	s1 =	srdreg.scid;
	s6 =	stileid.u32  }
0x3: {  	s4 =	rddreg [dreg:$0x1];
	s2 =	simm.s32 $0x0;
	s21 =	simm.s32 $0x28  }
0x4: {  	s22 =	simm.s32 $0x4400;
	s23 =	simm.s32 $0x4C00;
	s12 =	simm.s32 $0x2  }
0x5: {  	s24 =	simm.s32 $0x5400;
	s25 =	simm.s32 $0x5800;
	s26 =	simm.s32 $0x6000  }
0x6: {  	s28 =	simm.s32 $0xAC00;
	s29 =	simm.s32 $0xB400;
	[dreg:$0x3] =	wrdreg s0  }
0x7: {  	s30 =	simm.s32 $0xBC00;
	s31 =	simm.s32 $0xC400;
	[smem:$0x7FF] =	sst s2  }
0x8: {  	s15 =	smul.u32 $0x2710, s6;
	_ =	strace $0x80000047;
	[dreg:$0x4] =	wrdreg s21  }
0x9: {  	s14 =	sand.u32 $0x1, s1;
	s16 =	smul.u32 $0x27100, s6;
	[dreg:$0x5] =	wrdreg s22  }
0xa: {  	s3 =	sshll.u32 s6, $0x1;
	s5 =	smul.u32 $0x1388, s14;
	[dreg:$0x6] =	wrdreg s23  }
0xb: {  	s3 =	sor.u32 s14, s3;
	s7 =	ssub.s32 $0x2, s14;
	[dreg:$0x7] =	wrdreg s24  }
0xc: {  	s0 =	smul.u32 $0x13880, s14;
	s14 =	simm.s32 $0x2800;
	[dreg:$0x8] =	wrdreg s25  }
0xd: {  	[dreg:$0x9] =	wrdreg s26;
	s21 =	simm.s32 $0x8400;
	s22 =	simm.s32 $0x8C00  }
0xe: {  	s23 =	simm.s32 $0x9000;
	s24 =	simm.s32 $0x9800;
	s25 =	simm.s32 $0xA000  }
0xf: {  	s26 =	simm.s32 $0xA800;
	s3 =	smul.u32 $0x1388, s3;
	s8 =	sshrl.u32 s7, $0x1  }
0x10: {  	s10 =	sadd.s32 s16, s4;
	s16 =	simm.s32 $0x3C00;
	s1 =	sadd.s32 s5, s15  }
0x11: {  	s9 =	ssub.s32 s7, s8;
	s7 =	sadd.s32 $0xDC00, s4;
	s8 =	sadd.s32 $0xDD00, s4  }
0x12: {  	s0 =	sadd.s32 s0, s10;
	s15 =	simm.s32 $0x1;
	s1 =	sshrl.u32 s1, $0x3  }
0x13: {  	s17 =	sshrl.u32 s3, $0x3;
	s3 =	sadd.s32 $0xDA00, s4;
	s20 =	smax.u32 s9, $0x1  }
0x14: {  	s0 =	sadd.s32 $0x209800, s0;
	s1 =	smul.u32 $0x380, s1;
	[dreg:$0xc] =	wrdreg s20  }
0x15: {  	s6 =	sadd.s32 s17, s4;
	[dreg:$0xe] =	wrdreg s0;
	s17 =	simm.s32 $0x6800  }
0x16: {  	s20 =	simm.s32 $0x7C00;
	s18 =	sadd.s32 $0x3A00, s6;
	s19 =	sadd.s32 $0x8A00, s6  }
0x17: {  	v2 =	vlaneseq.u32;
	s6 =	sadd.s32 $0xDB00, s4;
	s1 =	sadd.s32 s1, s4;
	[dreg:$0xa] =	wrdreg s18  }
0x18: {  	vm0 =	vmmov $0xffff;
	vm1 =	vmmov $0xff;
	v1 =	vshrl.u32 v2, $0x3;
	[dreg:$0xb] =	wrdreg s19;
	s18 =	simm.s32 $0x7000;
	s1 =	sadd.s32 $0x47A800, s1  }
0x19: {  	v0 =	vand.u32 $0x7, v2;
	v2 =	vor.u32 $0x8, v2;
	v1 =	vmul.u32 $0x8, v1;
	s19 =	simm.s32 $0x7400;
	[dreg:$0xd] =	wrdreg s1;
	s1 =	simm.s32 $0x0  }
.LBB2_1:
0x1a: {  	s0 =	rddreg [dreg:$0xa]  }
0x1b: {  	[tilespmem:s2], [sflag:$0x2] =	stream.linear.gather [hbm4b:s0+s2], $0x1388, $0x38;
	[tilespmem:$0xC800] =	vst v63  }
0x1c: {  	_ =	swait.ge [sflag:s12], $0x1388  }
0x1d: {  	[sflag:s12] =	ssyncset.done $0x0  }
0x1e: {  	s4 =	simm.s32 $0x1400;
	s13 =	rddreg [dreg:$0xb];
	[sflag:s12] =	ssyncadd.s32 $0xFFFFEC78  }
0x1f: {  	[tilespmem:s4], [sflag:$0x2] =	stream.linear.gather [hbm4b:s13+s2], $0x1388, $0x38;
	[tilespmem:$0xC800] =	vst v63  }
0x20: {  	_ =	swait.ge [sflag:s12], $0x1388  }
0x21: {  	[sflag:s12] =	ssyncset.done $0x0;
	s11 =	rddreg [dreg:$0xe]  }
0x22: {  	s4 =	simm.s32 $0x0;
	s10 =	rddreg [dreg:$0xd];
	[sflag:s12] =	ssyncadd.s32 $0xFFFFEC78  }
.LBB2_2:
0x23: {  	s5 =	rddreg [dreg:$0x3];
	s13 =	sshra.s32 s4, $0x2  }
0x24: {  	s9 =	rddreg [dreg:$0x4];
	s0 =	sadd.s32 $0x1400, s13  }
0x25: {  	[tilespmem:s14], [sflag:$0x1] =	stream.indirect.gather [hbm4b:s5+s9], $0x80, s0, s9, $0xb8;
	[tilespmem:$0xC800] =	vst v63  }
0x26: {  	_ =	swait.ge [sflag:s15], $0x1400  }
0x27: {  	[sflag:s15] =	ssyncset.done $0x0  }
0x28: {  	[sflag:s15] =	ssyncadd.s32 $0xFFFFEC00  }
0x29: {  	[hbm4b:s11+s2] =	stream.linear.scatter [tilespmem:s14], [sflag:$0x2], $0x1400, $0x38;
	[tilespmem:$0xC800] =	vst v63  }
0x2a: {  	_ =	swait.ge [sflag:s12], $0x1400  }
0x2b: {  	[sflag:s12] =	ssyncset.done $0x0  }
0x2c: {  	[sflag:s12] =	ssyncadd.s32 $0xFFFFEC00  }
0x2d: {  	v3 =	vld [tilespmem:s13+$0x0];
	_ =	sdelay $0x4  }
0x2e: {  	v4 =	vshrl.u32 v3, $0x3  }
0x2f: {  	v4 =	vmul.u32 $0x38, v4  }
0x30: {  	v3 =	vand.u32 $0x7, v3  }
0x31: {  	v3 =	vor.u32 v3, v4  }
0x32: {  	v4 =	vperm.xlane v3, v0;
	_ =	sdelay $0x1  }
0x33: {  	v4 =	vadd.s32 v1, v4;
	_ =	sdelay $0x4  }
0x34: {  	[tilespmem:s16], [sflag:$0x1] =	stream.indirect_vreg.gather [hbm4b:s3+s2], $0x80, v4, vm0, $0xb8;
	[tilespmem:$0xC800] =	vst v63  }
0x35: {  	s9 =	rddreg [dreg:$0x5];
	v3 =	vperm.xlane v3, v2  }
0x36: {  	[tilespmem:s9], [sflag:$0x1] =	stream.indirect_vreg.gather [hbm4b:s6+s2], $0x80, v4, vm0, $0xb8;
	[tilespmem:$0xC800] =	vst v63  }
0x37: {  	s5 =	rddreg [dreg:$0x6];
	v3 =	vadd.s32 v1, v3  }
0x38: {  	[tilespmem:s5], [sflag:$0x1] =	stream.indirect_vreg.gather [hbm4b:s7+s2], $0x80, v4, vm0, $0xb8;
	[tilespmem:$0xC800] =	vst v63  }
0x39: {  	s9 =	rddreg [dreg:$0x7]  }
0x3a: {  	[tilespmem:s9], [sflag:$0x1] =	stream.indirect_vreg.gather [hbm4b:s8+s2], $0x80, v4, vm1, $0xb8;
	[tilespmem:$0xC800] =	vst v63  }
0x3b: {  	s5 =	rddreg [dreg:$0x8]  }
0x3c: {  	[tilespmem:s5], [sflag:$0x1] =	stream.indirect_vreg.gather [hbm4b:s3+s2], $0x80, v3, vm0, $0xb8;
	[tilespmem:$0xC800] =	vst v63  }
0x3d: {  	s9 =	rddreg [dreg:$0x9]  }
0x3e: {  	[tilespmem:s9], [sflag:$0x1] =	stream.indirect_vreg.gather [hbm4b:s6+s2], $0x80, v3, vm0, $0xb8;
	[tilespmem:$0xC800] =	vst v63  }
0x3f: {  	_ = 	snop  }
0x40: {  	[tilespmem:s17], [sflag:$0x1] =	stream.indirect_vreg.gather [hbm4b:s7+s2], $0x80, v3, vm0, $0xb8;
	[tilespmem:$0xC800] =	vst v63  }
0x41: {  	_ = 	snop  }
0x42: {  	[tilespmem:s18], [sflag:$0x1] =	stream.indirect_vreg.gather [hbm4b:s8+s2], $0x80, v3, vm1, $0xb8;
	[tilespmem:$0xC800] =	vst v63  }
0x43: {  	v3 =	vld [tilespmem:s13+$0x10];
	_ =	sdelay $0x4  }
0x44: {  	v62 =	vshrl.u32 v3, $0x3  }
0x45: {  	v4 =	vmul.u32 $0x38, v62  }
0x46: {  	v3 =	vand.u32 $0x7, v3  }
0x47: {  	v3 =	vor.u32 v3, v4  }
0x48: {  	v4 =	vperm.xlane v3, v0;
	_ =	sdelay $0x1  }
0x49: {  	v4 =	vadd.s32 v1, v4;
	_ =	sdelay $0x4  }
0x4a: {  	[tilespmem:s19], [sflag:$0x1] =	stream.indirect_vreg.gather [hbm4b:s3+s2], $0x80, v4, vm0, $0xb8;
	[tilespmem:$0xC800] =	vst v63  }
0x4b: {  	v3 =	vperm.xlane v3, v2  }
0x4c: {  	[tilespmem:s20], [sflag:$0x1] =	stream.indirect_vreg.gather [hbm4b:s6+s2], $0x80, v4, vm0, $0xb8;
	[tilespmem:$0xC800] =	vst v63  }
0x4d: {  	v3 =	vadd.s32 v1, v3  }
0x4e: {  	[tilespmem:s21], [sflag:$0x1] =	stream.indirect_vreg.gather [hbm4b:s7+s2], $0x80, v4, vm0, $0xb8;
	[tilespmem:$0xC800] =	vst v63  }
0x4f: {  	_ = 	snop  }
0x50: {  	[tilespmem:s22], [sflag:$0x1] =	stream.indirect_vreg.gather [hbm4b:s8+s2], $0x80, v4, vm1, $0xb8;
	[tilespmem:$0xC800] =	vst v63  }
0x51: {  	_ = 	snop  }
0x52: {  	[tilespmem:s23], [sflag:$0x1] =	stream.indirect_vreg.gather [hbm4b:s3+s2], $0x80, v3, vm0, $0xb8;
	[tilespmem:$0xC800] =	vst v63  }
0x53: {  	_ = 	snop  }
0x54: {  	[tilespmem:s24], [sflag:$0x1] =	stream.indirect_vreg.gather [hbm4b:s6+s2], $0x80, v3, vm0, $0xb8;
	[tilespmem:$0xC800] =	vst v63  }
0x55: {  	_ = 	snop  }
0x56: {  	[tilespmem:s25], [sflag:$0x1] =	stream.indirect_vreg.gather [hbm4b:s7+s2], $0x80, v3, vm0, $0xb8;
	[tilespmem:$0xC800] =	vst v63  }
0x57: {  	_ = 	snop  }
0x58: {  	[tilespmem:s26], [sflag:$0x1] =	stream.indirect_vreg.gather [hbm4b:s8+s2], $0x80, v3, vm1, $0xb8;
	[tilespmem:$0xC800] =	vst v63  }
0x59: {  	v3 =	vld.msk [tilespmem:s13+$0x20], $0xff;
	_ =	sdelay $0x4  }
0x5a: {  	v63 =	vshrl.u32 v3, $0x3  }
0x5b: {  	v4 =	vmul.u32 $0x38, v63  }
0x5c: {  	v3 =	vand.u32 $0x7, v3  }
0x5d: {  	v3 =	vor.u32 v3, v4  }
0x5e: {  	v3 =	vperm.xlane v3, v0;
	_ =	sdelay $0x1  }
0x5f: {  	v3 =	vadd.s32 v1, v3;
	_ =	sdelay $0x4  }
0x60: {  	[tilespmem:s28], [sflag:$0x1] =	stream.indirect_vreg.gather [hbm4b:s3+s2], $0x80, v3, vm0, $0xb8;
	[tilespmem:$0xC800] =	vst v63  }
0x61: {  	_ = 	snop  }
0x62: {  	[tilespmem:s29], [sflag:$0x1] =	stream.indirect_vreg.gather [hbm4b:s6+s2], $0x80, v3, vm0, $0xb8;
	[tilespmem:$0xC800] =	vst v63  }
0x63: {  	_ = 	snop  }
0x64: {  	[tilespmem:s30], [sflag:$0x1] =	stream.indirect_vreg.gather [hbm4b:s7+s2], $0x80, v3, vm0, $0xb8;
	[tilespmem:$0xC800] =	vst v63  }
0x65: {  	_ = 	snop  }
0x66: {  	[tilespmem:s31], [sflag:$0x1] =	stream.indirect_vreg.gather [hbm4b:s8+s2], $0x80, v3, vm1, $0xb8;
	[tilespmem:$0xC800] =	vst v63  }
0x67: {  	_ =	swait.ge [sflag:s15], $0x8C00  }
0x68: {  	p0 =	sne.s32 s4, $0x4D80;
	[sflag:s15] =	ssyncset.done $0x0  }
.Ltmp0:
0x69: {  	[sflag:s15] =	ssyncadd.s32 $0xFFFF7400;
	(pc) =	sbr.rel @p0 .LBB2_2-.Ltmp0, $4  }
0x6a: {  	[hbm4b:s10+s2] =	stream.linear.scatter [tilespmem:s16], [sflag:$0x2], $0x8C00, $0x38;
	[tilespmem:$0xC800] =	vst v63  }
0x6b: {  	_ =	swait.ge [sflag:s12], $0x8C00  }
0x6c: {  	s4 =	sadd.s32 $0xA0, s4;
	[sflag:s12] =	ssyncset.done $0x0  }
0x6d: {  	s11 =	sadd.s32 $0x280, s11;
	s10 =	sadd.s32 $0x1180, s10;
	[sflag:s12] =	ssyncadd.s32 $0xFFFF7400  }
0x6e: {  	s1 =	sadd.s32 $0x1, s1;
	s0 =	rddreg [dreg:$0xc]  }
0x6f: {  	p0 =	sne.s32 s1, s0  }
.Ltmp1:
0x70: {  	_ = 	snop;
	(pc) =	sbr.rel @p0 .LBB2_1-.Ltmp1, $1  }
0x71: {  	_ =	sdelay $0x3  }
0x72: {  	_ =	sfence.sel $0x180000  }
0x73: {  	[bflag:$0x0] =	sbarrier.arrive $0xFFFF  }
0x74: {  	_ =	strace $0x90000047  }
0x75: {  	s0 =	stileid.u32;
	[bflag:$0x2] =	sbarrier.arrive $0xFFFF  }
0x76: {  	p0 =	sne.s32 s0, $0x0;
	s0 =	rddreg [dreg:$0x2]  }
0x77: {  	s0 =	sadd.s32 @!p0 $0x100000, s0  }
0x78: {  	[sflag:s0] =	ssyncadd.tile.s32 @!p0 $0x1;
	_ =	shalt  }
.Lfunc_end2:
_tile_overlayer_lowered:
.L_overlay_start_2:
0x79: {  	(tag) =	ssettag $0x2  }
0x7a: {  	s0 =	rddreg [dreg:$0x0];
	s2 =	stileid.u32  }
0x7b: {  	s1 =	rddreg [dreg:$0x1];
	p0 =	sne.s32 s2, $0x0  }
0x7c: {  	s3 =	rddreg [dreg:$0x2];
	[bflag:$0x3] =	sbarrier.arrive $0xFFFF;
	s2 =	simm.s32 @!p0 $0x1C02  }
0x7d: {  	[timem:s3], [sflag:s2] =	dma.local @!p0 [hbm:s0], s1  }
0x7e: {  	s0 =	simm.s32 @!p0 $0x2  }
0x7f: {  	_ =	swait.ge @!p0 [sflag:s0], s1  }
0x80: {  	s1 =	ssub.s32 @!p0 $0x0, s1;
	[sflag:s0] =	ssyncset.done @!p0 $0x0  }
0x81: {  	[sflag:s0] =	ssyncadd.s32 @!p0 s1  }
0x82: {  	[bflag:$0x3] =	sbarrier.arrive $0xFFFF  }
0x83: {  	_ =	shalt  }

</sc_bundles>
